<compile_context>
chip_gen: v7x
topology: tpu7x:2x2x1
jax: 0.10.2.dev20260603
libtpu: 0.0.44.dev20260713+nightly
codegen_flags: <defaults>
</compile_context>

<pallas_src>
import functools

import jax
import jax.numpy as jnp
from jax import lax
from jax.experimental import pallas as pl
from jax.experimental.pallas import tpu as pltpu
from jax.experimental.pallas import tpu_sc as plsc

NCLASS = 21
H = 512
W = 512
NPIX = H * W
NBATCH = 4
NPAIRS = NBATCH * NCLASS
B_BINS = 1024
SUBHIST = 2 * B_BINS
LANES = 16
HIST_WORDS = LANES * SUBHIST
NWORKERS = 32
CHUNK = 32768
NCHUNK = NPIX // CHUNK
ROWS_A = 64
ROWS_B = 128
OUT_ROWS = NPIX // 128


def _logz_body(lg_ref, q_ref):
    lg = lg_ref[0]
    m = jnp.max(lg, axis=0)
    s = jnp.sum(jnp.exp(lg - m[None]), axis=0)
    q_ref[0] = m + jnp.log(s)


def _logz(logits):
    return pl.pallas_call(
        _logz_body,
        grid=(NBATCH, H // ROWS_A),
        in_specs=[
            pl.BlockSpec((1, NCLASS, ROWS_A, W), lambda b, r: (b, 0, r, 0)),
        ],
        out_specs=pl.BlockSpec((1, ROWS_A, W), lambda b, r: (b, r, 0)),
        out_shape=jax.ShapeDtypeStruct((NBATCH, H, W), jnp.float32),
    )(logits)


def _binidx_body(lg_ref, q_ref, tg_ref, out_ref):
    c = pl.program_id(1)
    k = pl.program_id(2)
    l = lg_ref[0, 0]
    q = q_ref[0, pl.ds(k * ROWS_B, ROWS_B), :]
    t = tg_ref[0, pl.ds(k * ROWS_B, ROWS_B), :]
    p = jnp.exp(l - q)
    fg = t == c
    e = jnp.where(fg, 1.0 - p, p)
    binv = jnp.minimum((e * B_BINS).astype(jnp.int32), B_BINS - 1)
    lane = lax.broadcasted_iota(jnp.int32, l.shape, 1) % LANES
    idx = lane * SUBHIST + jnp.where(fg, B_BINS, 0) + binv
    for j in range(W // 128):
        out_ref[0, pl.ds(j * ROWS_B, ROWS_B), :] = idx[:, j * 128:(j + 1) * 128]


def _binidx(logits, q, target):
    blk_rows = ROWS_B * W // 128
    return pl.pallas_call(
        _binidx_body,
        grid=(NBATCH, NCLASS, H // ROWS_B),
        in_specs=[
            pl.BlockSpec((1, 1, ROWS_B, W), lambda b, c, k: (b, c, k, 0)),
            pl.BlockSpec((1, H, W), lambda b, c, k: (b, 0, 0)),
            pl.BlockSpec((1, H, W), lambda b, c, k: (b, 0, 0)),
        ],
        out_specs=pl.BlockSpec(
            (1, blk_rows, 128), lambda b, c, k: (c, b * (H // ROWS_B) + k, 0)),
        out_shape=jax.ShapeDtypeStruct(
            (NCLASS, NBATCH * OUT_ROWS, 128), jnp.int32),
    )(logits, q, target)


def _sc_hist_body(idx_hbm, out_hbm, buf0, buf1, hist, merged, sem0, sem1):
    wid = lax.axis_index("s") * 2 + lax.axis_index("c")
    zeros16 = jnp.zeros((LANES,), jnp.float32)
    ones16 = jnp.ones((LANES,), jnp.float32)
    bufs = (buf0, buf1)
    sems = (sem0, sem1)

    def process_pair(pair):
        @plsc.parallel_loop(0, HIST_WORDS // LANES, unroll=8)
        def _(i):
            hist[pl.ds(i * LANES, LANES)] = zeros16

        base = pair * NPIX
        pending = pltpu.async_copy(
            idx_hbm.at[pl.ds(base, CHUNK)], bufs[0], sems[0])
        for k in range(NCHUNK):
            pending.wait()
            if k + 1 < NCHUNK:
                nxt = pltpu.async_copy(
                    idx_hbm.at[pl.ds(base + (k + 1) * CHUNK, CHUNK)],
                    bufs[(k + 1) % 2], sems[(k + 1) % 2])
            cur = bufs[k % 2]

            @plsc.parallel_loop(0, CHUNK // LANES, unroll=8)
            def _(i):
                idxv = cur[pl.ds(i * LANES, LANES)]
                plsc.addupdate_scatter(hist, [idxv], ones16)

            if k + 1 < NCHUNK:
                pending = nxt

        @plsc.parallel_loop(0, SUBHIST // LANES, unroll=2)
        def _(j):
            acc = hist[pl.ds(j * LANES, LANES)]
            for l in range(1, LANES):
                acc = acc + hist[pl.ds(l * SUBHIST + j * LANES, LANES)]
            merged[pl.ds(j * LANES, LANES)] = acc

        pltpu.sync_copy(merged, out_hbm.at[pl.ds(pair * SUBHIST, SUBHIST)])

    for rep in range(3):
        pair = wid + rep * NWORKERS

        @pl.when(pair < NPAIRS)
        def _():
            process_pair(pair)


@functools.cache
def _sc_hist():
    return pl.kernel(
        _sc_hist_body,
        out_type=jax.ShapeDtypeStruct((NPAIRS * SUBHIST,), jnp.float32),
        mesh=plsc.VectorSubcoreMesh(core_axis_name="c", subcore_axis_name="s"),
        compiler_params=pltpu.CompilerParams(needs_layout_passes=False),
        scratch_types=[
            pltpu.VMEM((CHUNK,), jnp.int32),
            pltpu.VMEM((CHUNK,), jnp.int32),
            pltpu.VMEM((HIST_WORDS,), jnp.float32),
            pltpu.VMEM((SUBHIST,), jnp.float32),
            pltpu.SemaphoreType.DMA,
            pltpu.SemaphoreType.DMA,
        ],
    )


def _finalize_body(h_ref, out_ref):
    hist = h_ref[...]
    h_bg = hist[:, :B_BINS]
    h_fg = hist[:, B_BINS:]
    h_all = h_bg + h_fg
    r = lax.broadcasted_iota(jnp.int32, (B_BINS, B_BINS), 0)
    c = lax.broadcasted_iota(jnp.int32, (B_BINS, B_BINS), 1)
    tri = (r >= c).astype(jnp.float32)
    n_cnt = jnp.dot(h_all, tri, preferred_element_type=jnp.float32)
    f_cnt = jnp.dot(h_fg, tri, preferred_element_type=jnp.float32)
    g = f_cnt[:, 0:1]
    jac = 1.0 - (g - f_cnt) / jnp.maximum(g + n_cnt - f_cnt, 1.0)
    loss = (jnp.sum(jac, axis=1) - 0.5 * jac[:, 0]) * (1.0 / B_BINS)
    present = (g[:, 0] > 0.0).astype(jnp.float32)
    lossm = loss * present
    rowb = lax.broadcasted_iota(jnp.int32, (NPAIRS, NBATCH), 0) % NBATCH
    colb = lax.broadcasted_iota(jnp.int32, (NPAIRS, NBATCH), 1)
    onehot = (rowb == colb).astype(jnp.float32)
    lb = jnp.sum(lossm[:, None] * onehot, axis=0)
    cb = jnp.sum(present[:, None] * onehot, axis=0)
    batch = jnp.where(cb > 0.0, lb / jnp.maximum(cb, 1.0), 0.0)
    out_ref[...] = jnp.mean(batch)[None, None]


def _finalize(hist):
    return pl.pallas_call(
        _finalize_body,
        out_shape=jax.ShapeDtypeStruct((1, 1), jnp.float32),
    )(hist)


def kernel(logits, target):
    q = _logz(logits)
    idx = _binidx(logits, q, target)
    hist = _sc_hist()(idx.reshape(NPAIRS * NPIX))
    out = _finalize(hist.reshape(NPAIRS, SUBHIST))
    return out[0, 0]

# --- scband reference (transcript-rebuilt; emitter-appended) ---
"""Pipeline reference for scband-lovasz-softmax-loss-13529146982494 (READ-ONLY COPY).

The authoritative reference and input builder live on the scoring server;
editing this copy changes nothing except your own understanding.
"""

import jax, jax.numpy as jnp
import numpy as np

IGNORE_INDEX = 255
LOSS_WEIGHT = 1.0


def _lovasz_grad(sorted_gt):
    n = sorted_gt.shape[0]
    gts = sorted_gt.sum()
    intersection = gts - jnp.cumsum(sorted_gt, 0)
    union = gts + jnp.cumsum(1.0 - sorted_gt, 0)
    jaccard = 1.0 - intersection / union
    if n > 1:
        jaccard = jnp.concatenate([jaccard[:1], jaccard[1:] - jaccard[:-1]])
    return jaccard


def _lovasz_softmax_flat(prob, lab):
    valid = lab != IGNORE_INDEX
    valid_f = valid.astype(jnp.float32)
    class_losses = []
    present_flags = []
    n_classes = prob.shape[1]
    for c in range(n_classes):
        fg = jnp.where(valid, lab == c, False).astype(jnp.float32)
        present = (fg.sum() > 0).astype(jnp.float32)
        errors = jnp.abs(fg - prob[:, c])
        keys = jnp.where(valid, errors, -1.0)
        perm = jnp.argsort(-keys)
        errors_sorted = errors[perm]
        fg_sorted = fg[perm]
        valid_sorted = valid_f[perm]
        class_losses.append(
            jnp.dot(errors_sorted * valid_sorted, _lovasz_grad(fg_sorted))
        )
        present_flags.append(present)
    losses = jnp.stack(class_losses)
    flags = jnp.stack(present_flags)
    count = flags.sum()
    total = (losses * flags).sum()
    return jnp.where(count > 0, total / jnp.maximum(count, 1.0), (prob * 0.0).sum())


def setup_inputs(seed: int = 0):
    key = jax.random.key(seed)
    k1, k2 = jax.random.split(key)
    logits = jax.random.normal(k1, (4, 21, 512, 512), dtype=jnp.float32)
    target = jax.random.randint(k2, (4, 512, 512), 0, 21, dtype=jnp.int32)
    return {"logits": logits, "target": target}


def reference(logits, target):
    probs = jax.nn.softmax(logits, axis=1)
    n_classes = logits.shape[1]
    losses = []
    for b in range(logits.shape[0]):
        prob_flat = jnp.transpose(probs[b], (1, 2, 0)).reshape(-1, n_classes)
        lab_flat = target[b].reshape(-1)
        losses.append(_lovasz_softmax_flat(prob_flat, lab_flat))
    return LOSS_WEIGHT * jnp.mean(jnp.stack(losses))

if __name__ == "__main__":
    import jax
    _d = setup_inputs()
    print(jax.jit(kernel)(*tuple(_d.values())))

</pallas_src>

<mosaic_0001>
#map = affine_map<(d0, d1) -> (0)>
module attributes {stable_mosaic.version = 14 : i64} {
  func.func @_sc_hist_body(%arg0: i32, %arg1: i32, %arg2: memref<22020096xi32, #tpu.memory_space<hbm>>, %arg3: memref<172032xf32, #tpu.memory_space<hbm>>, %arg4: memref<32768xi32, #tpu.memory_space<vmem>>, %arg5: memref<32768xi32, #tpu.memory_space<vmem>>, %arg6: memref<32768xf32, #tpu.memory_space<vmem>>, %arg7: memref<2048xf32, #tpu.memory_space<vmem>>, %arg8: memref<!tpu.dma_semaphore, #tpu.memory_space<semaphore_mem>>, %arg9: memref<!tpu.dma_semaphore, #tpu.memory_space<semaphore_mem>>) attributes {dimension_semantics = [#tpu.dimension_semantics<core_parallel>, #tpu.dimension_semantics<subcore_parallel>], iteration_bounds = array<i64: 2, 16>, scalar_prefetch = 0 : i64, scratch_operands = 6 : i64, tpu.core_type = #tpu.core_type<sc_vector_subcore>, window_params = [{transform_indices = #map}, {transform_indices = #map}]} {
    %mul3A = arith.constant 2 : i32
    %mul3A_0 = arith.muli %arg1, %mul3A : i32
    %add3A = arith.addi %mul3A_0, %arg0 : i32
    %broadcast_in_dim3A = arith.constant 0.000000e+00 : f32
    %broadcast_in_dim3A_1 = vector.broadcast %broadcast_in_dim3A : f32 to vector<16xf32>
    %broadcast_in_dim3A_2 = arith.constant 1.000000e+00 : f32
    %broadcast_in_dim3A_3 = vector.broadcast %broadcast_in_dim3A_2 : f32 to vector<16xf32>
    %add3A_4 = arith.constant 0 : i32
    %add3A_5 = arith.addi %add3A, %add3A_4 : i32
    %lt3A = arith.constant 84 : i32
    %lt3A_6 = arith.cmpi slt, %add3A_5, %lt3A : i32
    %convert_element_type3A = arith.extui %lt3A_6 : i1 to i32
    %cond3A = arith.constant 0 : i32
    %cond3A_7 = arith.cmpi ne, %convert_element_type3A, %cond3A : i32
    scf.if %cond3A_7 {
      %parallel_loop3A = arith.constant 0 : i32
      %parallel_loop3A_22 = arith.constant 2048 : i32
      %parallel_loop3A_23 = arith.constant 1 : i32
      scf.for %parallel_loop3A_99 = %parallel_loop3A to %parallel_loop3A_22 step %parallel_loop3A_23  : i32 {
        %parallel_loop3A_100 = arith.constant 16 : i32
        %parallel_loop3A_101 = arith.muli %parallel_loop3A_99, %parallel_loop3A_100 : i32
        %parallel_loop3A_102 = arith.index_cast %parallel_loop3A_101 : i32 to index
        %parallel_loop3A_103 = tpu.vector_load %arg6[%parallel_loop3A_102] {strides = array<i32>} : memref<32768xf32, #tpu.memory_space<vmem>>, vector<16xf32>,
        tpu.vector_store %arg6[%parallel_loop3A_102], %broadcast_in_dim3A_1 {strides = array<i32>} : memref<32768xf32, #tpu.memory_space<vmem>>, vector<16xf32>,
      } {sc.loop_unroll_factor = 8 : i64, sc.parallel_access}
      %mul3A_24 = arith.constant 262144 : i32
      %mul3A_25 = arith.muli %add3A_5, %mul3A_24 : i32
      %dma_start3A = tpu.memref_slice %arg2[%mul3A_25] : memref<22020096xi32, #tpu.memory_space<hbm>> -> memref<32768xi32, #tpu.memory_space<hbm>>
      %dma_start3A_26 = tpu.memref_slice %arg2[%mul3A_25] : memref<22020096xi32, #tpu.memory_space<hbm>> -> memref<32768xi32, #tpu.memory_space<hbm>>
      tpu.enqueue_dma source(%dma_start3A_26 : memref<32768xi32, #tpu.memory_space<hbm>>) target(%arg4 : memref<32768xi32, #tpu.memory_space<vmem>>) target_semaphore(%arg8 : memref<!tpu.dma_semaphore, #tpu.memory_space<semaphore_mem>>)
      %dma_wait3A = tpu.memref_slice %arg2[%mul3A_25] : memref<22020096xi32, #tpu.memory_space<hbm>> -> memref<32768xi32, #tpu.memory_space<hbm>>
      %dma_wait3A_27 = tpu.memref_slice %arg2[%mul3A_25] : memref<22020096xi32, #tpu.memory_space<hbm>> -> memref<32768xi32, #tpu.memory_space<hbm>>
      tpu.wait_dma2 semaphore(%arg8 : memref<!tpu.dma_semaphore, #tpu.memory_space<semaphore_mem>>) src(%dma_wait3A_27 : memref<32768xi32, #tpu.memory_space<hbm>>) dst(%arg4 : memref<32768xi32, #tpu.memory_space<vmem>>)
      %add3A_28 = arith.constant 32768 : i32
      %add3A_29 = arith.addi %mul3A_25, %add3A_28 : i32
      %dma_start3A_30 = tpu.memref_slice %arg2[%add3A_29] : memref<22020096xi32, #tpu.memory_space<hbm>> -> memref<32768xi32, #tpu.memory_space<hbm>>
      %dma_start3A_31 = tpu.memref_slice %arg2[%add3A_29] : memref<22020096xi32, #tpu.memory_space<hbm>> -> memref<32768xi32, #tpu.memory_space<hbm>>
      tpu.enqueue_dma source(%dma_start3A_31 : memref<32768xi32, #tpu.memory_space<hbm>>) target(%arg5 : memref<32768xi32, #tpu.memory_space<vmem>>) target_semaphore(%arg9 : memref<!tpu.dma_semaphore, #tpu.memory_space<semaphore_mem>>)
      %parallel_loop3A_32 = arith.constant 0 : i32
      %parallel_loop3A_33 = arith.constant 2048 : i32
      %parallel_loop3A_34 = arith.constant 1 : i32
      scf.for %parallel_loop3A_99 = %parallel_loop3A_32 to %parallel_loop3A_33 step %parallel_loop3A_34  : i32 {
        %parallel_loop3A_100 = arith.constant 16 : i32
        %parallel_loop3A_101 = arith.muli %parallel_loop3A_99, %parallel_loop3A_100 : i32
        %parallel_loop3A_102 = arith.index_cast %parallel_loop3A_101 : i32 to index
        %parallel_loop3A_103 = tpu.vector_load %arg4[%parallel_loop3A_102] {strides = array<i32>} : memref<32768xi32, #tpu.memory_space<vmem>>, vector<16xi32>,
        tpu.vector_store_idx %arg6[%parallel_loop3A_103], %broadcast_in_dim3A_3 {add = true} : memref<32768xf32, #tpu.memory_space<vmem>>[vector<16xi32>], vector<16xf32>,
      } {sc.loop_unroll_factor = 8 : i64, sc.parallel_access}
      %dma_wait3A_35 = tpu.memref_slice %arg2[%add3A_29] : memref<22020096xi32, #tpu.memory_space<hbm>> -> memref<32768xi32, #tpu.memory_space<hbm>>
      %dma_wait3A_36 = tpu.memref_slice %arg2[%add3A_29] : memref<22020096xi32, #tpu.memory_space<hbm>> -> memref<32768xi32, #tpu.memory_space<hbm>>
      tpu.wait_dma2 semaphore(%arg9 : memref<!tpu.dma_semaphore, #tpu.memory_space<semaphore_mem>>) src(%dma_wait3A_36 : memref<32768xi32, #tpu.memory_space<hbm>>) dst(%arg5 : memref<32768xi32, #tpu.memory_space<vmem>>)
      %add3A_37 = arith.constant 65536 : i32
      %add3A_38 = arith.addi %mul3A_25, %add3A_37 : i32
      %dma_start3A_39 = tpu.memref_slice %arg2[%add3A_38] : memref<22020096xi32, #tpu.memory_space<hbm>> -> memref<32768xi32, #tpu.memory_space<hbm>>
      %dma_start3A_40 = tpu.memref_slice %arg2[%add3A_38] : memref<22020096xi32, #tpu.memory_space<hbm>> -> memref<32768xi32, #tpu.memory_space<hbm>>
      tpu.enqueue_dma source(%dma_start3A_40 : memref<32768xi32, #tpu.memory_space<hbm>>) target(%arg4 : memref<32768xi32, #tpu.memory_space<vmem>>) target_semaphore(%arg8 : memref<!tpu.dma_semaphore, #tpu.memory_space<semaphore_mem>>)
      %parallel_loop3A_41 = arith.constant 0 : i32
      %parallel_loop3A_42 = arith.constant 2048 : i32
      %parallel_loop3A_43 = arith.constant 1 : i32
      scf.for %parallel_loop3A_99 = %parallel_loop3A_41 to %parallel_loop3A_42 step %parallel_loop3A_43  : i32 {
        %parallel_loop3A_100 = arith.constant 16 : i32
        %parallel_loop3A_101 = arith.muli %parallel_loop3A_99, %parallel_loop3A_100 : i32
        %parallel_loop3A_102 = arith.index_cast %parallel_loop3A_101 : i32 to index
        %parallel_loop3A_103 = tpu.vector_load %arg5[%parallel_loop3A_102] {strides = array<i32>} : memref<32768xi32, #tpu.memory_space<vmem>>, vector<16xi32>,
        tpu.vector_store_idx %arg6[%parallel_loop3A_103], %broadcast_in_dim3A_3 {add = true} : memref<32768xf32, #tpu.memory_space<vmem>>[vector<16xi32>], vector<16xf32>,
      } {sc.loop_unroll_factor = 8 : i64, sc.parallel_access}
      %dma_wait3A_44 = tpu.memref_slice %arg2[%add3A_38] : memref<22020096xi32, #tpu.memory_space<hbm>> -> memref<32768xi32, #tpu.memory_space<hbm>>
      %dma_wait3A_45 = tpu.memref_slice %arg2[%add3A_38] : memref<22020096xi32, #tpu.memory_space<hbm>> -> memref<32768xi32, #tpu.memory_space<hbm>>
      tpu.wait_dma2 semaphore(%arg8 : memref<!tpu.dma_semaphore, #tpu.memory_space<semaphore_mem>>) src(%dma_wait3A_45 : memref<32768xi32, #tpu.memory_space<hbm>>) dst(%arg4 : memref<32768xi32, #tpu.memory_space<vmem>>)
      %add3A_46 = arith.constant 98304 : i32
      %add3A_47 = arith.addi %mul3A_25, %add3A_46 : i32
      %dma_start3A_48 = tpu.memref_slice %arg2[%add3A_47] : memref<22020096xi32, #tpu.memory_space<hbm>> -> memref<32768xi32, #tpu.memory_space<hbm>>
      %dma_start3A_49 = tpu.memref_slice %arg2[%add3A_47] : memref<22020096xi32, #tpu.memory_space<hbm>> -> memref<32768xi32, #tpu.memory_space<hbm>>
      tpu.enqueue_dma source(%dma_start3A_49 : memref<32768xi32, #tpu.memory_space<hbm>>) target(%arg5 : memref<32768xi32, #tpu.memory_space<vmem>>) target_semaphore(%arg9 : memref<!tpu.dma_semaphore, #tpu.memory_space<semaphore_mem>>)
      %parallel_loop3A_50 = arith.constant 0 : i32
      %parallel_loop3A_51 = arith.constant 2048 : i32
      %parallel_loop3A_52 = arith.constant 1 : i32
      scf.for %parallel_loop3A_99 = %parallel_loop3A_50 to %parallel_loop3A_51 step %parallel_loop3A_52  : i32 {
        %parallel_loop3A_100 = arith.constant 16 : i32
        %parallel_loop3A_101 = arith.muli %parallel_loop3A_99, %parallel_loop3A_100 : i32
        %parallel_loop3A_102 = arith.index_cast %parallel_loop3A_101 : i32 to index
        %parallel_loop3A_103 = tpu.vector_load %arg4[%parallel_loop3A_102] {strides = array<i32>} : memref<32768xi32, #tpu.memory_space<vmem>>, vector<16xi32>,
        tpu.vector_store_idx %arg6[%parallel_loop3A_103], %broadcast_in_dim3A_3 {add = true} : memref<32768xf32, #tpu.memory_space<vmem>>[vector<16xi32>], vector<16xf32>,
      } {sc.loop_unroll_factor = 8 : i64, sc.parallel_access}
      %dma_wait3A_53 = tpu.memref_slice %arg2[%add3A_47] : memref<22020096xi32, #tpu.memory_space<hbm>> -> memref<32768xi32, #tpu.memory_space<hbm>>
      %dma_wait3A_54 = tpu.memref_slice %arg2[%add3A_47] : memref<22020096xi32, #tpu.memory_space<hbm>> -> memref<32768xi32, #tpu.memory_space<hbm>>
      tpu.wait_dma2 semaphore(%arg9 : memref<!tpu.dma_semaphore, #tpu.memory_space<semaphore_mem>>) src(%dma_wait3A_54 : memref<32768xi32, #tpu.memory_space<hbm>>) dst(%arg5 : memref<32768xi32, #tpu.memory_space<vmem>>)
      %add3A_55 = arith.constant 131072 : i32
      %add3A_56 = arith.addi %mul3A_25, %add3A_55 : i32
      %dma_start3A_57 = tpu.memref_slice %arg2[%add3A_56] : memref<22020096xi32, #tpu.memory_space<hbm>> -> memref<32768xi32, #tpu.memory_space<hbm>>
      %dma_start3A_58 = tpu.memref_slice %arg2[%add3A_56] : memref<22020096xi32, #tpu.memory_space<hbm>> -> memref<32768xi32, #tpu.memory_space<hbm>>
      tpu.enqueue_dma source(%dma_start3A_58 : memref<32768xi32, #tpu.memory_space<hbm>>) target(%arg4 : memref<32768xi32, #tpu.memory_space<vmem>>) target_semaphore(%arg8 : memref<!tpu.dma_semaphore, #tpu.memory_space<semaphore_mem>>)
      %parallel_loop3A_59 = arith.constant 0 : i32
      %parallel_loop3A_60 = arith.constant 2048 : i32
      %parallel_loop3A_61 = arith.constant 1 : i32
      scf.for %parallel_loop3A_99 = %parallel_loop3A_59 to %parallel_loop3A_60 step %parallel_loop3A_61  : i32 {
        %parallel_loop3A_100 = arith.constant 16 : i32
        %parallel_loop3A_101 = arith.muli %parallel_loop3A_99, %parallel_loop3A_100 : i32
        %parallel_loop3A_102 = arith.index_cast %parallel_loop3A_101 : i32 to index
        %parallel_loop3A_103 = tpu.vector_load %arg5[%parallel_loop3A_102] {strides = array<i32>} : memref<32768xi32, #tpu.memory_space<vmem>>, vector<16xi32>,
        tpu.vector_store_idx %arg6[%parallel_loop3A_103], %broadcast_in_dim3A_3 {add = true} : memref<32768xf32, #tpu.memory_space<vmem>>[vector<16xi32>], vector<16xf32>,
      } {sc.loop_unroll_factor = 8 : i64, sc.parallel_access}
      %dma_wait3A_62 = tpu.memref_slice %arg2[%add3A_56] : memref<22020096xi32, #tpu.memory_space<hbm>> -> memref<32768xi32, #tpu.memory_space<hbm>>
      %dma_wait3A_63 = tpu.memref_slice %arg2[%add3A_56] : memref<22020096xi32, #tpu.memory_space<hbm>> -> memref<32768xi32, #tpu.memory_space<hbm>>
      tpu.wait_dma2 semaphore(%arg8 : memref<!tpu.dma_semaphore, #tpu.memory_space<semaphore_mem>>) src(%dma_wait3A_63 : memref<32768xi32, #tpu.memory_space<hbm>>) dst(%arg4 : memref<32768xi32, #tpu.memory_space<vmem>>)
      %add3A_64 = arith.constant 163840 : i32
      %add3A_65 = arith.addi %mul3A_25, %add3A_64 : i32
      %dma_start3A_66 = tpu.memref_slice %arg2[%add3A_65] : memref<22020096xi32, #tpu.memory_space<hbm>> -> memref<32768xi32, #tpu.memory_space<hbm>>
      %dma_start3A_67 = tpu.memref_slice %arg2[%add3A_65] : memref<22020096xi32, #tpu.memory_space<hbm>> -> memref<32768xi32, #tpu.memory_space<hbm>>
      tpu.enqueue_dma source(%dma_start3A_67 : memref<32768xi32, #tpu.memory_space<hbm>>) target(%arg5 : memref<32768xi32, #tpu.memory_space<vmem>>) target_semaphore(%arg9 : memref<!tpu.dma_semaphore, #tpu.memory_space<semaphore_mem>>)
      %parallel_loop3A_68 = arith.constant 0 : i32
      %parallel_loop3A_69 = arith.constant 2048 : i32
      %parallel_loop3A_70 = arith.constant 1 : i32
      scf.for %parallel_loop3A_99 = %parallel_loop3A_68 to %parallel_loop3A_69 step %parallel_loop3A_70  : i32 {
        %parallel_loop3A_100 = arith.constant 16 : i32
        %parallel_loop3A_101 = arith.muli %parallel_loop3A_99, %parallel_loop3A_100 : i32
        %parallel_loop3A_102 = arith.index_cast %parallel_loop3A_101 : i32 to index
        %parallel_loop3A_103 = tpu.vector_load %arg4[%parallel_loop3A_102] {strides = array<i32>} : memref<32768xi32, #tpu.memory_space<vmem>>, vector<16xi32>,
        tpu.vector_store_idx %arg6[%parallel_loop3A_103], %broadcast_in_dim3A_3 {add = true} : memref<32768xf32, #tpu.memory_space<vmem>>[vector<16xi32>], vector<16xf32>,
      } {sc.loop_unroll_factor = 8 : i64, sc.parallel_access}
      %dma_wait3A_71 = tpu.memref_slice %arg2[%add3A_65] : memref<22020096xi32, #tpu.memory_space<hbm>> -> memref<32768xi32, #tpu.memory_space<hbm>>
      %dma_wait3A_72 = tpu.memref_slice %arg2[%add3A_65] : memref<22020096xi32, #tpu.memory_space<hbm>> -> memref<32768xi32, #tpu.memory_space<hbm>>
      tpu.wait_dma2 semaphore(%arg9 : memref<!tpu.dma_semaphore, #tpu.memory_space<semaphore_mem>>) src(%dma_wait3A_72 : memref<32768xi32, #tpu.memory_space<hbm>>) dst(%arg5 : memref<32768xi32, #tpu.memory_space<vmem>>)
      %add3A_73 = arith.constant 196608 : i32
      %add3A_74 = arith.addi %mul3A_25, %add3A_73 : i32
      %dma_start3A_75 = tpu.memref_slice %arg2[%add3A_74] : memref<22020096xi32, #tpu.memory_space<hbm>> -> memref<32768xi32, #tpu.memory_space<hbm>>
      %dma_start3A_76 = tpu.memref_slice %arg2[%add3A_74] : memref<22020096xi32, #tpu.memory_space<hbm>> -> memref<32768xi32, #tpu.memory_space<hbm>>
      tpu.enqueue_dma source(%dma_start3A_76 : memref<32768xi32, #tpu.memory_space<hbm>>) target(%arg4 : memref<32768xi32, #tpu.memory_space<vmem>>) target_semaphore(%arg8 : memref<!tpu.dma_semaphore, #tpu.memory_space<semaphore_mem>>)
      %parallel_loop3A_77 = arith.constant 0 : i32
      %parallel_loop3A_78 = arith.constant 2048 : i32
      %parallel_loop3A_79 = arith.constant 1 : i32
      scf.for %parallel_loop3A_99 = %parallel_loop3A_77 to %parallel_loop3A_78 step %parallel_loop3A_79  : i32 {
        %parallel_loop3A_100 = arith.constant 16 : i32
        %parallel_loop3A_101 = arith.muli %parallel_loop3A_99, %parallel_loop3A_100 : i32
        %parallel_loop3A_102 = arith.index_cast %parallel_loop3A_101 : i32 to index
        %parallel_loop3A_103 = tpu.vector_load %arg5[%parallel_loop3A_102] {strides = array<i32>} : memref<32768xi32, #tpu.memory_space<vmem>>, vector<16xi32>,
        tpu.vector_store_idx %arg6[%parallel_loop3A_103], %broadcast_in_dim3A_3 {add = true} : memref<32768xf32, #tpu.memory_space<vmem>>[vector<16xi32>], vector<16xf32>,
      } {sc.loop_unroll_factor = 8 : i64, sc.parallel_access}
      %dma_wait3A_80 = tpu.memref_slice %arg2[%add3A_74] : memref<22020096xi32, #tpu.memory_space<hbm>> -> memref<32768xi32, #tpu.memory_space<hbm>>
      %dma_wait3A_81 = tpu.memref_slice %arg2[%add3A_74] : memref<22020096xi32, #tpu.memory_space<hbm>> -> memref<32768xi32, #tpu.memory_space<hbm>>
      tpu.wait_dma2 semaphore(%arg8 : memref<!tpu.dma_semaphore, #tpu.memory_space<semaphore_mem>>) src(%dma_wait3A_81 : memref<32768xi32, #tpu.memory_space<hbm>>) dst(%arg4 : memref<32768xi32, #tpu.memory_space<vmem>>)
      %add3A_82 = arith.constant 229376 : i32
      %add3A_83 = arith.addi %mul3A_25, %add3A_82 : i32
      %dma_start3A_84 = tpu.memref_slice %arg2[%add3A_83] : memref<22020096xi32, #tpu.memory_space<hbm>> -> memref<32768xi32, #tpu.memory_space<hbm>>
      %dma_start3A_85 = tpu.memref_slice %arg2[%add3A_83] : memref<22020096xi32, #tpu.memory_space<hbm>> -> memref<32768xi32, #tpu.memory_space<hbm>>
      tpu.enqueue_dma source(%dma_start3A_85 : memref<32768xi32, #tpu.memory_space<hbm>>) target(%arg5 : memref<32768xi32, #tpu.memory_space<vmem>>) target_semaphore(%arg9 : memref<!tpu.dma_semaphore, #tpu.memory_space<semaphore_mem>>)
      %parallel_loop3A_86 = arith.constant 0 : i32
      %parallel_loop3A_87 = arith.constant 2048 : i32
      %parallel_loop3A_88 = arith.constant 1 : i32
      scf.for %parallel_loop3A_99 = %parallel_loop3A_86 to %parallel_loop3A_87 step %parallel_loop3A_88  : i32 {
        %parallel_loop3A_100 = arith.constant 16 : i32
        %parallel_loop3A_101 = arith.muli %parallel_loop3A_99, %parallel_loop3A_100 : i32
        %parallel_loop3A_102 = arith.index_cast %parallel_loop3A_101 : i32 to index
        %parallel_loop3A_103 = tpu.vector_load %arg4[%parallel_loop3A_102] {strides = array<i32>} : memref<32768xi32, #tpu.memory_space<vmem>>, vector<16xi32>,
        tpu.vector_store_idx %arg6[%parallel_loop3A_103], %broadcast_in_dim3A_3 {add = true} : memref<32768xf32, #tpu.memory_space<vmem>>[vector<16xi32>], vector<16xf32>,
      } {sc.loop_unroll_factor = 8 : i64, sc.parallel_access}
      %dma_wait3A_89 = tpu.memref_slice %arg2[%add3A_83] : memref<22020096xi32, #tpu.memory_space<hbm>> -> memref<32768xi32, #tpu.memory_space<hbm>>
      %dma_wait3A_90 = tpu.memref_slice %arg2[%add3A_83] : memref<22020096xi32, #tpu.memory_space<hbm>> -> memref<32768xi32, #tpu.memory_space<hbm>>
      tpu.wait_dma2 semaphore(%arg9 : memref<!tpu.dma_semaphore, #tpu.memory_space<semaphore_mem>>) src(%dma_wait3A_90 : memref<32768xi32, #tpu.memory_space<hbm>>) dst(%arg5 : memref<32768xi32, #tpu.memory_space<vmem>>)
      %parallel_loop3A_91 = arith.constant 0 : i32
      %parallel_loop3A_92 = arith.constant 2048 : i32
      %parallel_loop3A_93 = arith.constant 1 : i32
      scf.for %parallel_loop3A_99 = %parallel_loop3A_91 to %parallel_loop3A_92 step %parallel_loop3A_93  : i32 {
        %parallel_loop3A_100 = arith.constant 16 : i32
        %parallel_loop3A_101 = arith.muli %parallel_loop3A_99, %parallel_loop3A_100 : i32
        %parallel_loop3A_102 = arith.index_cast %parallel_loop3A_101 : i32 to index
        %parallel_loop3A_103 = tpu.vector_load %arg5[%parallel_loop3A_102] {strides = array<i32>} : memref<32768xi32, #tpu.memory_space<vmem>>, vector<16xi32>,
        tpu.vector_store_idx %arg6[%parallel_loop3A_103], %broadcast_in_dim3A_3 {add = true} : memref<32768xf32, #tpu.memory_space<vmem>>[vector<16xi32>], vector<16xf32>,
      } {sc.loop_unroll_factor = 8 : i64, sc.parallel_access}
      %parallel_loop3A_94 = arith.constant 0 : i32
      %parallel_loop3A_95 = arith.constant 128 : i32
      %parallel_loop3A_96 = arith.constant 1 : i32
      scf.for %parallel_loop3A_99 = %parallel_loop3A_94 to %parallel_loop3A_95 step %parallel_loop3A_96  : i32 {
        %parallel_loop3A_100 = arith.constant 16 : i32
        %parallel_loop3A_101 = arith.muli %parallel_loop3A_99, %parallel_loop3A_100 : i32
        %parallel_loop3A_102 = arith.index_cast %parallel_loop3A_101 : i32 to index
        %parallel_loop3A_103 = tpu.vector_load %arg6[%parallel_loop3A_102] {strides = array<i32>} : memref<32768xf32, #tpu.memory_space<vmem>>, vector<16xf32>,
        %parallel_loop3A_104 = arith.constant 16 : i32
        %parallel_loop3A_105 = arith.muli %parallel_loop3A_99, %parallel_loop3A_104 : i32
        %parallel_loop3A_106 = arith.constant 2048 : i32
        %parallel_loop3A_107 = arith.addi %parallel_loop3A_106, %parallel_loop3A_105 : i32
        %parallel_loop3A_108 = arith.index_cast %parallel_loop3A_107 : i32 to index
        %parallel_loop3A_109 = tpu.vector_load %arg6[%parallel_loop3A_108] {strides = array<i32>} : memref<32768xf32, #tpu.memory_space<vmem>>, vector<16xf32>,
        %parallel_loop3A_110 = arith.addf %parallel_loop3A_103, %parallel_loop3A_109 : vector<16xf32>
        %parallel_loop3A_111 = arith.constant 16 : i32
        %parallel_loop3A_112 = arith.muli %parallel_loop3A_99, %parallel_loop3A_111 : i32
        %parallel_loop3A_113 = arith.constant 4096 : i32
        %parallel_loop3A_114 = arith.addi %parallel_loop3A_113, %parallel_loop3A_112 : i32
        %parallel_loop3A_115 = arith.index_cast %parallel_loop3A_114 : i32 to index
        %parallel_loop3A_116 = tpu.vector_load %arg6[%parallel_loop3A_115] {strides = array<i32>} : memref<32768xf32, #tpu.memory_space<vmem>>, vector<16xf32>,
        %parallel_loop3A_117 = arith.addf %parallel_loop3A_110, %parallel_loop3A_116 : vector<16xf32>
        %parallel_loop3A_118 = arith.constant 16 : i32
        %parallel_loop3A_119 = arith.muli %parallel_loop3A_99, %parallel_loop3A_118 : i32
        %parallel_loop3A_120 = arith.constant 6144 : i32
        %parallel_loop3A_121 = arith.addi %parallel_loop3A_120, %parallel_loop3A_119 : i32
        %parallel_loop3A_122 = arith.index_cast %parallel_loop3A_121 : i32 to index
        %parallel_loop3A_123 = tpu.vector_load %arg6[%parallel_loop3A_122] {strides = array<i32>} : memref<32768xf32, #tpu.memory_space<vmem>>, vector<16xf32>,
        %parallel_loop3A_124 = arith.addf %parallel_loop3A_117, %parallel_loop3A_123 : vector<16xf32>
        %parallel_loop3A_125 = arith.constant 16 : i32
        %parallel_loop3A_126 = arith.muli %parallel_loop3A_99, %parallel_loop3A_125 : i32
        %parallel_loop3A_127 = arith.constant 8192 : i32
        %parallel_loop3A_128 = arith.addi %parallel_loop3A_127, %parallel_loop3A_126 : i32
        %parallel_loop3A_129 = arith.index_cast %parallel_loop3A_128 : i32 to index
        %parallel_loop3A_130 = tpu.vector_load %arg6[%parallel_loop3A_129] {strides = array<i32>} : memref<32768xf32, #tpu.memory_space<vmem>>, vector<16xf32>,
        %parallel_loop3A_131 = arith.addf %parallel_loop3A_124, %parallel_loop3A_130 : vector<16xf32>
        %parallel_loop3A_132 = arith.constant 16 : i32
        %parallel_loop3A_133 = arith.muli %parallel_loop3A_99, %parallel_loop3A_132 : i32
        %parallel_loop3A_134 = arith.constant 10240 : i32
        %parallel_loop3A_135 = arith.addi %parallel_loop3A_134, %parallel_loop3A_133 : i32
        %parallel_loop3A_136 = arith.index_cast %parallel_loop3A_135 : i32 to index
        %parallel_loop3A_137 = tpu.vector_load %arg6[%parallel_loop3A_136] {strides = array<i32>} : memref<32768xf32, #tpu.memory_space<vmem>>, vector<16xf32>,
        %parallel_loop3A_138 = arith.addf %parallel_loop3A_131, %parallel_loop3A_137 : vector<16xf32>
        %parallel_loop3A_139 = arith.constant 16 : i32
        %parallel_loop3A_140 = arith.muli %parallel_loop3A_99, %parallel_loop3A_139 : i32
        %parallel_loop3A_141 = arith.constant 12288 : i32
        %parallel_loop3A_142 = arith.addi %parallel_loop3A_141, %parallel_loop3A_140 : i32
        %parallel_loop3A_143 = arith.index_cast %parallel_loop3A_142 : i32 to index
        %parallel_loop3A_144 = tpu.vector_load %arg6[%parallel_loop3A_143] {strides = array<i32>} : memref<32768xf32, #tpu.memory_space<vmem>>, vector<16xf32>,
        %parallel_loop3A_145 = arith.addf %parallel_loop3A_138, %parallel_loop3A_144 : vector<16xf32>
        %parallel_loop3A_146 = arith.constant 16 : i32
        %parallel_loop3A_147 = arith.muli %parallel_loop3A_99, %parallel_loop3A_146 : i32
        %parallel_loop3A_148 = arith.constant 14336 : i32
        %parallel_loop3A_149 = arith.addi %parallel_loop3A_148, %parallel_loop3A_147 : i32
        %parallel_loop3A_150 = arith.index_cast %parallel_loop3A_149 : i32 to index
        %parallel_loop3A_151 = tpu.vector_load %arg6[%parallel_loop3A_150] {strides = array<i32>} : memref<32768xf32, #tpu.memory_space<vmem>>, vector<16xf32>,
        %parallel_loop3A_152 = arith.addf %parallel_loop3A_145, %parallel_loop3A_151 : vector<16xf32>
        %parallel_loop3A_153 = arith.constant 16 : i32
        %parallel_loop3A_154 = arith.muli %parallel_loop3A_99, %parallel_loop3A_153 : i32
        %parallel_loop3A_155 = arith.constant 16384 : i32
        %parallel_loop3A_156 = arith.addi %parallel_loop3A_155, %parallel_loop3A_154 : i32
        %parallel_loop3A_157 = arith.index_cast %parallel_loop3A_156 : i32 to index
        %parallel_loop3A_158 = tpu.vector_load %arg6[%parallel_loop3A_157] {strides = array<i32>} : memref<32768xf32, #tpu.memory_space<vmem>>, vector<16xf32>,
        %parallel_loop3A_159 = arith.addf %parallel_loop3A_152, %parallel_loop3A_158 : vector<16xf32>
        %parallel_loop3A_160 = arith.constant 16 : i32
        %parallel_loop3A_161 = arith.muli %parallel_loop3A_99, %parallel_loop3A_160 : i32
        %parallel_loop3A_162 = arith.constant 18432 : i32
        %parallel_loop3A_163 = arith.addi %parallel_loop3A_162, %parallel_loop3A_161 : i32
        %parallel_loop3A_164 = arith.index_cast %parallel_loop3A_163 : i32 to index
        %parallel_loop3A_165 = tpu.vector_load %arg6[%parallel_loop3A_164] {strides = array<i32>} : memref<32768xf32, #tpu.memory_space<vmem>>, vector<16xf32>,
        %parallel_loop3A_166 = arith.addf %parallel_loop3A_159, %parallel_loop3A_165 : vector<16xf32>
        %parallel_loop3A_167 = arith.constant 16 : i32
        %parallel_loop3A_168 = arith.muli %parallel_loop3A_99, %parallel_loop3A_167 : i32
        %parallel_loop3A_169 = arith.constant 20480 : i32
        %parallel_loop3A_170 = arith.addi %parallel_loop3A_169, %parallel_loop3A_168 : i32
        %parallel_loop3A_171 = arith.index_cast %parallel_loop3A_170 : i32 to index
        %parallel_loop3A_172 = tpu.vector_load %arg6[%parallel_loop3A_171] {strides = array<i32>} : memref<32768xf32, #tpu.memory_space<vmem>>, vector<16xf32>,
        %parallel_loop3A_173 = arith.addf %parallel_loop3A_166, %parallel_loop3A_172 : vector<16xf32>
        %parallel_loop3A_174 = arith.constant 16 : i32
        %parallel_loop3A_175 = arith.muli %parallel_loop3A_99, %parallel_loop3A_174 : i32
        %parallel_loop3A_176 = arith.constant 22528 : i32
        %parallel_loop3A_177 = arith.addi %parallel_loop3A_176, %parallel_loop3A_175 : i32
        %parallel_loop3A_178 = arith.index_cast %parallel_loop3A_177 : i32 to index
        %parallel_loop3A_179 = tpu.vector_load %arg6[%parallel_loop3A_178] {strides = array<i32>} : memref<32768xf32, #tpu.memory_space<vmem>>, vector<16xf32>,
        %parallel_loop3A_180 = arith.addf %parallel_loop3A_173, %parallel_loop3A_179 : vector<16xf32>
        %parallel_loop3A_181 = arith.constant 16 : i32
        %parallel_loop3A_182 = arith.muli %parallel_loop3A_99, %parallel_loop3A_181 : i32
        %parallel_loop3A_183 = arith.constant 24576 : i32
        %parallel_loop3A_184 = arith.addi %parallel_loop3A_183, %parallel_loop3A_182 : i32
        %parallel_loop3A_185 = arith.index_cast %parallel_loop3A_184 : i32 to index
        %parallel_loop3A_186 = tpu.vector_load %arg6[%parallel_loop3A_185] {strides = array<i32>} : memref<32768xf32, #tpu.memory_space<vmem>>, vector<16xf32>,
        %parallel_loop3A_187 = arith.addf %parallel_loop3A_180, %parallel_loop3A_186 : vector<16xf32>
        %parallel_loop3A_188 = arith.constant 16 : i32
        %parallel_loop3A_189 = arith.muli %parallel_loop3A_99, %parallel_loop3A_188 : i32
        %parallel_loop3A_190 = arith.constant 26624 : i32
        %parallel_loop3A_191 = arith.addi %parallel_loop3A_190, %parallel_loop3A_189 : i32
        %parallel_loop3A_192 = arith.index_cast %parallel_loop3A_191 : i32 to index
        %parallel_loop3A_193 = tpu.vector_load %arg6[%parallel_loop3A_192] {strides = array<i32>} : memref<32768xf32, #tpu.memory_space<vmem>>, vector<16xf32>,
        %parallel_loop3A_194 = arith.addf %parallel_loop3A_187, %parallel_loop3A_193 : vector<16xf32>
        %parallel_loop3A_195 = arith.constant 16 : i32
        %parallel_loop3A_196 = arith.muli %parallel_loop3A_99, %parallel_loop3A_195 : i32
        %parallel_loop3A_197 = arith.constant 28672 : i32
        %parallel_loop3A_198 = arith.addi %parallel_loop3A_197, %parallel_loop3A_196 : i32
        %parallel_loop3A_199 = arith.index_cast %parallel_loop3A_198 : i32 to index
        %parallel_loop3A_200 = tpu.vector_load %arg6[%parallel_loop3A_199] {strides = array<i32>} : memref<32768xf32, #tpu.memory_space<vmem>>, vector<16xf32>,
        %parallel_loop3A_201 = arith.addf %parallel_loop3A_194, %parallel_loop3A_200 : vector<16xf32>
        %parallel_loop3A_202 = arith.constant 16 : i32
        %parallel_loop3A_203 = arith.muli %parallel_loop3A_99, %parallel_loop3A_202 : i32
        %parallel_loop3A_204 = arith.constant 30720 : i32
        %parallel_loop3A_205 = arith.addi %parallel_loop3A_204, %parallel_loop3A_203 : i32
        %parallel_loop3A_206 = arith.index_cast %parallel_loop3A_205 : i32 to index
        %parallel_loop3A_207 = tpu.vector_load %arg6[%parallel_loop3A_206] {strides = array<i32>} : memref<32768xf32, #tpu.memory_space<vmem>>, vector<16xf32>,
        %parallel_loop3A_208 = arith.addf %parallel_loop3A_201, %parallel_loop3A_207 : vector<16xf32>
        %parallel_loop3A_209 = arith.constant 16 : i32
        %parallel_loop3A_210 = arith.muli %parallel_loop3A_99, %parallel_loop3A_209 : i32
        %parallel_loop3A_211 = arith.index_cast %parallel_loop3A_210 : i32 to index
        %parallel_loop3A_212 = tpu.vector_load %arg7[%parallel_loop3A_211] {strides = array<i32>} : memref<2048xf32, #tpu.memory_space<vmem>>, vector<16xf32>,
        tpu.vector_store %arg7[%parallel_loop3A_211], %parallel_loop3A_208 {strides = array<i32>} : memref<2048xf32, #tpu.memory_space<vmem>>, vector<16xf32>,
      } {sc.loop_unroll_factor = 2 : i64, sc.parallel_access}
      %mul3A_97 = arith.constant 2048 : i32
      %mul3A_98 = arith.muli %add3A_5, %mul3A_97 : i32
      "tpu.region"() ({
        %run_scoped3A = tpu.sem_alloc : memref<!tpu.dma_semaphore, #tpu.memory_space<semaphore_mem>>
        %dma_start3A_99 = tpu.memref_slice %arg3[%mul3A_98] : memref<172032xf32, #tpu.memory_space<hbm>> -> memref<2048xf32, #tpu.memory_space<hbm>>
        %dma_start3A_100 = tpu.memref_slice %arg3[%mul3A_98] : memref<172032xf32, #tpu.memory_space<hbm>> -> memref<2048xf32, #tpu.memory_space<hbm>>
        tpu.enqueue_dma source(%arg7 : memref<2048xf32, #tpu.memory_space<vmem>>) target(%dma_start3A_100 : memref<2048xf32, #tpu.memory_space<hbm>>) target_semaphore(%run_scoped3A : memref<!tpu.dma_semaphore, #tpu.memory_space<semaphore_mem>>)
        %dma_wait3A_101 = tpu.memref_slice %arg3[%mul3A_98] : memref<172032xf32, #tpu.memory_space<hbm>> -> memref<2048xf32, #tpu.memory_space<hbm>>
        %dma_wait3A_102 = tpu.memref_slice %arg3[%mul3A_98] : memref<172032xf32, #tpu.memory_space<hbm>> -> memref<2048xf32, #tpu.memory_space<hbm>>
        tpu.wait_dma2 semaphore(%run_scoped3A : memref<!tpu.dma_semaphore, #tpu.memory_space<semaphore_mem>>) src(%arg7 : memref<2048xf32, #tpu.memory_space<vmem>>) dst(%dma_wait3A_102 : memref<2048xf32, #tpu.memory_space<hbm>>)
        tpu.yield
      }) : () -> ()
    } else {
    }
    %add3A_8 = arith.constant 32 : i32
    %add3A_9 = arith.addi %add3A, %add3A_8 : i32
    %lt3A_10 = arith.constant 84 : i32
    %lt3A_11 = arith.cmpi slt, %add3A_9, %lt3A_10 : i32
    %convert_element_type3A_12 = arith.extui %lt3A_11 : i1 to i32
    %cond3A_13 = arith.constant 0 : i32
    %cond3A_14 = arith.cmpi ne, %convert_element_type3A_12, %cond3A_13 : i32
    scf.if %cond3A_14 {
      %parallel_loop3A = arith.constant 0 : i32
      %parallel_loop3A_22 = arith.constant 2048 : i32
      %parallel_loop3A_23 = arith.constant 1 : i32
      scf.for %parallel_loop3A_99 = %parallel_loop3A to %parallel_loop3A_22 step %parallel_loop3A_23  : i32 {
        %parallel_loop3A_100 = arith.constant 16 : i32
        %parallel_loop3A_101 = arith.muli %parallel_loop3A_99, %parallel_loop3A_100 : i32
        %parallel_loop3A_102 = arith.index_cast %parallel_loop3A_101 : i32 to index
        %parallel_loop3A_103 = tpu.vector_load %arg6[%parallel_loop3A_102] {strides = array<i32>} : memref<32768xf32, #tpu.memory_space<vmem>>, vector<16xf32>,
        tpu.vector_store %arg6[%parallel_loop3A_102], %broadcast_in_dim3A_1 {strides = array<i32>} : memref<32768xf32, #tpu.memory_space<vmem>>, vector<16xf32>,
      } {sc.loop_unroll_factor = 8 : i64, sc.parallel_access}
      %mul3A_24 = arith.constant 262144 : i32
      %mul3A_25 = arith.muli %add3A_9, %mul3A_24 : i32
      %dma_start3A = tpu.memref_slice %arg2[%mul3A_25] : memref<22020096xi32, #tpu.memory_space<hbm>> -> memref<32768xi32, #tpu.memory_space<hbm>>
      %dma_start3A_26 = tpu.memref_slice %arg2[%mul3A_25] : memref<22020096xi32, #tpu.memory_space<hbm>> -> memref<32768xi32, #tpu.memory_space<hbm>>
      tpu.enqueue_dma source(%dma_start3A_26 : memref<32768xi32, #tpu.memory_space<hbm>>) target(%arg4 : memref<32768xi32, #tpu.memory_space<vmem>>) target_semaphore(%arg8 : memref<!tpu.dma_semaphore, #tpu.memory_space<semaphore_mem>>)
      %dma_wait3A = tpu.memref_slice %arg2[%mul3A_25] : memref<22020096xi32, #tpu.memory_space<hbm>> -> memref<32768xi32, #tpu.memory_space<hbm>>
      %dma_wait3A_27 = tpu.memref_slice %arg2[%mul3A_25] : memref<22020096xi32, #tpu.memory_space<hbm>> -> memref<32768xi32, #tpu.memory_space<hbm>>
      tpu.wait_dma2 semaphore(%arg8 : memref<!tpu.dma_semaphore, #tpu.memory_space<semaphore_mem>>) src(%dma_wait3A_27 : memref<32768xi32, #tpu.memory_space<hbm>>) dst(%arg4 : memref<32768xi32, #tpu.memory_space<vmem>>)
      %add3A_28 = arith.constant 32768 : i32
      %add3A_29 = arith.addi %mul3A_25, %add3A_28 : i32
      %dma_start3A_30 = tpu.memref_slice %arg2[%add3A_29] : memref<22020096xi32, #tpu.memory_space<hbm>> -> memref<32768xi32, #tpu.memory_space<hbm>>
      %dma_start3A_31 = tpu.memref_slice %arg2[%add3A_29] : memref<22020096xi32, #tpu.memory_space<hbm>> -> memref<32768xi32, #tpu.memory_space<hbm>>
      tpu.enqueue_dma source(%dma_start3A_31 : memref<32768xi32, #tpu.memory_space<hbm>>) target(%arg5 : memref<32768xi32, #tpu.memory_space<vmem>>) target_semaphore(%arg9 : memref<!tpu.dma_semaphore, #tpu.memory_space<semaphore_mem>>)
      %parallel_loop3A_32 = arith.constant 0 : i32
      %parallel_loop3A_33 = arith.constant 2048 : i32
      %parallel_loop3A_34 = arith.constant 1 : i32
      scf.for %parallel_loop3A_99 = %parallel_loop3A_32 to %parallel_loop3A_33 step %parallel_loop3A_34  : i32 {
        %parallel_loop3A_100 = arith.constant 16 : i32
        %parallel_loop3A_101 = arith.muli %parallel_loop3A_99, %parallel_loop3A_100 : i32
        %parallel_loop3A_102 = arith.index_cast %parallel_loop3A_101 : i32 to index
        %parallel_loop3A_103 = tpu.vector_load %arg4[%parallel_loop3A_102] {strides = array<i32>} : memref<32768xi32, #tpu.memory_space<vmem>>, vector<16xi32>,
        tpu.vector_store_idx %arg6[%parallel_loop3A_103], %broadcast_in_dim3A_3 {add = true} : memref<32768xf32, #tpu.memory_space<vmem>>[vector<16xi32>], vector<16xf32>,
      } {sc.loop_unroll_factor = 8 : i64, sc.parallel_access}
      %dma_wait3A_35 = tpu.memref_slice %arg2[%add3A_29] : memref<22020096xi32, #tpu.memory_space<hbm>> -> memref<32768xi32, #tpu.memory_space<hbm>>
      %dma_wait3A_36 = tpu.memref_slice %arg2[%add3A_29] : memref<22020096xi32, #tpu.memory_space<hbm>> -> memref<32768xi32, #tpu.memory_space<hbm>>
      tpu.wait_dma2 semaphore(%arg9 : memref<!tpu.dma_semaphore, #tpu.memory_space<semaphore_mem>>) src(%dma_wait3A_36 : memref<32768xi32, #tpu.memory_space<hbm>>) dst(%arg5 : memref<32768xi32, #tpu.memory_space<vmem>>)
      %add3A_37 = arith.constant 65536 : i32
      %add3A_38 = arith.addi %mul3A_25, %add3A_37 : i32
      %dma_start3A_39 = tpu.memref_slice %arg2[%add3A_38] : memref<22020096xi32, #tpu.memory_space<hbm>> -> memref<32768xi32, #tpu.memory_space<hbm>>
      %dma_start3A_40 = tpu.memref_slice %arg2[%add3A_38] : memref<22020096xi32, #tpu.memory_space<hbm>> -> memref<32768xi32, #tpu.memory_space<hbm>>
      tpu.enqueue_dma source(%dma_start3A_40 : memref<32768xi32, #tpu.memory_space<hbm>>) target(%arg4 : memref<32768xi32, #tpu.memory_space<vmem>>) target_semaphore(%arg8 : memref<!tpu.dma_semaphore, #tpu.memory_space<semaphore_mem>>)
      %parallel_loop3A_41 = arith.constant 0 : i32
      %parallel_loop3A_42 = arith.constant 2048 : i32
      %parallel_loop3A_43 = arith.constant 1 : i32
      scf.for %parallel_loop3A_99 = %parallel_loop3A_41 to %parallel_loop3A_42 step %parallel_loop3A_43  : i32 {
        %parallel_loop3A_100 = arith.constant 16 : i32
        %parallel_loop3A_101 = arith.muli %parallel_loop3A_99, %parallel_loop3A_100 : i32
        %parallel_loop3A_102 = arith.index_cast %parallel_loop3A_101 : i32 to index
        %parallel_loop3A_103 = tpu.vector_load %arg5[%parallel_loop3A_102] {strides = array<i32>} : memref<32768xi32, #tpu.memory_space<vmem>>, vector<16xi32>,
        tpu.vector_store_idx %arg6[%parallel_loop3A_103], %broadcast_in_dim3A_3 {add = true} : memref<32768xf32, #tpu.memory_space<vmem>>[vector<16xi32>], vector<16xf32>,
      } {sc.loop_unroll_factor = 8 : i64, sc.parallel_access}
      %dma_wait3A_44 = tpu.memref_slice %arg2[%add3A_38] : memref<22020096xi32, #tpu.memory_space<hbm>> -> memref<32768xi32, #tpu.memory_space<hbm>>
      %dma_wait3A_45 = tpu.memref_slice %arg2[%add3A_38] : memref<22020096xi32, #tpu.memory_space<hbm>> -> memref<32768xi32, #tpu.memory_space<hbm>>
      tpu.wait_dma2 semaphore(%arg8 : memref<!tpu.dma_semaphore, #tpu.memory_space<semaphore_mem>>) src(%dma_wait3A_45 : memref<32768xi32, #tpu.memory_space<hbm>>) dst(%arg4 : memref<32768xi32, #tpu.memory_space<vmem>>)
      %add3A_46 = arith.constant 98304 : i32
      %add3A_47 = arith.addi %mul3A_25, %add3A_46 : i32
      %dma_start3A_48 = tpu.memref_slice %arg2[%add3A_47] : memref<22020096xi32, #tpu.memory_space<hbm>> -> memref<32768xi32, #tpu.memory_space<hbm>>
      %dma_start3A_49 = tpu.memref_slice %arg2[%add3A_47] : memref<22020096xi32, #tpu.memory_space<hbm>> -> memref<32768xi32, #tpu.memory_space<hbm>>
      tpu.enqueue_dma source(%dma_start3A_49 : memref<32768xi32, #tpu.memory_space<hbm>>) target(%arg5 : memref<32768xi32, #tpu.memory_space<vmem>>) target_semaphore(%arg9 : memref<!tpu.dma_semaphore, #tpu.memory_space<semaphore_mem>>)
      %parallel_loop3A_50 = arith.constant 0 : i32
      %parallel_loop3A_51 = arith.constant 2048 : i32
      %parallel_loop3A_52 = arith.constant 1 : i32
      scf.for %parallel_loop3A_99 = %parallel_loop3A_50 to %parallel_loop3A_51 step %parallel_loop3A_52  : i32 {
        %parallel_loop3A_100 = arith.constant 16 : i32
        %parallel_loop3A_101 = arith.muli %parallel_loop3A_99, %parallel_loop3A_100 : i32
        %parallel_loop3A_102 = arith.index_cast %parallel_loop3A_101 : i32 to index
        %parallel_loop3A_103 = tpu.vector_load %arg4[%parallel_loop3A_102] {strides = array<i32>} : memref<32768xi32, #tpu.memory_space<vmem>>, vector<16xi32>,
        tpu.vector_store_idx %arg6[%parallel_loop3A_103], %broadcast_in_dim3A_3 {add = true} : memref<32768xf32, #tpu.memory_space<vmem>>[vector<16xi32>], vector<16xf32>,
      } {sc.loop_unroll_factor = 8 : i64, sc.parallel_access}
      %dma_wait3A_53 = tpu.memref_slice %arg2[%add3A_47] : memref<22020096xi32, #tpu.memory_space<hbm>> -> memref<32768xi32, #tpu.memory_space<hbm>>
      %dma_wait3A_54 = tpu.memref_slice %arg2[%add3A_47] : memref<22020096xi32, #tpu.memory_space<hbm>> -> memref<32768xi32, #tpu.memory_space<hbm>>
      tpu.wait_dma2 semaphore(%arg9 : memref<!tpu.dma_semaphore, #tpu.memory_space<semaphore_mem>>) src(%dma_wait3A_54 : memref<32768xi32, #tpu.memory_space<hbm>>) dst(%arg5 : memref<32768xi32, #tpu.memory_space<vmem>>)
      %add3A_55 = arith.constant 131072 : i32
      %add3A_56 = arith.addi %mul3A_25, %add3A_55 : i32
      %dma_start3A_57 = tpu.memref_slice %arg2[%add3A_56] : memref<22020096xi32, #tpu.memory_space<hbm>> -> memref<32768xi32, #tpu.memory_space<hbm>>
      %dma_start3A_58 = tpu.memref_slice %arg2[%add3A_56] : memref<22020096xi32, #tpu.memory_space<hbm>> -> memref<32768xi32, #tpu.memory_space<hbm>>
      tpu.enqueue_dma source(%dma_start3A_58 : memref<32768xi32, #tpu.memory_space<hbm>>) target(%arg4 : memref<32768xi32, #tpu.memory_space<vmem>>) target_semaphore(%arg8 : memref<!tpu.dma_semaphore, #tpu.memory_space<semaphore_mem>>)
      %parallel_loop3A_59 = arith.constant 0 : i32
      %parallel_loop3A_60 = arith.constant 2048 : i32
      %parallel_loop3A_61 = arith.constant 1 : i32
      scf.for %parallel_loop3A_99 = %parallel_loop3A_59 to %parallel_loop3A_60 step %parallel_loop3A_61  : i32 {
        %parallel_loop3A_100 = arith.constant 16 : i32
        %parallel_loop3A_101 = arith.muli %parallel_loop3A_99, %parallel_loop3A_100 : i32
        %parallel_loop3A_102 = arith.index_cast %parallel_loop3A_101 : i32 to index
        %parallel_loop3A_103 = tpu.vector_load %arg5[%parallel_loop3A_102] {strides = array<i32>} : memref<32768xi32, #tpu.memory_space<vmem>>, vector<16xi32>,
        tpu.vector_store_idx %arg6[%parallel_loop3A_103], %broadcast_in_dim3A_3 {add = true} : memref<32768xf32, #tpu.memory_space<vmem>>[vector<16xi32>], vector<16xf32>,
      } {sc.loop_unroll_factor = 8 : i64, sc.parallel_access}
      %dma_wait3A_62 = tpu.memref_slice %arg2[%add3A_56] : memref<22020096xi32, #tpu.memory_space<hbm>> -> memref<32768xi32, #tpu.memory_space<hbm>>
      %dma_wait3A_63 = tpu.memref_slice %arg2[%add3A_56] : memref<22020096xi32, #tpu.memory_space<hbm>> -> memref<32768xi32, #tpu.memory_space<hbm>>
      tpu.wait_dma2 semaphore(%arg8 : memref<!tpu.dma_semaphore, #tpu.memory_space<semaphore_mem>>) src(%dma_wait3A_63 : memref<32768xi32, #tpu.memory_space<hbm>>) dst(%arg4 : memref<32768xi32, #tpu.memory_space<vmem>>)
      %add3A_64 = arith.constant 163840 : i32
      %add3A_65 = arith.addi %mul3A_25, %add3A_64 : i32
      %dma_start3A_66 = tpu.memref_slice %arg2[%add3A_65] : memref<22020096xi32, #tpu.memory_space<hbm>> -> memref<32768xi32, #tpu.memory_space<hbm>>
      %dma_start3A_67 = tpu.memref_slice %arg2[%add3A_65] : memref<22020096xi32, #tpu.memory_space<hbm>> -> memref<32768xi32, #tpu.memory_space<hbm>>
      tpu.enqueue_dma source(%dma_start3A_67 : memref<32768xi32, #tpu.memory_space<hbm>>) target(%arg5 : memref<32768xi32, #tpu.memory_space<vmem>>) target_semaphore(%arg9 : memref<!tpu.dma_semaphore, #tpu.memory_space<semaphore_mem>>)
      %parallel_loop3A_68 = arith.constant 0 : i32
      %parallel_loop3A_69 = arith.constant 2048 : i32
      %parallel_loop3A_70 = arith.constant 1 : i32
      scf.for %parallel_loop3A_99 = %parallel_loop3A_68 to %parallel_loop3A_69 step %parallel_loop3A_70  : i32 {
        %parallel_loop3A_100 = arith.constant 16 : i32
        %parallel_loop3A_101 = arith.muli %parallel_loop3A_99, %parallel_loop3A_100 : i32
        %parallel_loop3A_102 = arith.index_cast %parallel_loop3A_101 : i32 to index
        %parallel_loop3A_103 = tpu.vector_load %arg4[%parallel_loop3A_102] {strides = array<i32>} : memref<32768xi32, #tpu.memory_space<vmem>>, vector<16xi32>,
        tpu.vector_store_idx %arg6[%parallel_loop3A_103], %broadcast_in_dim3A_3 {add = true} : memref<32768xf32, #tpu.memory_space<vmem>>[vector<16xi32>], vector<16xf32>,
      } {sc.loop_unroll_factor = 8 : i64, sc.parallel_access}
      %dma_wait3A_71 = tpu.memref_slice %arg2[%add3A_65] : memref<22020096xi32, #tpu.memory_space<hbm>> -> memref<32768xi32, #tpu.memory_space<hbm>>
      %dma_wait3A_72 = tpu.memref_slice %arg2[%add3A_65] : memref<22020096xi32, #tpu.memory_space<hbm>> -> memref<32768xi32, #tpu.memory_space<hbm>>
      tpu.wait_dma2 semaphore(%arg9 : memref<!tpu.dma_semaphore, #tpu.memory_space<semaphore_mem>>) src(%dma_wait3A_72 : memref<32768xi32, #tpu.memory_space<hbm>>) dst(%arg5 : memref<32768xi32, #tpu.memory_space<vmem>>)
      %add3A_73 = arith.constant 196608 : i32
      %add3A_74 = arith.addi %mul3A_25, %add3A_73 : i32
      %dma_start3A_75 = tpu.memref_slice %arg2[%add3A_74] : memref<22020096xi32, #tpu.memory_space<hbm>> -> memref<32768xi32, #tpu.memory_space<hbm>>
      %dma_start3A_76 = tpu.memref_slice %arg2[%add3A_74] : memref<22020096xi32, #tpu.memory_space<hbm>> -> memref<32768xi32, #tpu.memory_space<hbm>>
      tpu.enqueue_dma source(%dma_start3A_76 : memref<32768xi32, #tpu.memory_space<hbm>>) target(%arg4 : memref<32768xi32, #tpu.memory_space<vmem>>) target_semaphore(%arg8 : memref<!tpu.dma_semaphore, #tpu.memory_space<semaphore_mem>>)
      %parallel_loop3A_77 = arith.constant 0 : i32
      %parallel_loop3A_78 = arith.constant 2048 : i32
      %parallel_loop3A_79 = arith.constant 1 : i32
      scf.for %parallel_loop3A_99 = %parallel_loop3A_77 to %parallel_loop3A_78 step %parallel_loop3A_79  : i32 {
        %parallel_loop3A_100 = arith.constant 16 : i32
        %parallel_loop3A_101 = arith.muli %parallel_loop3A_99, %parallel_loop3A_100 : i32
        %parallel_loop3A_102 = arith.index_cast %parallel_loop3A_101 : i32 to index
        %parallel_loop3A_103 = tpu.vector_load %arg5[%parallel_loop3A_102] {strides = array<i32>} : memref<32768xi32, #tpu.memory_space<vmem>>, vector<16xi32>,
        tpu.vector_store_idx %arg6[%parallel_loop3A_103], %broadcast_in_dim3A_3 {add = true} : memref<32768xf32, #tpu.memory_space<vmem>>[vector<16xi32>], vector<16xf32>,
      } {sc.loop_unroll_factor = 8 : i64, sc.parallel_access}
      %dma_wait3A_80 = tpu.memref_slice %arg2[%add3A_74] : memref<22020096xi32, #tpu.memory_space<hbm>> -> memref<32768xi32, #tpu.memory_space<hbm>>
      %dma_wait3A_81 = tpu.memref_slice %arg2[%add3A_74] : memref<22020096xi32, #tpu.memory_space<hbm>> -> memref<32768xi32, #tpu.memory_space<hbm>>
      tpu.wait_dma2 semaphore(%arg8 : memref<!tpu.dma_semaphore, #tpu.memory_space<semaphore_mem>>) src(%dma_wait3A_81 : memref<32768xi32, #tpu.memory_space<hbm>>) dst(%arg4 : memref<32768xi32, #tpu.memory_space<vmem>>)
      %add3A_82 = arith.constant 229376 : i32
      %add3A_83 = arith.addi %mul3A_25, %add3A_82 : i32
      %dma_start3A_84 = tpu.memref_slice %arg2[%add3A_83] : memref<22020096xi32, #tpu.memory_space<hbm>> -> memref<32768xi32, #tpu.memory_space<hbm>>
      %dma_start3A_85 = tpu.memref_slice %arg2[%add3A_83] : memref<22020096xi32, #tpu.memory_space<hbm>> -> memref<32768xi32, #tpu.memory_space<hbm>>
      tpu.enqueue_dma source(%dma_start3A_85 : memref<32768xi32, #tpu.memory_space<hbm>>) target(%arg5 : memref<32768xi32, #tpu.memory_space<vmem>>) target_semaphore(%arg9 : memref<!tpu.dma_semaphore, #tpu.memory_space<semaphore_mem>>)
      %parallel_loop3A_86 = arith.constant 0 : i32
      %parallel_loop3A_87 = arith.constant 2048 : i32
      %parallel_loop3A_88 = arith.constant 1 : i32
      scf.for %parallel_loop3A_99 = %parallel_loop3A_86 to %parallel_loop3A_87 step %parallel_loop3A_88  : i32 {
        %parallel_loop3A_100 = arith.constant 16 : i32
        %parallel_loop3A_101 = arith.muli %parallel_loop3A_99, %parallel_loop3A_100 : i32
        %parallel_loop3A_102 = arith.index_cast %parallel_loop3A_101 : i32 to index
        %parallel_loop3A_103 = tpu.vector_load %arg4[%parallel_loop3A_102] {strides = array<i32>} : memref<32768xi32, #tpu.memory_space<vmem>>, vector<16xi32>,
        tpu.vector_store_idx %arg6[%parallel_loop3A_103], %broadcast_in_dim3A_3 {add = true} : memref<32768xf32, #tpu.memory_space<vmem>>[vector<16xi32>], vector<16xf32>,
      } {sc.loop_unroll_factor = 8 : i64, sc.parallel_access}
      %dma_wait3A_89 = tpu.memref_slice %arg2[%add3A_83] : memref<22020096xi32, #tpu.memory_space<hbm>> -> memref<32768xi32, #tpu.memory_space<hbm>>
      %dma_wait3A_90 = tpu.memref_slice %arg2[%add3A_83] : memref<22020096xi32, #tpu.memory_space<hbm>> -> memref<32768xi32, #tpu.memory_space<hbm>>
      tpu.wait_dma2 semaphore(%arg9 : memref<!tpu.dma_semaphore, #tpu.memory_space<semaphore_mem>>) src(%dma_wait3A_90 : memref<32768xi32, #tpu.memory_space<hbm>>) dst(%arg5 : memref<32768xi32, #tpu.memory_space<vmem>>)
      %parallel_loop3A_91 = arith.constant 0 : i32
      %parallel_loop3A_92 = arith.constant 2048 : i32
      %parallel_loop3A_93 = arith.constant 1 : i32
      scf.for %parallel_loop3A_99 = %parallel_loop3A_91 to %parallel_loop3A_92 step %parallel_loop3A_93  : i32 {
        %parallel_loop3A_100 = arith.constant 16 : i32
        %parallel_loop3A_101 = arith.muli %parallel_loop3A_99, %parallel_loop3A_100 : i32
        %parallel_loop3A_102 = arith.index_cast %parallel_loop3A_101 : i32 to index
        %parallel_loop3A_103 = tpu.vector_load %arg5[%parallel_loop3A_102] {strides = array<i32>} : memref<32768xi32, #tpu.memory_space<vmem>>, vector<16xi32>,
        tpu.vector_store_idx %arg6[%parallel_loop3A_103], %broadcast_in_dim3A_3 {add = true} : memref<32768xf32, #tpu.memory_space<vmem>>[vector<16xi32>], vector<16xf32>,
      } {sc.loop_unroll_factor = 8 : i64, sc.parallel_access}
      %parallel_loop3A_94 = arith.constant 0 : i32
      %parallel_loop3A_95 = arith.constant 128 : i32
      %parallel_loop3A_96 = arith.constant 1 : i32
      scf.for %parallel_loop3A_99 = %parallel_loop3A_94 to %parallel_loop3A_95 step %parallel_loop3A_96  : i32 {
        %parallel_loop3A_100 = arith.constant 16 : i32
        %parallel_loop3A_101 = arith.muli %parallel_loop3A_99, %parallel_loop3A_100 : i32
        %parallel_loop3A_102 = arith.index_cast %parallel_loop3A_101 : i32 to index
        %parallel_loop3A_103 = tpu.vector_load %arg6[%parallel_loop3A_102] {strides = array<i32>} : memref<32768xf32, #tpu.memory_space<vmem>>, vector<16xf32>,
        %parallel_loop3A_104 = arith.constant 16 : i32
        %parallel_loop3A_105 = arith.muli %parallel_loop3A_99, %parallel_loop3A_104 : i32
        %parallel_loop3A_106 = arith.constant 2048 : i32
        %parallel_loop3A_107 = arith.addi %parallel_loop3A_106, %parallel_loop3A_105 : i32
        %parallel_loop3A_108 = arith.index_cast %parallel_loop3A_107 : i32 to index
        %parallel_loop3A_109 = tpu.vector_load %arg6[%parallel_loop3A_108] {strides = array<i32>} : memref<32768xf32, #tpu.memory_space<vmem>>, vector<16xf32>,
        %parallel_loop3A_110 = arith.addf %parallel_loop3A_103, %parallel_loop3A_109 : vector<16xf32>
        %parallel_loop3A_111 = arith.constant 16 : i32
        %parallel_loop3A_112 = arith.muli %parallel_loop3A_99, %parallel_loop3A_111 : i32
        %parallel_loop3A_113 = arith.constant 4096 : i32
        %parallel_loop3A_114 = arith.addi %parallel_loop3A_113, %parallel_loop3A_112 : i32
        %parallel_loop3A_115 = arith.index_cast %parallel_loop3A_114 : i32 to index
        %parallel_loop3A_116 = tpu.vector_load %arg6[%parallel_loop3A_115] {strides = array<i32>} : memref<32768xf32, #tpu.memory_space<vmem>>, vector<16xf32>,
        %parallel_loop3A_117 = arith.addf %parallel_loop3A_110, %parallel_loop3A_116 : vector<16xf32>
        %parallel_loop3A_118 = arith.constant 16 : i32
        %parallel_loop3A_119 = arith.muli %parallel_loop3A_99, %parallel_loop3A_118 : i32
        %parallel_loop3A_120 = arith.constant 6144 : i32
        %parallel_loop3A_121 = arith.addi %parallel_loop3A_120, %parallel_loop3A_119 : i32
        %parallel_loop3A_122 = arith.index_cast %parallel_loop3A_121 : i32 to index
        %parallel_loop3A_123 = tpu.vector_load %arg6[%parallel_loop3A_122] {strides = array<i32>} : memref<32768xf32, #tpu.memory_space<vmem>>, vector<16xf32>,
        %parallel_loop3A_124 = arith.addf %parallel_loop3A_117, %parallel_loop3A_123 : vector<16xf32>
        %parallel_loop3A_125 = arith.constant 16 : i32
        %parallel_loop3A_126 = arith.muli %parallel_loop3A_99, %parallel_loop3A_125 : i32
        %parallel_loop3A_127 = arith.constant 8192 : i32
        %parallel_loop3A_128 = arith.addi %parallel_loop3A_127, %parallel_loop3A_126 : i32
        %parallel_loop3A_129 = arith.index_cast %parallel_loop3A_128 : i32 to index
        %parallel_loop3A_130 = tpu.vector_load %arg6[%parallel_loop3A_129] {strides = array<i32>} : memref<32768xf32, #tpu.memory_space<vmem>>, vector<16xf32>,
        %parallel_loop3A_131 = arith.addf %parallel_loop3A_124, %parallel_loop3A_130 : vector<16xf32>
        %parallel_loop3A_132 = arith.constant 16 : i32
        %parallel_loop3A_133 = arith.muli %parallel_loop3A_99, %parallel_loop3A_132 : i32
        %parallel_loop3A_134 = arith.constant 10240 : i32
        %parallel_loop3A_135 = arith.addi %parallel_loop3A_134, %parallel_loop3A_133 : i32
        %parallel_loop3A_136 = arith.index_cast %parallel_loop3A_135 : i32 to index
        %parallel_loop3A_137 = tpu.vector_load %arg6[%parallel_loop3A_136] {strides = array<i32>} : memref<32768xf32, #tpu.memory_space<vmem>>, vector<16xf32>,
        %parallel_loop3A_138 = arith.addf %parallel_loop3A_131, %parallel_loop3A_137 : vector<16xf32>
        %parallel_loop3A_139 = arith.constant 16 : i32
        %parallel_loop3A_140 = arith.muli %parallel_loop3A_99, %parallel_loop3A_139 : i32
        %parallel_loop3A_141 = arith.constant 12288 : i32
        %parallel_loop3A_142 = arith.addi %parallel_loop3A_141, %parallel_loop3A_140 : i32
        %parallel_loop3A_143 = arith.index_cast %parallel_loop3A_142 : i32 to index
        %parallel_loop3A_144 = tpu.vector_load %arg6[%parallel_loop3A_143] {strides = array<i32>} : memref<32768xf32, #tpu.memory_space<vmem>>, vector<16xf32>,
        %parallel_loop3A_145 = arith.addf %parallel_loop3A_138, %parallel_loop3A_144 : vector<16xf32>
        %parallel_loop3A_146 = arith.constant 16 : i32
        %parallel_loop3A_147 = arith.muli %parallel_loop3A_99, %parallel_loop3A_146 : i32
        %parallel_loop3A_148 = arith.constant 14336 : i32
        %parallel_loop3A_149 = arith.addi %parallel_loop3A_148, %parallel_loop3A_147 : i32
        %parallel_loop3A_150 = arith.index_cast %parallel_loop3A_149 : i32 to index
        %parallel_loop3A_151 = tpu.vector_load %arg6[%parallel_loop3A_150] {strides = array<i32>} : memref<32768xf32, #tpu.memory_space<vmem>>, vector<16xf32>,
        %parallel_loop3A_152 = arith.addf %parallel_loop3A_145, %parallel_loop3A_151 : vector<16xf32>
        %parallel_loop3A_153 = arith.constant 16 : i32
        %parallel_loop3A_154 = arith.muli %parallel_loop3A_99, %parallel_loop3A_153 : i32
        %parallel_loop3A_155 = arith.constant 16384 : i32
        %parallel_loop3A_156 = arith.addi %parallel_loop3A_155, %parallel_loop3A_154 : i32
        %parallel_loop3A_157 = arith.index_cast %parallel_loop3A_156 : i32 to index
        %parallel_loop3A_158 = tpu.vector_load %arg6[%parallel_loop3A_157] {strides = array<i32>} : memref<32768xf32, #tpu.memory_space<vmem>>, vector<16xf32>,
        %parallel_loop3A_159 = arith.addf %parallel_loop3A_152, %parallel_loop3A_158 : vector<16xf32>
        %parallel_loop3A_160 = arith.constant 16 : i32
        %parallel_loop3A_161 = arith.muli %parallel_loop3A_99, %parallel_loop3A_160 : i32
        %parallel_loop3A_162 = arith.constant 18432 : i32
        %parallel_loop3A_163 = arith.addi %parallel_loop3A_162, %parallel_loop3A_161 : i32
        %parallel_loop3A_164 = arith.index_cast %parallel_loop3A_163 : i32 to index
        %parallel_loop3A_165 = tpu.vector_load %arg6[%parallel_loop3A_164] {strides = array<i32>} : memref<32768xf32, #tpu.memory_space<vmem>>, vector<16xf32>,
        %parallel_loop3A_166 = arith.addf %parallel_loop3A_159, %parallel_loop3A_165 : vector<16xf32>
        %parallel_loop3A_167 = arith.constant 16 : i32
        %parallel_loop3A_168 = arith.muli %parallel_loop3A_99, %parallel_loop3A_167 : i32
        %parallel_loop3A_169 = arith.constant 20480 : i32
        %parallel_loop3A_170 = arith.addi %parallel_loop3A_169, %parallel_loop3A_168 : i32
        %parallel_loop3A_171 = arith.index_cast %parallel_loop3A_170 : i32 to index
        %parallel_loop3A_172 = tpu.vector_load %arg6[%parallel_loop3A_171] {strides = array<i32>} : memref<32768xf32, #tpu.memory_space<vmem>>, vector<16xf32>,
        %parallel_loop3A_173 = arith.addf %parallel_loop3A_166, %parallel_loop3A_172 : vector<16xf32>
        %parallel_loop3A_174 = arith.constant 16 : i32
        %parallel_loop3A_175 = arith.muli %parallel_loop3A_99, %parallel_loop3A_174 : i32
        %parallel_loop3A_176 = arith.constant 22528 : i32
        %parallel_loop3A_177 = arith.addi %parallel_loop3A_176, %parallel_loop3A_175 : i32
        %parallel_loop3A_178 = arith.index_cast %parallel_loop3A_177 : i32 to index
        %parallel_loop3A_179 = tpu.vector_load %arg6[%parallel_loop3A_178] {strides = array<i32>} : memref<32768xf32, #tpu.memory_space<vmem>>, vector<16xf32>,
        %parallel_loop3A_180 = arith.addf %parallel_loop3A_173, %parallel_loop3A_179 : vector<16xf32>
        %parallel_loop3A_181 = arith.constant 16 : i32
        %parallel_loop3A_182 = arith.muli %parallel_loop3A_99, %parallel_loop3A_181 : i32
        %parallel_loop3A_183 = arith.constant 24576 : i32
        %parallel_loop3A_184 = arith.addi %parallel_loop3A_183, %parallel_loop3A_182 : i32
        %parallel_loop3A_185 = arith.index_cast %parallel_loop3A_184 : i32 to index
        %parallel_loop3A_186 = tpu.vector_load %arg6[%parallel_loop3A_185] {strides = array<i32>} : memref<32768xf32, #tpu.memory_space<vmem>>, vector<16xf32>,
        %parallel_loop3A_187 = arith.addf %parallel_loop3A_180, %parallel_loop3A_186 : vector<16xf32>
        %parallel_loop3A_188 = arith.constant 16 : i32
        %parallel_loop3A_189 = arith.muli %parallel_loop3A_99, %parallel_loop3A_188 : i32
        %parallel_loop3A_190 = arith.constant 26624 : i32
        %parallel_loop3A_191 = arith.addi %parallel_loop3A_190, %parallel_loop3A_189 : i32
        %parallel_loop3A_192 = arith.index_cast %parallel_loop3A_191 : i32 to index
        %parallel_loop3A_193 = tpu.vector_load %arg6[%parallel_loop3A_192] {strides = array<i32>} : memref<32768xf32, #tpu.memory_space<vmem>>, vector<16xf32>,
        %parallel_loop3A_194 = arith.addf %parallel_loop3A_187, %parallel_loop3A_193 : vector<16xf32>
        %parallel_loop3A_195 = arith.constant 16 : i32
        %parallel_loop3A_196 = arith.muli %parallel_loop3A_99, %parallel_loop3A_195 : i32
        %parallel_loop3A_197 = arith.constant 28672 : i32
        %parallel_loop3A_198 = arith.addi %parallel_loop3A_197, %parallel_loop3A_196 : i32
        %parallel_loop3A_199 = arith.index_cast %parallel_loop3A_198 : i32 to index
        %parallel_loop3A_200 = tpu.vector_load %arg6[%parallel_loop3A_199] {strides = array<i32>} : memref<32768xf32, #tpu.memory_space<vmem>>, vector<16xf32>,
        %parallel_loop3A_201 = arith.addf %parallel_loop3A_194, %parallel_loop3A_200 : vector<16xf32>
        %parallel_loop3A_202 = arith.constant 16 : i32
        %parallel_loop3A_203 = arith.muli %parallel_loop3A_99, %parallel_loop3A_202 : i32
        %parallel_loop3A_204 = arith.constant 30720 : i32
        %parallel_loop3A_205 = arith.addi %parallel_loop3A_204, %parallel_loop3A_203 : i32
        %parallel_loop3A_206 = arith.index_cast %parallel_loop3A_205 : i32 to index
        %parallel_loop3A_207 = tpu.vector_load %arg6[%parallel_loop3A_206] {strides = array<i32>} : memref<32768xf32, #tpu.memory_space<vmem>>, vector<16xf32>,
        %parallel_loop3A_208 = arith.addf %parallel_loop3A_201, %parallel_loop3A_207 : vector<16xf32>
        %parallel_loop3A_209 = arith.constant 16 : i32
        %parallel_loop3A_210 = arith.muli %parallel_loop3A_99, %parallel_loop3A_209 : i32
        %parallel_loop3A_211 = arith.index_cast %parallel_loop3A_210 : i32 to index
        %parallel_loop3A_212 = tpu.vector_load %arg7[%parallel_loop3A_211] {strides = array<i32>} : memref<2048xf32, #tpu.memory_space<vmem>>, vector<16xf32>,
        tpu.vector_store %arg7[%parallel_loop3A_211], %parallel_loop3A_208 {strides = array<i32>} : memref<2048xf32, #tpu.memory_space<vmem>>, vector<16xf32>,
      } {sc.loop_unroll_factor = 2 : i64, sc.parallel_access}
      %mul3A_97 = arith.constant 2048 : i32
      %mul3A_98 = arith.muli %add3A_9, %mul3A_97 : i32
      "tpu.region"() ({
        %run_scoped3A = tpu.sem_alloc : memref<!tpu.dma_semaphore, #tpu.memory_space<semaphore_mem>>
        %dma_start3A_99 = tpu.memref_slice %arg3[%mul3A_98] : memref<172032xf32, #tpu.memory_space<hbm>> -> memref<2048xf32, #tpu.memory_space<hbm>>
        %dma_start3A_100 = tpu.memref_slice %arg3[%mul3A_98] : memref<172032xf32, #tpu.memory_space<hbm>> -> memref<2048xf32, #tpu.memory_space<hbm>>
        tpu.enqueue_dma source(%arg7 : memref<2048xf32, #tpu.memory_space<vmem>>) target(%dma_start3A_100 : memref<2048xf32, #tpu.memory_space<hbm>>) target_semaphore(%run_scoped3A : memref<!tpu.dma_semaphore, #tpu.memory_space<semaphore_mem>>)
        %dma_wait3A_101 = tpu.memref_slice %arg3[%mul3A_98] : memref<172032xf32, #tpu.memory_space<hbm>> -> memref<2048xf32, #tpu.memory_space<hbm>>
        %dma_wait3A_102 = tpu.memref_slice %arg3[%mul3A_98] : memref<172032xf32, #tpu.memory_space<hbm>> -> memref<2048xf32, #tpu.memory_space<hbm>>
        tpu.wait_dma2 semaphore(%run_scoped3A : memref<!tpu.dma_semaphore, #tpu.memory_space<semaphore_mem>>) src(%arg7 : memref<2048xf32, #tpu.memory_space<vmem>>) dst(%dma_wait3A_102 : memref<2048xf32, #tpu.memory_space<hbm>>)
        tpu.yield
      }) : () -> ()
    } else {
    }
    %add3A_15 = arith.constant 64 : i32
    %add3A_16 = arith.addi %add3A, %add3A_15 : i32
    %lt3A_17 = arith.constant 84 : i32
    %lt3A_18 = arith.cmpi slt, %add3A_16, %lt3A_17 : i32
    %convert_element_type3A_19 = arith.extui %lt3A_18 : i1 to i32
    %cond3A_20 = arith.constant 0 : i32
    %cond3A_21 = arith.cmpi ne, %convert_element_type3A_19, %cond3A_20 : i32
    scf.if %cond3A_21 {
      %parallel_loop3A = arith.constant 0 : i32
      %parallel_loop3A_22 = arith.constant 2048 : i32
      %parallel_loop3A_23 = arith.constant 1 : i32
      scf.for %parallel_loop3A_99 = %parallel_loop3A to %parallel_loop3A_22 step %parallel_loop3A_23  : i32 {
        %parallel_loop3A_100 = arith.constant 16 : i32
        %parallel_loop3A_101 = arith.muli %parallel_loop3A_99, %parallel_loop3A_100 : i32
        %parallel_loop3A_102 = arith.index_cast %parallel_loop3A_101 : i32 to index
        %parallel_loop3A_103 = tpu.vector_load %arg6[%parallel_loop3A_102] {strides = array<i32>} : memref<32768xf32, #tpu.memory_space<vmem>>, vector<16xf32>,
        tpu.vector_store %arg6[%parallel_loop3A_102], %broadcast_in_dim3A_1 {strides = array<i32>} : memref<32768xf32, #tpu.memory_space<vmem>>, vector<16xf32>,
      } {sc.loop_unroll_factor = 8 : i64, sc.parallel_access}
      %mul3A_24 = arith.constant 262144 : i32
      %mul3A_25 = arith.muli %add3A_16, %mul3A_24 : i32
      %dma_start3A = tpu.memref_slice %arg2[%mul3A_25] : memref<22020096xi32, #tpu.memory_space<hbm>> -> memref<32768xi32, #tpu.memory_space<hbm>>
      %dma_start3A_26 = tpu.memref_slice %arg2[%mul3A_25] : memref<22020096xi32, #tpu.memory_space<hbm>> -> memref<32768xi32, #tpu.memory_space<hbm>>
      tpu.enqueue_dma source(%dma_start3A_26 : memref<32768xi32, #tpu.memory_space<hbm>>) target(%arg4 : memref<32768xi32, #tpu.memory_space<vmem>>) target_semaphore(%arg8 : memref<!tpu.dma_semaphore, #tpu.memory_space<semaphore_mem>>)
      %dma_wait3A = tpu.memref_slice %arg2[%mul3A_25] : memref<22020096xi32, #tpu.memory_space<hbm>> -> memref<32768xi32, #tpu.memory_space<hbm>>
      %dma_wait3A_27 = tpu.memref_slice %arg2[%mul3A_25] : memref<22020096xi32, #tpu.memory_space<hbm>> -> memref<32768xi32, #tpu.memory_space<hbm>>
      tpu.wait_dma2 semaphore(%arg8 : memref<!tpu.dma_semaphore, #tpu.memory_space<semaphore_mem>>) src(%dma_wait3A_27 : memref<32768xi32, #tpu.memory_space<hbm>>) dst(%arg4 : memref<32768xi32, #tpu.memory_space<vmem>>)
      %add3A_28 = arith.constant 32768 : i32
      %add3A_29 = arith.addi %mul3A_25, %add3A_28 : i32
      %dma_start3A_30 = tpu.memref_slice %arg2[%add3A_29] : memref<22020096xi32, #tpu.memory_space<hbm>> -> memref<32768xi32, #tpu.memory_space<hbm>>
      %dma_start3A_31 = tpu.memref_slice %arg2[%add3A_29] : memref<22020096xi32, #tpu.memory_space<hbm>> -> memref<32768xi32, #tpu.memory_space<hbm>>
      tpu.enqueue_dma source(%dma_start3A_31 : memref<32768xi32, #tpu.memory_space<hbm>>) target(%arg5 : memref<32768xi32, #tpu.memory_space<vmem>>) target_semaphore(%arg9 : memref<!tpu.dma_semaphore, #tpu.memory_space<semaphore_mem>>)
      %parallel_loop3A_32 = arith.constant 0 : i32
      %parallel_loop3A_33 = arith.constant 2048 : i32
      %parallel_loop3A_34 = arith.constant 1 : i32
      scf.for %parallel_loop3A_99 = %parallel_loop3A_32 to %parallel_loop3A_33 step %parallel_loop3A_34  : i32 {
        %parallel_loop3A_100 = arith.constant 16 : i32
        %parallel_loop3A_101 = arith.muli %parallel_loop3A_99, %parallel_loop3A_100 : i32
        %parallel_loop3A_102 = arith.index_cast %parallel_loop3A_101 : i32 to index
        %parallel_loop3A_103 = tpu.vector_load %arg4[%parallel_loop3A_102] {strides = array<i32>} : memref<32768xi32, #tpu.memory_space<vmem>>, vector<16xi32>,
        tpu.vector_store_idx %arg6[%parallel_loop3A_103], %broadcast_in_dim3A_3 {add = true} : memref<32768xf32, #tpu.memory_space<vmem>>[vector<16xi32>], vector<16xf32>,
      } {sc.loop_unroll_factor = 8 : i64, sc.parallel_access}
      %dma_wait3A_35 = tpu.memref_slice %arg2[%add3A_29] : memref<22020096xi32, #tpu.memory_space<hbm>> -> memref<32768xi32, #tpu.memory_space<hbm>>
      %dma_wait3A_36 = tpu.memref_slice %arg2[%add3A_29] : memref<22020096xi32, #tpu.memory_space<hbm>> -> memref<32768xi32, #tpu.memory_space<hbm>>
      tpu.wait_dma2 semaphore(%arg9 : memref<!tpu.dma_semaphore, #tpu.memory_space<semaphore_mem>>) src(%dma_wait3A_36 : memref<32768xi32, #tpu.memory_space<hbm>>) dst(%arg5 : memref<32768xi32, #tpu.memory_space<vmem>>)
      %add3A_37 = arith.constant 65536 : i32
      %add3A_38 = arith.addi %mul3A_25, %add3A_37 : i32
      %dma_start3A_39 = tpu.memref_slice %arg2[%add3A_38] : memref<22020096xi32, #tpu.memory_space<hbm>> -> memref<32768xi32, #tpu.memory_space<hbm>>
      %dma_start3A_40 = tpu.memref_slice %arg2[%add3A_38] : memref<22020096xi32, #tpu.memory_space<hbm>> -> memref<32768xi32, #tpu.memory_space<hbm>>
      tpu.enqueue_dma source(%dma_start3A_40 : memref<32768xi32, #tpu.memory_space<hbm>>) target(%arg4 : memref<32768xi32, #tpu.memory_space<vmem>>) target_semaphore(%arg8 : memref<!tpu.dma_semaphore, #tpu.memory_space<semaphore_mem>>)
      %parallel_loop3A_41 = arith.constant 0 : i32
      %parallel_loop3A_42 = arith.constant 2048 : i32
      %parallel_loop3A_43 = arith.constant 1 : i32
      scf.for %parallel_loop3A_99 = %parallel_loop3A_41 to %parallel_loop3A_42 step %parallel_loop3A_43  : i32 {
        %parallel_loop3A_100 = arith.constant 16 : i32
        %parallel_loop3A_101 = arith.muli %parallel_loop3A_99, %parallel_loop3A_100 : i32
        %parallel_loop3A_102 = arith.index_cast %parallel_loop3A_101 : i32 to index
        %parallel_loop3A_103 = tpu.vector_load %arg5[%parallel_loop3A_102] {strides = array<i32>} : memref<32768xi32, #tpu.memory_space<vmem>>, vector<16xi32>,
        tpu.vector_store_idx %arg6[%parallel_loop3A_103], %broadcast_in_dim3A_3 {add = true} : memref<32768xf32, #tpu.memory_space<vmem>>[vector<16xi32>], vector<16xf32>,
      } {sc.loop_unroll_factor = 8 : i64, sc.parallel_access}
      %dma_wait3A_44 = tpu.memref_slice %arg2[%add3A_38] : memref<22020096xi32, #tpu.memory_space<hbm>> -> memref<32768xi32, #tpu.memory_space<hbm>>
      %dma_wait3A_45 = tpu.memref_slice %arg2[%add3A_38] : memref<22020096xi32, #tpu.memory_space<hbm>> -> memref<32768xi32, #tpu.memory_space<hbm>>
      tpu.wait_dma2 semaphore(%arg8 : memref<!tpu.dma_semaphore, #tpu.memory_space<semaphore_mem>>) src(%dma_wait3A_45 : memref<32768xi32, #tpu.memory_space<hbm>>) dst(%arg4 : memref<32768xi32, #tpu.memory_space<vmem>>)
      %add3A_46 = arith.constant 98304 : i32
      %add3A_47 = arith.addi %mul3A_25, %add3A_46 : i32
      %dma_start3A_48 = tpu.memref_slice %arg2[%add3A_47] : memref<22020096xi32, #tpu.memory_space<hbm>> -> memref<32768xi32, #tpu.memory_space<hbm>>
      %dma_start3A_49 = tpu.memref_slice %arg2[%add3A_47] : memref<22020096xi32, #tpu.memory_space<hbm>> -> memref<32768xi32, #tpu.memory_space<hbm>>
      tpu.enqueue_dma source(%dma_start3A_49 : memref<32768xi32, #tpu.memory_space<hbm>>) target(%arg5 : memref<32768xi32, #tpu.memory_space<vmem>>) target_semaphore(%arg9 : memref<!tpu.dma_semaphore, #tpu.memory_space<semaphore_mem>>)
      %parallel_loop3A_50 = arith.constant 0 : i32
      %parallel_loop3A_51 = arith.constant 2048 : i32
      %parallel_loop3A_52 = arith.constant 1 : i32
      scf.for %parallel_loop3A_99 = %parallel_loop3A_50 to %parallel_loop3A_51 step %parallel_loop3A_52  : i32 {
        %parallel_loop3A_100 = arith.constant 16 : i32
        %parallel_loop3A_101 = arith.muli %parallel_loop3A_99, %parallel_loop3A_100 : i32
        %parallel_loop3A_102 = arith.index_cast %parallel_loop3A_101 : i32 to index
        %parallel_loop3A_103 = tpu.vector_load %arg4[%parallel_loop3A_102] {strides = array<i32>} : memref<32768xi32, #tpu.memory_space<vmem>>, vector<16xi32>,
        tpu.vector_store_idx %arg6[%parallel_loop3A_103], %broadcast_in_dim3A_3 {add = true} : memref<32768xf32, #tpu.memory_space<vmem>>[vector<16xi32>], vector<16xf32>,
      } {sc.loop_unroll_factor = 8 : i64, sc.parallel_access}
      %dma_wait3A_53 = tpu.memref_slice %arg2[%add3A_47] : memref<22020096xi32, #tpu.memory_space<hbm>> -> memref<32768xi32, #tpu.memory_space<hbm>>
      %dma_wait3A_54 = tpu.memref_slice %arg2[%add3A_47] : memref<22020096xi32, #tpu.memory_space<hbm>> -> memref<32768xi32, #tpu.memory_space<hbm>>
      tpu.wait_dma2 semaphore(%arg9 : memref<!tpu.dma_semaphore, #tpu.memory_space<semaphore_mem>>) src(%dma_wait3A_54 : memref<32768xi32, #tpu.memory_space<hbm>>) dst(%arg5 : memref<32768xi32, #tpu.memory_space<vmem>>)
      %add3A_55 = arith.constant 131072 : i32
      %add3A_56 = arith.addi %mul3A_25, %add3A_55 : i32
      %dma_start3A_57 = tpu.memref_slice %arg2[%add3A_56] : memref<22020096xi32, #tpu.memory_space<hbm>> -> memref<32768xi32, #tpu.memory_space<hbm>>
      %dma_start3A_58 = tpu.memref_slice %arg2[%add3A_56] : memref<22020096xi32, #tpu.memory_space<hbm>> -> memref<32768xi32, #tpu.memory_space<hbm>>
      tpu.enqueue_dma source(%dma_start3A_58 : memref<32768xi32, #tpu.memory_space<hbm>>) target(%arg4 : memref<32768xi32, #tpu.memory_space<vmem>>) target_semaphore(%arg8 : memref<!tpu.dma_semaphore, #tpu.memory_space<semaphore_mem>>)
      %parallel_loop3A_59 = arith.constant 0 : i32
      %parallel_loop3A_60 = arith.constant 2048 : i32
      %parallel_loop3A_61 = arith.constant 1 : i32
      scf.for %parallel_loop3A_99 = %parallel_loop3A_59 to %parallel_loop3A_60 step %parallel_loop3A_61  : i32 {
        %parallel_loop3A_100 = arith.constant 16 : i32
        %parallel_loop3A_101 = arith.muli %parallel_loop3A_99, %parallel_loop3A_100 : i32
        %parallel_loop3A_102 = arith.index_cast %parallel_loop3A_101 : i32 to index
        %parallel_loop3A_103 = tpu.vector_load %arg5[%parallel_loop3A_102] {strides = array<i32>} : memref<32768xi32, #tpu.memory_space<vmem>>, vector<16xi32>,
        tpu.vector_store_idx %arg6[%parallel_loop3A_103], %broadcast_in_dim3A_3 {add = true} : memref<32768xf32, #tpu.memory_space<vmem>>[vector<16xi32>], vector<16xf32>,
      } {sc.loop_unroll_factor = 8 : i64, sc.parallel_access}
      %dma_wait3A_62 = tpu.memref_slice %arg2[%add3A_56] : memref<22020096xi32, #tpu.memory_space<hbm>> -> memref<32768xi32, #tpu.memory_space<hbm>>
      %dma_wait3A_63 = tpu.memref_slice %arg2[%add3A_56] : memref<22020096xi32, #tpu.memory_space<hbm>> -> memref<32768xi32, #tpu.memory_space<hbm>>
      tpu.wait_dma2 semaphore(%arg8 : memref<!tpu.dma_semaphore, #tpu.memory_space<semaphore_mem>>) src(%dma_wait3A_63 : memref<32768xi32, #tpu.memory_space<hbm>>) dst(%arg4 : memref<32768xi32, #tpu.memory_space<vmem>>)
      %add3A_64 = arith.constant 163840 : i32
      %add3A_65 = arith.addi %mul3A_25, %add3A_64 : i32
      %dma_start3A_66 = tpu.memref_slice %arg2[%add3A_65] : memref<22020096xi32, #tpu.memory_space<hbm>> -> memref<32768xi32, #tpu.memory_space<hbm>>
      %dma_start3A_67 = tpu.memref_slice %arg2[%add3A_65] : memref<22020096xi32, #tpu.memory_space<hbm>> -> memref<32768xi32, #tpu.memory_space<hbm>>
      tpu.enqueue_dma source(%dma_start3A_67 : memref<32768xi32, #tpu.memory_space<hbm>>) target(%arg5 : memref<32768xi32, #tpu.memory_space<vmem>>) target_semaphore(%arg9 : memref<!tpu.dma_semaphore, #tpu.memory_space<semaphore_mem>>)
      %parallel_loop3A_68 = arith.constant 0 : i32
      %parallel_loop3A_69 = arith.constant 2048 : i32
      %parallel_loop3A_70 = arith.constant 1 : i32
      scf.for %parallel_loop3A_99 = %parallel_loop3A_68 to %parallel_loop3A_69 step %parallel_loop3A_70  : i32 {
        %parallel_loop3A_100 = arith.constant 16 : i32
        %parallel_loop3A_101 = arith.muli %parallel_loop3A_99, %parallel_loop3A_100 : i32
        %parallel_loop3A_102 = arith.index_cast %parallel_loop3A_101 : i32 to index
        %parallel_loop3A_103 = tpu.vector_load %arg4[%parallel_loop3A_102] {strides = array<i32>} : memref<32768xi32, #tpu.memory_space<vmem>>, vector<16xi32>,
        tpu.vector_store_idx %arg6[%parallel_loop3A_103], %broadcast_in_dim3A_3 {add = true} : memref<32768xf32, #tpu.memory_space<vmem>>[vector<16xi32>], vector<16xf32>,
      } {sc.loop_unroll_factor = 8 : i64, sc.parallel_access}
      %dma_wait3A_71 = tpu.memref_slice %arg2[%add3A_65] : memref<22020096xi32, #tpu.memory_space<hbm>> -> memref<32768xi32, #tpu.memory_space<hbm>>
      %dma_wait3A_72 = tpu.memref_slice %arg2[%add3A_65] : memref<22020096xi32, #tpu.memory_space<hbm>> -> memref<32768xi32, #tpu.memory_space<hbm>>
      tpu.wait_dma2 semaphore(%arg9 : memref<!tpu.dma_semaphore, #tpu.memory_space<semaphore_mem>>) src(%dma_wait3A_72 : memref<32768xi32, #tpu.memory_space<hbm>>) dst(%arg5 : memref<32768xi32, #tpu.memory_space<vmem>>)
      %add3A_73 = arith.constant 196608 : i32
      %add3A_74 = arith.addi %mul3A_25, %add3A_73 : i32
      %dma_start3A_75 = tpu.memref_slice %arg2[%add3A_74] : memref<22020096xi32, #tpu.memory_space<hbm>> -> memref<32768xi32, #tpu.memory_space<hbm>>
      %dma_start3A_76 = tpu.memref_slice %arg2[%add3A_74] : memref<22020096xi32, #tpu.memory_space<hbm>> -> memref<32768xi32, #tpu.memory_space<hbm>>
      tpu.enqueue_dma source(%dma_start3A_76 : memref<32768xi32, #tpu.memory_space<hbm>>) target(%arg4 : memref<32768xi32, #tpu.memory_space<vmem>>) target_semaphore(%arg8 : memref<!tpu.dma_semaphore, #tpu.memory_space<semaphore_mem>>)
      %parallel_loop3A_77 = arith.constant 0 : i32
      %parallel_loop3A_78 = arith.constant 2048 : i32
      %parallel_loop3A_79 = arith.constant 1 : i32
      scf.for %parallel_loop3A_99 = %parallel_loop3A_77 to %parallel_loop3A_78 step %parallel_loop3A_79  : i32 {
        %parallel_loop3A_100 = arith.constant 16 : i32
        %parallel_loop3A_101 = arith.muli %parallel_loop3A_99, %parallel_loop3A_100 : i32
        %parallel_loop3A_102 = arith.index_cast %parallel_loop3A_101 : i32 to index
        %parallel_loop3A_103 = tpu.vector_load %arg5[%parallel_loop3A_102] {strides = array<i32>} : memref<32768xi32, #tpu.memory_space<vmem>>, vector<16xi32>,
        tpu.vector_store_idx %arg6[%parallel_loop3A_103], %broadcast_in_dim3A_3 {add = true} : memref<32768xf32, #tpu.memory_space<vmem>>[vector<16xi32>], vector<16xf32>,
      } {sc.loop_unroll_factor = 8 : i64, sc.parallel_access}
      %dma_wait3A_80 = tpu.memref_slice %arg2[%add3A_74] : memref<22020096xi32, #tpu.memory_space<hbm>> -> memref<32768xi32, #tpu.memory_space<hbm>>
      %dma_wait3A_81 = tpu.memref_slice %arg2[%add3A_74] : memref<22020096xi32, #tpu.memory_space<hbm>> -> memref<32768xi32, #tpu.memory_space<hbm>>
      tpu.wait_dma2 semaphore(%arg8 : memref<!tpu.dma_semaphore, #tpu.memory_space<semaphore_mem>>) src(%dma_wait3A_81 : memref<32768xi32, #tpu.memory_space<hbm>>) dst(%arg4 : memref<32768xi32, #tpu.memory_space<vmem>>)
      %add3A_82 = arith.constant 229376 : i32
      %add3A_83 = arith.addi %mul3A_25, %add3A_82 : i32
      %dma_start3A_84 = tpu.memref_slice %arg2[%add3A_83] : memref<22020096xi32, #tpu.memory_space<hbm>> -> memref<32768xi32, #tpu.memory_space<hbm>>
      %dma_start3A_85 = tpu.memref_slice %arg2[%add3A_83] : memref<22020096xi32, #tpu.memory_space<hbm>> -> memref<32768xi32, #tpu.memory_space<hbm>>
      tpu.enqueue_dma source(%dma_start3A_85 : memref<32768xi32, #tpu.memory_space<hbm>>) target(%arg5 : memref<32768xi32, #tpu.memory_space<vmem>>) target_semaphore(%arg9 : memref<!tpu.dma_semaphore, #tpu.memory_space<semaphore_mem>>)
      %parallel_loop3A_86 = arith.constant 0 : i32
      %parallel_loop3A_87 = arith.constant 2048 : i32
      %parallel_loop3A_88 = arith.constant 1 : i32
      scf.for %parallel_loop3A_99 = %parallel_loop3A_86 to %parallel_loop3A_87 step %parallel_loop3A_88  : i32 {
        %parallel_loop3A_100 = arith.constant 16 : i32
        %parallel_loop3A_101 = arith.muli %parallel_loop3A_99, %parallel_loop3A_100 : i32
        %parallel_loop3A_102 = arith.index_cast %parallel_loop3A_101 : i32 to index
        %parallel_loop3A_103 = tpu.vector_load %arg4[%parallel_loop3A_102] {strides = array<i32>} : memref<32768xi32, #tpu.memory_space<vmem>>, vector<16xi32>,
        tpu.vector_store_idx %arg6[%parallel_loop3A_103], %broadcast_in_dim3A_3 {add = true} : memref<32768xf32, #tpu.memory_space<vmem>>[vector<16xi32>], vector<16xf32>,
      } {sc.loop_unroll_factor = 8 : i64, sc.parallel_access}
      %dma_wait3A_89 = tpu.memref_slice %arg2[%add3A_83] : memref<22020096xi32, #tpu.memory_space<hbm>> -> memref<32768xi32, #tpu.memory_space<hbm>>
      %dma_wait3A_90 = tpu.memref_slice %arg2[%add3A_83] : memref<22020096xi32, #tpu.memory_space<hbm>> -> memref<32768xi32, #tpu.memory_space<hbm>>
      tpu.wait_dma2 semaphore(%arg9 : memref<!tpu.dma_semaphore, #tpu.memory_space<semaphore_mem>>) src(%dma_wait3A_90 : memref<32768xi32, #tpu.memory_space<hbm>>) dst(%arg5 : memref<32768xi32, #tpu.memory_space<vmem>>)
      %parallel_loop3A_91 = arith.constant 0 : i32
      %parallel_loop3A_92 = arith.constant 2048 : i32
      %parallel_loop3A_93 = arith.constant 1 : i32
      scf.for %parallel_loop3A_99 = %parallel_loop3A_91 to %parallel_loop3A_92 step %parallel_loop3A_93  : i32 {
        %parallel_loop3A_100 = arith.constant 16 : i32
        %parallel_loop3A_101 = arith.muli %parallel_loop3A_99, %parallel_loop3A_100 : i32
        %parallel_loop3A_102 = arith.index_cast %parallel_loop3A_101 : i32 to index
        %parallel_loop3A_103 = tpu.vector_load %arg5[%parallel_loop3A_102] {strides = array<i32>} : memref<32768xi32, #tpu.memory_space<vmem>>, vector<16xi32>,
        tpu.vector_store_idx %arg6[%parallel_loop3A_103], %broadcast_in_dim3A_3 {add = true} : memref<32768xf32, #tpu.memory_space<vmem>>[vector<16xi32>], vector<16xf32>,
      } {sc.loop_unroll_factor = 8 : i64, sc.parallel_access}
      %parallel_loop3A_94 = arith.constant 0 : i32
      %parallel_loop3A_95 = arith.constant 128 : i32
      %parallel_loop3A_96 = arith.constant 1 : i32
      scf.for %parallel_loop3A_99 = %parallel_loop3A_94 to %parallel_loop3A_95 step %parallel_loop3A_96  : i32 {
        %parallel_loop3A_100 = arith.constant 16 : i32
        %parallel_loop3A_101 = arith.muli %parallel_loop3A_99, %parallel_loop3A_100 : i32
        %parallel_loop3A_102 = arith.index_cast %parallel_loop3A_101 : i32 to index
        %parallel_loop3A_103 = tpu.vector_load %arg6[%parallel_loop3A_102] {strides = array<i32>} : memref<32768xf32, #tpu.memory_space<vmem>>, vector<16xf32>,
        %parallel_loop3A_104 = arith.constant 16 : i32
        %parallel_loop3A_105 = arith.muli %parallel_loop3A_99, %parallel_loop3A_104 : i32
        %parallel_loop3A_106 = arith.constant 2048 : i32
        %parallel_loop3A_107 = arith.addi %parallel_loop3A_106, %parallel_loop3A_105 : i32
        %parallel_loop3A_108 = arith.index_cast %parallel_loop3A_107 : i32 to index
        %parallel_loop3A_109 = tpu.vector_load %arg6[%parallel_loop3A_108] {strides = array<i32>} : memref<32768xf32, #tpu.memory_space<vmem>>, vector<16xf32>,
        %parallel_loop3A_110 = arith.addf %parallel_loop3A_103, %parallel_loop3A_109 : vector<16xf32>
        %parallel_loop3A_111 = arith.constant 16 : i32
        %parallel_loop3A_112 = arith.muli %parallel_loop3A_99, %parallel_loop3A_111 : i32
        %parallel_loop3A_113 = arith.constant 4096 : i32
        %parallel_loop3A_114 = arith.addi %parallel_loop3A_113, %parallel_loop3A_112 : i32
        %parallel_loop3A_115 = arith.index_cast %parallel_loop3A_114 : i32 to index
        %parallel_loop3A_116 = tpu.vector_load %arg6[%parallel_loop3A_115] {strides = array<i32>} : memref<32768xf32, #tpu.memory_space<vmem>>, vector<16xf32>,
        %parallel_loop3A_117 = arith.addf %parallel_loop3A_110, %parallel_loop3A_116 : vector<16xf32>
        %parallel_loop3A_118 = arith.constant 16 : i32
        %parallel_loop3A_119 = arith.muli %parallel_loop3A_99, %parallel_loop3A_118 : i32
        %parallel_loop3A_120 = arith.constant 6144 : i32
        %parallel_loop3A_121 = arith.addi %parallel_loop3A_120, %parallel_loop3A_119 : i32
        %parallel_loop3A_122 = arith.index_cast %parallel_loop3A_121 : i32 to index
        %parallel_loop3A_123 = tpu.vector_load %arg6[%parallel_loop3A_122] {strides = array<i32>} : memref<32768xf32, #tpu.memory_space<vmem>>, vector<16xf32>,
        %parallel_loop3A_124 = arith.addf %parallel_loop3A_117, %parallel_loop3A_123 : vector<16xf32>
        %parallel_loop3A_125 = arith.constant 16 : i32
        %parallel_loop3A_126 = arith.muli %parallel_loop3A_99, %parallel_loop3A_125 : i32
        %parallel_loop3A_127 = arith.constant 8192 : i32
        %parallel_loop3A_128 = arith.addi %parallel_loop3A_127, %parallel_loop3A_126 : i32
        %parallel_loop3A_129 = arith.index_cast %parallel_loop3A_128 : i32 to index
        %parallel_loop3A_130 = tpu.vector_load %arg6[%parallel_loop3A_129] {strides = array<i32>} : memref<32768xf32, #tpu.memory_space<vmem>>, vector<16xf32>,
        %parallel_loop3A_131 = arith.addf %parallel_loop3A_124, %parallel_loop3A_130 : vector<16xf32>
        %parallel_loop3A_132 = arith.constant 16 : i32
        %parallel_loop3A_133 = arith.muli %parallel_loop3A_99, %parallel_loop3A_132 : i32
        %parallel_loop3A_134 = arith.constant 10240 : i32
        %parallel_loop3A_135 = arith.addi %parallel_loop3A_134, %parallel_loop3A_133 : i32
        %parallel_loop3A_136 = arith.index_cast %parallel_loop3A_135 : i32 to index
        %parallel_loop3A_137 = tpu.vector_load %arg6[%parallel_loop3A_136] {strides = array<i32>} : memref<32768xf32, #tpu.memory_space<vmem>>, vector<16xf32>,
        %parallel_loop3A_138 = arith.addf %parallel_loop3A_131, %parallel_loop3A_137 : vector<16xf32>
        %parallel_loop3A_139 = arith.constant 16 : i32
        %parallel_loop3A_140 = arith.muli %parallel_loop3A_99, %parallel_loop3A_139 : i32
        %parallel_loop3A_141 = arith.constant 12288 : i32
        %parallel_loop3A_142 = arith.addi %parallel_loop3A_141, %parallel_loop3A_140 : i32
        %parallel_loop3A_143 = arith.index_cast %parallel_loop3A_142 : i32 to index
        %parallel_loop3A_144 = tpu.vector_load %arg6[%parallel_loop3A_143] {strides = array<i32>} : memref<32768xf32, #tpu.memory_space<vmem>>, vector<16xf32>,
        %parallel_loop3A_145 = arith.addf %parallel_loop3A_138, %parallel_loop3A_144 : vector<16xf32>
        %parallel_loop3A_146 = arith.constant 16 : i32
        %parallel_loop3A_147 = arith.muli %parallel_loop3A_99, %parallel_loop3A_146 : i32
        %parallel_loop3A_148 = arith.constant 14336 : i32
        %parallel_loop3A_149 = arith.addi %parallel_loop3A_148, %parallel_loop3A_147 : i32
        %parallel_loop3A_150 = arith.index_cast %parallel_loop3A_149 : i32 to index
        %parallel_loop3A_151 = tpu.vector_load %arg6[%parallel_loop3A_150] {strides = array<i32>} : memref<32768xf32, #tpu.memory_space<vmem>>, vector<16xf32>,
        %parallel_loop3A_152 = arith.addf %parallel_loop3A_145, %parallel_loop3A_151 : vector<16xf32>
        %parallel_loop3A_153 = arith.constant 16 : i32
        %parallel_loop3A_154 = arith.muli %parallel_loop3A_99, %parallel_loop3A_153 : i32
        %parallel_loop3A_155 = arith.constant 16384 : i32
        %parallel_loop3A_156 = arith.addi %parallel_loop3A_155, %parallel_loop3A_154 : i32
        %parallel_loop3A_157 = arith.index_cast %parallel_loop3A_156 : i32 to index
        %parallel_loop3A_158 = tpu.vector_load %arg6[%parallel_loop3A_157] {strides = array<i32>} : memref<32768xf32, #tpu.memory_space<vmem>>, vector<16xf32>,
        %parallel_loop3A_159 = arith.addf %parallel_loop3A_152, %parallel_loop3A_158 : vector<16xf32>
        %parallel_loop3A_160 = arith.constant 16 : i32
        %parallel_loop3A_161 = arith.muli %parallel_loop3A_99, %parallel_loop3A_160 : i32
        %parallel_loop3A_162 = arith.constant 18432 : i32
        %parallel_loop3A_163 = arith.addi %parallel_loop3A_162, %parallel_loop3A_161 : i32
        %parallel_loop3A_164 = arith.index_cast %parallel_loop3A_163 : i32 to index
        %parallel_loop3A_165 = tpu.vector_load %arg6[%parallel_loop3A_164] {strides = array<i32>} : memref<32768xf32, #tpu.memory_space<vmem>>, vector<16xf32>,
        %parallel_loop3A_166 = arith.addf %parallel_loop3A_159, %parallel_loop3A_165 : vector<16xf32>
        %parallel_loop3A_167 = arith.constant 16 : i32
        %parallel_loop3A_168 = arith.muli %parallel_loop3A_99, %parallel_loop3A_167 : i32
        %parallel_loop3A_169 = arith.constant 20480 : i32
        %parallel_loop3A_170 = arith.addi %parallel_loop3A_169, %parallel_loop3A_168 : i32
        %parallel_loop3A_171 = arith.index_cast %parallel_loop3A_170 : i32 to index
        %parallel_loop3A_172 = tpu.vector_load %arg6[%parallel_loop3A_171] {strides = array<i32>} : memref<32768xf32, #tpu.memory_space<vmem>>, vector<16xf32>,
        %parallel_loop3A_173 = arith.addf %parallel_loop3A_166, %parallel_loop3A_172 : vector<16xf32>
        %parallel_loop3A_174 = arith.constant 16 : i32
        %parallel_loop3A_175 = arith.muli %parallel_loop3A_99, %parallel_loop3A_174 : i32
        %parallel_loop3A_176 = arith.constant 22528 : i32
        %parallel_loop3A_177 = arith.addi %parallel_loop3A_176, %parallel_loop3A_175 : i32
        %parallel_loop3A_178 = arith.index_cast %parallel_loop3A_177 : i32 to index
        %parallel_loop3A_179 = tpu.vector_load %arg6[%parallel_loop3A_178] {strides = array<i32>} : memref<32768xf32, #tpu.memory_space<vmem>>, vector<16xf32>,
        %parallel_loop3A_180 = arith.addf %parallel_loop3A_173, %parallel_loop3A_179 : vector<16xf32>
        %parallel_loop3A_181 = arith.constant 16 : i32
        %parallel_loop3A_182 = arith.muli %parallel_loop3A_99, %parallel_loop3A_181 : i32
        %parallel_loop3A_183 = arith.constant 24576 : i32
        %parallel_loop3A_184 = arith.addi %parallel_loop3A_183, %parallel_loop3A_182 : i32
        %parallel_loop3A_185 = arith.index_cast %parallel_loop3A_184 : i32 to index
        %parallel_loop3A_186 = tpu.vector_load %arg6[%parallel_loop3A_185] {strides = array<i32>} : memref<32768xf32, #tpu.memory_space<vmem>>, vector<16xf32>,
        %parallel_loop3A_187 = arith.addf %parallel_loop3A_180, %parallel_loop3A_186 : vector<16xf32>
        %parallel_loop3A_188 = arith.constant 16 : i32
        %parallel_loop3A_189 = arith.muli %parallel_loop3A_99, %parallel_loop3A_188 : i32
        %parallel_loop3A_190 = arith.constant 26624 : i32
        %parallel_loop3A_191 = arith.addi %parallel_loop3A_190, %parallel_loop3A_189 : i32
        %parallel_loop3A_192 = arith.index_cast %parallel_loop3A_191 : i32 to index
        %parallel_loop3A_193 = tpu.vector_load %arg6[%parallel_loop3A_192] {strides = array<i32>} : memref<32768xf32, #tpu.memory_space<vmem>>, vector<16xf32>,
        %parallel_loop3A_194 = arith.addf %parallel_loop3A_187, %parallel_loop3A_193 : vector<16xf32>
        %parallel_loop3A_195 = arith.constant 16 : i32
        %parallel_loop3A_196 = arith.muli %parallel_loop3A_99, %parallel_loop3A_195 : i32
        %parallel_loop3A_197 = arith.constant 28672 : i32
        %parallel_loop3A_198 = arith.addi %parallel_loop3A_197, %parallel_loop3A_196 : i32
        %parallel_loop3A_199 = arith.index_cast %parallel_loop3A_198 : i32 to index
        %parallel_loop3A_200 = tpu.vector_load %arg6[%parallel_loop3A_199] {strides = array<i32>} : memref<32768xf32, #tpu.memory_space<vmem>>, vector<16xf32>,
        %parallel_loop3A_201 = arith.addf %parallel_loop3A_194, %parallel_loop3A_200 : vector<16xf32>
        %parallel_loop3A_202 = arith.constant 16 : i32
        %parallel_loop3A_203 = arith.muli %parallel_loop3A_99, %parallel_loop3A_202 : i32
        %parallel_loop3A_204 = arith.constant 30720 : i32
        %parallel_loop3A_205 = arith.addi %parallel_loop3A_204, %parallel_loop3A_203 : i32
        %parallel_loop3A_206 = arith.index_cast %parallel_loop3A_205 : i32 to index
        %parallel_loop3A_207 = tpu.vector_load %arg6[%parallel_loop3A_206] {strides = array<i32>} : memref<32768xf32, #tpu.memory_space<vmem>>, vector<16xf32>,
        %parallel_loop3A_208 = arith.addf %parallel_loop3A_201, %parallel_loop3A_207 : vector<16xf32>
        %parallel_loop3A_209 = arith.constant 16 : i32
        %parallel_loop3A_210 = arith.muli %parallel_loop3A_99, %parallel_loop3A_209 : i32
        %parallel_loop3A_211 = arith.index_cast %parallel_loop3A_210 : i32 to index
        %parallel_loop3A_212 = tpu.vector_load %arg7[%parallel_loop3A_211] {strides = array<i32>} : memref<2048xf32, #tpu.memory_space<vmem>>, vector<16xf32>,
        tpu.vector_store %arg7[%parallel_loop3A_211], %parallel_loop3A_208 {strides = array<i32>} : memref<2048xf32, #tpu.memory_space<vmem>>, vector<16xf32>,
      } {sc.loop_unroll_factor = 2 : i64, sc.parallel_access}
      %mul3A_97 = arith.constant 2048 : i32
      %mul3A_98 = arith.muli %add3A_16, %mul3A_97 : i32
      "tpu.region"() ({
        %run_scoped3A = tpu.sem_alloc : memref<!tpu.dma_semaphore, #tpu.memory_space<semaphore_mem>>
        %dma_start3A_99 = tpu.memref_slice %arg3[%mul3A_98] : memref<172032xf32, #tpu.memory_space<hbm>> -> memref<2048xf32, #tpu.memory_space<hbm>>
        %dma_start3A_100 = tpu.memref_slice %arg3[%mul3A_98] : memref<172032xf32, #tpu.memory_space<hbm>> -> memref<2048xf32, #tpu.memory_space<hbm>>
        tpu.enqueue_dma source(%arg7 : memref<2048xf32, #tpu.memory_space<vmem>>) target(%dma_start3A_100 : memref<2048xf32, #tpu.memory_space<hbm>>) target_semaphore(%run_scoped3A : memref<!tpu.dma_semaphore, #tpu.memory_space<semaphore_mem>>)
        %dma_wait3A_101 = tpu.memref_slice %arg3[%mul3A_98] : memref<172032xf32, #tpu.memory_space<hbm>> -> memref<2048xf32, #tpu.memory_space<hbm>>
        %dma_wait3A_102 = tpu.memref_slice %arg3[%mul3A_98] : memref<172032xf32, #tpu.memory_space<hbm>> -> memref<2048xf32, #tpu.memory_space<hbm>>
        tpu.wait_dma2 semaphore(%run_scoped3A : memref<!tpu.dma_semaphore, #tpu.memory_space<semaphore_mem>>) src(%arg7 : memref<2048xf32, #tpu.memory_space<vmem>>) dst(%dma_wait3A_102 : memref<2048xf32, #tpu.memory_space<hbm>>)
        tpu.yield
      }) : () -> ()
    } else {
    }
    return
  }
}

module attributes {stable_mosaic.version = 14 : i64} {
  func.func @_binidx_body(%arg0: i32, %arg1: i32, %arg2: i32, %arg3: memref<1x1x128x512xf32, #tpu.memory_space<vmem>>, %arg4: memref<1x512x512xf32, #tpu.memory_space<vmem>>, %arg5: memref<1x512x512xi32, #tpu.memory_space<vmem>>, %arg6: memref<1x512x128xi32, #tpu.memory_space<vmem>>) attributes {dimension_semantics = [#tpu.dimension_semantics<arbitrary>, #tpu.dimension_semantics<arbitrary>, #tpu.dimension_semantics<arbitrary>], iteration_bounds = array<i64: 4, 21, 4>, scalar_prefetch = 0 : i64, scratch_operands = 0 : i64, tpu.core_type = #tpu.core_type<tc>, window_params = [{transform_indices = @transform_0, window_bounds = array<i64: 1, 1, 128, 512>}, {transform_indices = @transform_1, window_bounds = array<i64: 1, 512, 512>}, {transform_indices = @transform_2, window_bounds = array<i64: 1, 512, 512>}, {transform_indices = @transform_3, window_bounds = array<i64: 1, 512, 128>}]} {
    %get3A = arith.constant 0 : index
    %get3A_0 = arith.constant 0 : index
    %get3A_1 = arith.constant 0 : index
    %get3A_2 = arith.constant 0 : index
    %get3A_3 = vector.load %arg3[%get3A, %get3A_0, %get3A_1, %get3A_2] : memref<1x1x128x512xf32, #tpu.memory_space<vmem>>, vector<1x1x128x512xf32>
    %get3A_4 = vector.shape_cast %get3A_3 : vector<1x1x128x512xf32> to vector<128x512xf32>
    %mul3A = arith.constant 128 : i32
    %mul3A_5 = arith.muli %arg2, %mul3A : i32
    %get3A_6 = arith.constant 0 : index
    %get3A_7 = arith.index_cast %mul3A_5 : i32 to index
    %get3A_8 = arith.constant 0 : index
    %get3A_9 = vector.load %arg4[%get3A_6, %get3A_7, %get3A_8] : memref<1x512x512xf32, #tpu.memory_space<vmem>>, vector<1x128x512xf32>
    %get3A_10 = vector.shape_cast %get3A_9 : vector<1x128x512xf32> to vector<128x512xf32>
    %mul3A_11 = arith.constant 128 : i32
    %mul3A_12 = arith.muli %arg2, %mul3A_11 : i32
    %get3A_13 = arith.constant 0 : index
    %get3A_14 = arith.index_cast %mul3A_12 : i32 to index
    %get3A_15 = arith.constant 0 : index
    %get3A_16 = vector.load %arg5[%get3A_13, %get3A_14, %get3A_15] : memref<1x512x512xi32, #tpu.memory_space<vmem>>, vector<1x128x512xi32>
    %get3A_17 = vector.shape_cast %get3A_16 : vector<1x128x512xi32> to vector<128x512xi32>
    %sub3A = arith.subf %get3A_4, %get3A_10 : vector<128x512xf32>
    %exp3A = math.exp %sub3A : vector<128x512xf32>
    %eq3A = vector.broadcast %arg1 : i32 to vector<128x512xi32>
    %eq3A_18 = arith.cmpi eq, %get3A_17, %eq3A : vector<128x512xi32>
    %sub3A_19 = arith.constant 1.000000e+00 : f32
    %sub3A_20 = vector.broadcast %sub3A_19 : f32 to vector<128x512xf32>
    %sub3A_21 = arith.subf %sub3A_20, %exp3A : vector<128x512xf32>
    %select_n3A = arith.select %eq3A_18, %sub3A_21, %exp3A : vector<128x512xi1>, vector<128x512xf32>
    %mul3A_22 = arith.constant 1.024000e+03 : f32
    %mul3A_23 = vector.broadcast %mul3A_22 : f32 to vector<128x512xf32>
    %mul3A_24 = arith.mulf %select_n3A, %mul3A_23 : vector<128x512xf32>
    %convert_element_type3A = arith.fptosi %mul3A_24 : vector<128x512xf32> to vector<128x512xi32>
    %min3A = arith.constant 1023 : i32
    %min3A_25 = vector.broadcast %min3A : i32 to vector<128x512xi32>
    %min3A_26 = arith.minsi %convert_element_type3A, %min3A_25 : vector<128x512xi32>
    %iota3A = tpu.iota {dimensions = array<i32: 1>} : vector<128x512xi32>
    %jit3A = arith.constant 16 : i32
    %eq3A_27 = arith.constant 0 : i32
    %eq3A_28 = arith.cmpi eq, %jit3A, %eq3A_27 : i32
    %jit3A_29 = arith.constant 1 : i32
    %select_n3A_30 = arith.select %eq3A_28, %jit3A_29, %jit3A : i32
    %rem3A = vector.broadcast %select_n3A_30 : i32 to vector<128x512xi32>
    %rem3A_31 = arith.remsi %iota3A, %rem3A : vector<128x512xi32>
    %ne3A = arith.constant 0 : i32
    %ne3A_32 = vector.broadcast %ne3A : i32 to vector<128x512xi32>
    %ne3A_33 = arith.cmpi ne, %rem3A_31, %ne3A_32 : vector<128x512xi32>
    %lt3A = arith.constant 0 : i32
    %lt3A_34 = vector.broadcast %lt3A : i32 to vector<128x512xi32>
    %lt3A_35 = arith.cmpi slt, %rem3A_31, %lt3A_34 : vector<128x512xi32>
    %lt3A_36 = arith.constant 0 : i32
    %lt3A_37 = arith.cmpi slt, %select_n3A_30, %lt3A_36 : i32
    %ne3A_38 = vector.broadcast %lt3A_37 : i1 to vector<128x512xi1>
    %ne3A_39 = vector.broadcast %ne3A_38 : vector<128x512xi1> to vector<128x512xi1>
    %ne3A_40 = arith.xori %lt3A_35, %ne3A_39 : vector<128x512xi1>
    %and3A = arith.andi %ne3A_40, %ne3A_33 : vector<128x512xi1>
    %add3A = vector.broadcast %select_n3A_30 : i32 to vector<128x512xi32>
    %add3A_41 = arith.addi %rem3A_31, %add3A : vector<128x512xi32>
    %select_n3A_42 = arith.select %and3A, %add3A_41, %rem3A_31 : vector<128x512xi1>, vector<128x512xi32>
    %mul3A_43 = arith.constant 2048 : i32
    %mul3A_44 = vector.broadcast %mul3A_43 : i32 to vector<128x512xi32>
    %mul3A_45 = arith.muli %select_n3A_42, %mul3A_44 : vector<128x512xi32>
    %jit3A_46 = arith.constant 1024 : i32
    %jit3A_47 = arith.constant 0 : i32
    %broadcast_in_dim3A = vector.broadcast %jit3A_46 : i32 to vector<128x512xi32>
    %broadcast_in_dim3A_48 = vector.broadcast %jit3A_47 : i32 to vector<128x512xi32>
    %select_n3A_49 = arith.select %eq3A_18, %broadcast_in_dim3A, %broadcast_in_dim3A_48 : vector<128x512xi1>, vector<128x512xi32>
    %add3A_50 = arith.addi %mul3A_45, %select_n3A_49 : vector<128x512xi32>
    %add3A_51 = arith.addi %add3A_50, %min3A_26 : vector<128x512xi32>
    %slice3A = vector.extract_strided_slice %add3A_51 {offsets = [0, 0], sizes = [128, 128], strides = [1, 1]} : vector<128x512xi32> to vector<128x128xi32>
    %swap3A = arith.constant 0 : index
    %swap3A_52 = arith.constant 0 : index
    %swap3A_53 = arith.constant 0 : index
    %swap3A_54 = vector.load %arg6[%swap3A, %swap3A_52, %swap3A_53] : memref<1x512x128xi32, #tpu.memory_space<vmem>>, vector<1x128x128xi32>
    %swap3A_55 = vector.shape_cast %swap3A_54 : vector<1x128x128xi32> to vector<128x128xi32>
    %swap3A_56 = vector.shape_cast %slice3A : vector<128x128xi32> to vector<1x128x128xi32>
    tpu.vector_store %arg6[%swap3A, %swap3A_52, %swap3A_53], %swap3A_56 {strides = array<i32>} : memref<1x512x128xi32, #tpu.memory_space<vmem>>, vector<1x128x128xi32>,
    %slice3A_57 = vector.extract_strided_slice %add3A_51 {offsets = [0, 128], sizes = [128, 128], strides = [1, 1]} : vector<128x512xi32> to vector<128x128xi32>
    %swap3A_58 = arith.constant 0 : index
    %swap3A_59 = arith.constant 128 : index
    %swap3A_60 = arith.constant 0 : index
    %swap3A_61 = vector.load %arg6[%swap3A_58, %swap3A_59, %swap3A_60] : memref<1x512x128xi32, #tpu.memory_space<vmem>>, vector<1x128x128xi32>
    %swap3A_62 = vector.shape_cast %swap3A_61 : vector<1x128x128xi32> to vector<128x128xi32>
    %swap3A_63 = vector.shape_cast %slice3A_57 : vector<128x128xi32> to vector<1x128x128xi32>
    tpu.vector_store %arg6[%swap3A_58, %swap3A_59, %swap3A_60], %swap3A_63 {strides = array<i32>} : memref<1x512x128xi32, #tpu.memory_space<vmem>>, vector<1x128x128xi32>,
    %slice3A_64 = vector.extract_strided_slice %add3A_51 {offsets = [0, 256], sizes = [128, 128], strides = [1, 1]} : vector<128x512xi32> to vector<128x128xi32>
    %swap3A_65 = arith.constant 0 : index
    %swap3A_66 = arith.constant 256 : index
    %swap3A_67 = arith.constant 0 : index
    %swap3A_68 = vector.load %arg6[%swap3A_65, %swap3A_66, %swap3A_67] : memref<1x512x128xi32, #tpu.memory_space<vmem>>, vector<1x128x128xi32>
    %swap3A_69 = vector.shape_cast %swap3A_68 : vector<1x128x128xi32> to vector<128x128xi32>
    %swap3A_70 = vector.shape_cast %slice3A_64 : vector<128x128xi32> to vector<1x128x128xi32>
    tpu.vector_store %arg6[%swap3A_65, %swap3A_66, %swap3A_67], %swap3A_70 {strides = array<i32>} : memref<1x512x128xi32, #tpu.memory_space<vmem>>, vector<1x128x128xi32>,
    %slice3A_71 = vector.extract_strided_slice %add3A_51 {offsets = [0, 384], sizes = [128, 128], strides = [1, 1]} : vector<128x512xi32> to vector<128x128xi32>
    %swap3A_72 = arith.constant 0 : index
    %swap3A_73 = arith.constant 384 : index
    %swap3A_74 = arith.constant 0 : index
    %swap3A_75 = vector.load %arg6[%swap3A_72, %swap3A_73, %swap3A_74] : memref<1x512x128xi32, #tpu.memory_space<vmem>>, vector<1x128x128xi32>
    %swap3A_76 = vector.shape_cast %swap3A_75 : vector<1x128x128xi32> to vector<128x128xi32>
    %swap3A_77 = vector.shape_cast %slice3A_71 : vector<128x128xi32> to vector<1x128x128xi32>
    tpu.vector_store %arg6[%swap3A_72, %swap3A_73, %swap3A_74], %swap3A_77 {strides = array<i32>} : memref<1x512x128xi32, #tpu.memory_space<vmem>>, vector<1x128x128xi32>,
    return
  }
  func.func @transform_0(%arg0: i32, %arg1: i32, %arg2: i32) -> (i32, i32, i32, i32) {
    %c0_i32 = arith.constant 0 : i32
    %c0_i32_0 = arith.constant 0 : i32
    return %arg0, %arg1, %arg2, %c0_i32 : i32, i32, i32, i32
  }
  func.func @transform_1(%arg0: i32, %arg1: i32, %arg2: i32) -> (i32, i32, i32) {
    %c0_i32 = arith.constant 0 : i32
    %c0_i32_0 = arith.constant 0 : i32
    %c0_i32_1 = arith.constant 0 : i32
    return %arg0, %c0_i32, %c0_i32_0 : i32, i32, i32
  }
  func.func @transform_2(%arg0: i32, %arg1: i32, %arg2: i32) -> (i32, i32, i32) {
    %c0_i32 = arith.constant 0 : i32
    %c0_i32_0 = arith.constant 0 : i32
    %c0_i32_1 = arith.constant 0 : i32
    return %arg0, %c0_i32, %c0_i32_0 : i32, i32, i32
  }
  func.func @transform_3(%arg0: i32, %arg1: i32, %arg2: i32) -> (i32, i32, i32) {
    %mul3A = arith.constant 4 : i32
    %mul3A_0 = arith.muli %arg0, %mul3A : i32
    %add3A = arith.addi %mul3A_0, %arg2 : i32
    %c0_i32 = arith.constant 0 : i32
    %c0_i32_1 = arith.constant 0 : i32
    return %arg1, %add3A, %c0_i32 : i32, i32, i32
  }
}

module attributes {stable_mosaic.version = 14 : i64} {
  func.func @_finalize_body(%arg0: memref<84x2048xf32, #tpu.memory_space<vmem>>, %arg1: memref<1x1xf32, #tpu.memory_space<vmem>>) attributes {dimension_semantics = [], scalar_prefetch = 0 : i64, scratch_operands = 0 : i64, tpu.core_type = #tpu.core_type<tc>} {
    %get3A = arith.constant 0 : index
    %get3A_0 = arith.constant 0 : index
    %get3A_1 = vector.load %arg0[%get3A, %get3A_0] : memref<84x2048xf32, #tpu.memory_space<vmem>>, vector<84x2048xf32>
    %slice3A = vector.extract_strided_slice %get3A_1 {offsets = [0, 0], sizes = [84, 1024], strides = [1, 1]} : vector<84x2048xf32> to vector<84x1024xf32>
    %slice3A_2 = vector.extract_strided_slice %get3A_1 {offsets = [0, 1024], sizes = [84, 1024], strides = [1, 1]} : vector<84x2048xf32> to vector<84x1024xf32>
    %add3A = arith.addf %slice3A, %slice3A_2 : vector<84x1024xf32>
    %iota3A = tpu.iota {dimensions = array<i32: 0>} : vector<1024x1024xi32>
    %iota3A_3 = tpu.iota {dimensions = array<i32: 1>} : vector<1024x1024xi32>
    %ge3A = arith.cmpi sge, %iota3A, %iota3A_3 : vector<1024x1024xi32>
    %convert_element_type3A = arith.extui %ge3A : vector<1024x1024xi1> to vector<1024x1024xi32>
    %convert_element_type3A_4 = arith.sitofp %convert_element_type3A : vector<1024x1024xi32> to vector<1024x1024xf32>
    %dot_general3A = arith.constant dense<0.000000e+00> : vector<84x1024xf32>
    %dot_general3A_5 = tpu.matmul %add3A, %convert_element_type3A_4, %dot_general3A {dimension_numbers = #tpu.dot_dimension_numbers<[1], [0], [0], [1], [0, 0, 1, 1], [], []>, transpose_lhs_hint = false} : vector<84x1024xf32>, vector<1024x1024xf32>, vector<84x1024xf32> -> vector<84x1024xf32>
    %dot_general3A_6 = arith.constant dense<0.000000e+00> : vector<84x1024xf32>
    %dot_general3A_7 = tpu.matmul %slice3A_2, %convert_element_type3A_4, %dot_general3A_6 {dimension_numbers = #tpu.dot_dimension_numbers<[1], [0], [0], [1], [0, 0, 1, 1], [], []>, transpose_lhs_hint = false} : vector<84x1024xf32>, vector<1024x1024xf32>, vector<84x1024xf32> -> vector<84x1024xf32>
    %slice3A_8 = vector.extract_strided_slice %dot_general3A_7 {offsets = [0, 0], sizes = [84, 1], strides = [1, 1]} : vector<84x1024xf32> to vector<84x1xf32>
    %sub3A = vector.broadcast %slice3A_8 : vector<84x1xf32> to vector<84x1024xf32>
    %sub3A_9 = arith.subf %sub3A, %dot_general3A_7 : vector<84x1024xf32>
    %add3A_10 = vector.broadcast %slice3A_8 : vector<84x1xf32> to vector<84x1024xf32>
    %add3A_11 = arith.addf %add3A_10, %dot_general3A_5 : vector<84x1024xf32>
    %sub3A_12 = arith.subf %add3A_11, %dot_general3A_7 : vector<84x1024xf32>
    %max3A = arith.constant 1.000000e+00 : f32
    %max3A_13 = vector.broadcast %max3A : f32 to vector<84x1024xf32>
    %max3A_14 = arith.maximumf %sub3A_12, %max3A_13 : vector<84x1024xf32>
    %div3A = arith.divf %sub3A_9, %max3A_14 : vector<84x1024xf32>
    %sub3A_15 = arith.constant 1.000000e+00 : f32
    %sub3A_16 = vector.broadcast %sub3A_15 : f32 to vector<84x1024xf32>
    %sub3A_17 = arith.subf %sub3A_16, %div3A : vector<84x1024xf32>
    %reduce_sum3A = arith.constant dense<0.000000e+00> : vector<84xf32>
    %reduce_sum3A_18 = vector.multi_reduction <add>, %sub3A_17, %reduce_sum3A [1] : vector<84x1024xf32> to vector<84xf32>
    %slice3A_19 = vector.extract_strided_slice %sub3A_17 {offsets = [0, 0], sizes = [84, 1], strides = [1, 1]} : vector<84x1024xf32> to vector<84x1xf32>
    %squeeze3A = vector.shape_cast %slice3A_19 : vector<84x1xf32> to vector<84xf32>
    %mul3A = arith.constant 5.000000e-01 : f32
    %mul3A_20 = vector.broadcast %mul3A : f32 to vector<84xf32>
    %mul3A_21 = arith.mulf %mul3A_20, %squeeze3A : vector<84xf32>
    %sub3A_22 = arith.subf %reduce_sum3A_18, %mul3A_21 : vector<84xf32>
    %mul3A_23 = arith.constant 9.765625E-4 : f32
    %mul3A_24 = vector.broadcast %mul3A_23 : f32 to vector<84xf32>
    %mul3A_25 = arith.mulf %sub3A_22, %mul3A_24 : vector<84xf32>
    %squeeze3A_26 = vector.shape_cast %slice3A_8 : vector<84x1xf32> to vector<84xf32>
    %gt3A = arith.constant 0.000000e+00 : f32
    %gt3A_27 = vector.broadcast %gt3A : f32 to vector<84xf32>
    %gt3A_28 = arith.cmpf ogt, %squeeze3A_26, %gt3A_27 : vector<84xf32>
    %convert_element_type3A_29 = arith.extui %gt3A_28 : vector<84xi1> to vector<84xi32>
    %convert_element_type3A_30 = arith.sitofp %convert_element_type3A_29 : vector<84xi32> to vector<84xf32>
    %mul3A_31 = arith.mulf %mul3A_25, %convert_element_type3A_30 : vector<84xf32>
    %iota3A_32 = tpu.iota {dimensions = array<i32: 0>} : vector<84x4xi32>
    %jit3A = arith.constant 4 : i32
    %eq3A = arith.constant 0 : i32
    %eq3A_33 = arith.cmpi eq, %jit3A, %eq3A : i32
    %jit3A_34 = arith.constant 1 : i32
    %select_n3A = arith.select %eq3A_33, %jit3A_34, %jit3A : i32
    %rem3A = vector.broadcast %select_n3A : i32 to vector<84x4xi32>
    %rem3A_35 = arith.remsi %iota3A_32, %rem3A : vector<84x4xi32>
    %ne3A = arith.constant 0 : i32
    %ne3A_36 = vector.broadcast %ne3A : i32 to vector<84x4xi32>
    %ne3A_37 = arith.cmpi ne, %rem3A_35, %ne3A_36 : vector<84x4xi32>
    %lt3A = arith.constant 0 : i32
    %lt3A_38 = vector.broadcast %lt3A : i32 to vector<84x4xi32>
    %lt3A_39 = arith.cmpi slt, %rem3A_35, %lt3A_38 : vector<84x4xi32>
    %lt3A_40 = arith.constant 0 : i32
    %lt3A_41 = arith.cmpi slt, %select_n3A, %lt3A_40 : i32
    %ne3A_42 = vector.broadcast %lt3A_41 : i1 to vector<84x4xi1>
    %ne3A_43 = vector.broadcast %ne3A_42 : vector<84x4xi1> to vector<84x4xi1>
    %ne3A_44 = arith.xori %lt3A_39, %ne3A_43 : vector<84x4xi1>
    %and3A = arith.andi %ne3A_44, %ne3A_37 : vector<84x4xi1>
    %add3A_45 = vector.broadcast %select_n3A : i32 to vector<84x4xi32>
    %add3A_46 = arith.addi %rem3A_35, %add3A_45 : vector<84x4xi32>
    %select_n3A_47 = arith.select %and3A, %add3A_46, %rem3A_35 : vector<84x4xi1>, vector<84x4xi32>
    %iota3A_48 = tpu.iota {dimensions = array<i32: 1>} : vector<84x4xi32>
    %eq3A_49 = arith.cmpi eq, %select_n3A_47, %iota3A_48 : vector<84x4xi32>
    %convert_element_type3A_50 = arith.extui %eq3A_49 : vector<84x4xi1> to vector<84x4xi32>
    %convert_element_type3A_51 = arith.sitofp %convert_element_type3A_50 : vector<84x4xi32> to vector<84x4xf32>
    %broadcast_in_dim3A = vector.shape_cast %mul3A_31 : vector<84xf32> to vector<84x1xf32>
    %mul3A_52 = vector.broadcast %broadcast_in_dim3A : vector<84x1xf32> to vector<84x4xf32>
    %mul3A_53 = arith.mulf %mul3A_52, %convert_element_type3A_51 : vector<84x4xf32>
    %reduce_sum3A_54 = arith.constant dense<0.000000e+00> : vector<4xf32>
    %reduce_sum3A_55 = vector.multi_reduction <add>, %mul3A_53, %reduce_sum3A_54 [0] : vector<84x4xf32> to vector<4xf32>
    %broadcast_in_dim3A_56 = vector.shape_cast %convert_element_type3A_30 : vector<84xf32> to vector<84x1xf32>
    %mul3A_57 = vector.broadcast %broadcast_in_dim3A_56 : vector<84x1xf32> to vector<84x4xf32>
    %mul3A_58 = arith.mulf %mul3A_57, %convert_element_type3A_51 : vector<84x4xf32>
    %reduce_sum3A_59 = arith.constant dense<0.000000e+00> : vector<4xf32>
    %reduce_sum3A_60 = vector.multi_reduction <add>, %mul3A_58, %reduce_sum3A_59 [0] : vector<84x4xf32> to vector<4xf32>
    %gt3A_61 = arith.constant 0.000000e+00 : f32
    %gt3A_62 = vector.broadcast %gt3A_61 : f32 to vector<4xf32>
    %gt3A_63 = arith.cmpf ogt, %reduce_sum3A_60, %gt3A_62 : vector<4xf32>
    %max3A_64 = arith.constant 1.000000e+00 : f32
    %max3A_65 = vector.broadcast %max3A_64 : f32 to vector<4xf32>
    %max3A_66 = arith.maximumf %reduce_sum3A_60, %max3A_65 : vector<4xf32>
    %div3A_67 = arith.divf %reduce_sum3A_55, %max3A_66 : vector<4xf32>
    %jit3A_68 = arith.constant 0.000000e+00 : f32
    %broadcast_in_dim3A_69 = vector.broadcast %jit3A_68 : f32 to vector<4xf32>
    %select_n3A_70 = arith.select %gt3A_63, %div3A_67, %broadcast_in_dim3A_69 : vector<4xi1>, vector<4xf32>
    %reduce_sum3A_71 = vector.shape_cast %select_n3A_70 : vector<4xf32> to vector<1x4xf32>
    %reduce_sum3A_72 = arith.constant dense<0.000000e+00> : vector<1xf32>
    %reduce_sum3A_73 = vector.multi_reduction <add>, %reduce_sum3A_71, %reduce_sum3A_72 [1] : vector<1x4xf32> to vector<1xf32>
    %reduce_sum3A_74 = vector.shape_cast %reduce_sum3A_73 : vector<1xf32> to vector<1x1xf32>
    %reduce_sum3A_75 = vector.extract %reduce_sum3A_74[0, 0] : f32 from vector<1x1xf32>
    %div3A_76 = arith.constant 4.000000e+00 : f32
    %div3A_77 = arith.divf %reduce_sum3A_75, %div3A_76 : f32
    %broadcast_in_dim3A_78 = vector.broadcast %div3A_77 : f32 to vector<1x1xf32>
    %swap3A = arith.constant 0 : index
    %swap3A_79 = arith.constant 0 : index
    %swap3A_80 = vector.load %arg1[%swap3A, %swap3A_79] : memref<1x1xf32, #tpu.memory_space<vmem>>, vector<1x1xf32>
    tpu.vector_store %arg1[%swap3A, %swap3A_79], %broadcast_in_dim3A_78 {strides = array<i32>} : memref<1x1xf32, #tpu.memory_space<vmem>>, vector<1x1xf32>,
    return
  }
}

module attributes {stable_mosaic.version = 14 : i64} {
  func.func @_logz_body(%arg0: i32, %arg1: i32, %arg2: memref<1x21x64x512xf32, #tpu.memory_space<vmem>>, %arg3: memref<1x64x512xf32, #tpu.memory_space<vmem>>) attributes {dimension_semantics = [#tpu.dimension_semantics<arbitrary>, #tpu.dimension_semantics<arbitrary>], iteration_bounds = array<i64: 4, 8>, scalar_prefetch = 0 : i64, scratch_operands = 0 : i64, tpu.core_type = #tpu.core_type<tc>, window_params = [{transform_indices = @transform_0, window_bounds = array<i64: 1, 21, 64, 512>}, {transform_indices = @transform_1, window_bounds = array<i64: 1, 64, 512>}]} {
    %get3A = arith.constant 0 : index
    %get3A_0 = arith.constant 0 : index
    %get3A_1 = arith.constant 0 : index
    %get3A_2 = arith.constant 0 : index
    %get3A_3 = vector.load %arg2[%get3A, %get3A_0, %get3A_1, %get3A_2] : memref<1x21x64x512xf32, #tpu.memory_space<vmem>>, vector<1x21x64x512xf32>
    %get3A_4 = vector.shape_cast %get3A_3 : vector<1x21x64x512xf32> to vector<21x64x512xf32>
    %reduce_max3A = arith.constant dense<0xFF800000> : vector<64x512xf32>
    %reduce_max3A_5 = vector.multi_reduction <maximumf>, %get3A_4, %reduce_max3A [0] : vector<21x64x512xf32> to vector<64x512xf32>
    %broadcast_in_dim3A = vector.shape_cast %reduce_max3A_5 : vector<64x512xf32> to vector<1x64x512xf32>
    %sub3A = vector.broadcast %broadcast_in_dim3A : vector<1x64x512xf32> to vector<21x64x512xf32>
    %sub3A_6 = arith.subf %get3A_4, %sub3A : vector<21x64x512xf32>
    %exp3A = math.exp %sub3A_6 : vector<21x64x512xf32>
    %reduce_sum3A = arith.constant dense<0.000000e+00> : vector<64x512xf32>
    %reduce_sum3A_7 = vector.multi_reduction <add>, %exp3A, %reduce_sum3A [0] : vector<21x64x512xf32> to vector<64x512xf32>
    %log3A = math.log %reduce_sum3A_7 : vector<64x512xf32>
    %add3A = arith.addf %reduce_max3A_5, %log3A : vector<64x512xf32>
    %swap3A = arith.constant 0 : index
    %swap3A_8 = arith.constant 0 : index
    %swap3A_9 = arith.constant 0 : index
    %swap3A_10 = vector.load %arg3[%swap3A, %swap3A_8, %swap3A_9] : memref<1x64x512xf32, #tpu.memory_space<vmem>>, vector<1x64x512xf32>
    %swap3A_11 = vector.shape_cast %swap3A_10 : vector<1x64x512xf32> to vector<64x512xf32>
    %swap3A_12 = vector.shape_cast %add3A : vector<64x512xf32> to vector<1x64x512xf32>
    tpu.vector_store %arg3[%swap3A, %swap3A_8, %swap3A_9], %swap3A_12 {strides = array<i32>} : memref<1x64x512xf32, #tpu.memory_space<vmem>>, vector<1x64x512xf32>,
    return
  }
  func.func @transform_0(%arg0: i32, %arg1: i32) -> (i32, i32, i32, i32) {
    %c0_i32 = arith.constant 0 : i32
    %c0_i32_0 = arith.constant 0 : i32
    %c0_i32_1 = arith.constant 0 : i32
    return %arg0, %c0_i32, %arg1, %c0_i32_0 : i32, i32, i32, i32
  }
  func.func @transform_1(%arg0: i32, %arg1: i32) -> (i32, i32, i32) {
    %c0_i32 = arith.constant 0 : i32
    %c0_i32_0 = arith.constant 0 : i32
    return %arg0, %arg1, %c0_i32 : i32, i32, i32
  }
}

</mosaic_0001>

<sc_bundles>
// kernel: kernel.6.cloned.1.call-start
scs
__scs_entry_jumppad:
0x0: {  	(pc) =	sbr.rel $0x88, $3  }
0x1: {  	(tag) =	ssettag $0x0;
	lr =	simm.s32 $0x1  }
0x2: {  	[smem:$0x3F9F] =	sst lr;
	_ =	strace $0xD0000000  }
0x3: {  	_ = 	snop  }
0x4: {  	_ = 	snop  }
0x5: {  	_ = 	snop  }
0x6: {  	_ = 	snop  }
0x7: {  	_ = 	snop  }
__scs_overlays_trampoline_lowered:
0x8: {  	[smem:$0x3FAE] =	sst s0  }
0x9: {  	[smem:$0x3FAF] =	sst s1  }
0xa: {  	[smem:$0x3FB0] =	sst s2  }
0xb: {  	[smem:$0x3FB1] =	sst s3  }
0xc: {  	[smem:$0x3FB2] =	sst s4  }
0xd: {  	[smem:$0x3FB3] =	sst s5  }
0xe: {  	[smem:$0x3FB4] =	sst s6  }
0xf: {  	[smem:$0x3FB5] =	sst s7  }
0x10: {  	[smem:$0x3FB6] =	sst s8  }
0x11: {  	[smem:$0x3FB7] =	sst s9;
	s0 =	simm.s32 @!p0 $0x0  }
0x12: {  	s1 =	sld [smem:$0x3F9D];
	s0 =	simm.s32 @p0 $0x1  }
0x13: {  	[smem:$0x3FB8] =	sst s0;
	s0 =	simm.s32 @!p1 $0x0  }
0x14: {  	s2 =	sld [smem:$0x3F9C];
	s0 =	simm.s32 @p1 $0x1  }
0x15: {  	[smem:$0x3FB9] =	sst s0;
	s0 =	simm.s32 @!p2 $0x0  }
0x16: {  	s3 =	sld [smem:$0x3FDB];
	s0 =	simm.s32 @p2 $0x1  }
0x17: {  	s4 =	simm.s32 $0x1BF5;
	[smem:$0x3FBB] =	sst s0  }
0x18: {  	s0 =	sld [smem:$0x3F9E];
	_ =	swait.ge [sflag:s4], $0x0  }
0x19: {  	s7 =	sld [smem:$0x3F9F]  }
0x1a: {  	s8 =	sadd.s32 $0xFFFFE003, lr  }
0x1b: {  	s9 =	sadd.s32 $0xFFFFFEF7, lr;
	s5 =	simm.s32 $0xFFFFFFFF;
	p2 =	slt.u32 s8, $0xFFFFF086  }
0x1c: {  	p1 =	slt.u32 s9, $0xF7A;
	s5 =	simm.s32 @!p2 $0x0  }
0x1d: {  	s5 =	simm.s32 @p1 $0x1;
	p0 =	seq.s32 s7, s2  }
0x1e: {  	s7 =	smul.u32 @!p0 $0xF7A, s2;
	p2 =	seq.s32 @!p0 s5, $0x0  }
0x1f: {  	s9 =	smul.u32 $0xF7A, s1;
	s8 =	simm.s32 @!p0 $0x1BF5;
	p2 =	por !p2, p0  }
0x20: {  	[sflag:s8] =	ssyncset.s32 @!p0 $0xFFFFF086;
	s6 =	sadd.s32 @!p0 s3, s7;
	s7 =	simm.s32 @!p0 $0x108  }
0x21: {  	s3 =	sadd.s32 s3, s9;
	s6 =	sadd.s32 @!p0 $0x88, s6;
	s7 =	simm.s32 @p2 $0x1082  }
0x22: {  	[simem:s7], [sflag:s8] =	dma.local @!p0 [hbm:s6], $0xF7A  }
0x23: {  	s9 =	sor.u32 $0xD0000000, s2;
	s6 =	simm.s32 $0x108;
	_ =	swait.ge @!p0 [sflag:s8], $0x0  }
0x24: {  	s3 =	sadd.s32 $0x88, s3;
	s6 =	simm.s32 @!p1 $0x1082;
	[sflag:s4] =	ssyncset.s32 $0xFFFFF086  }
0x25: {  	[simem:s6], [sflag:s4] =	dma.local [hbm:s3], $0xF7A  }
0x26: {  	[smem:$0x3F9F] =	sst s1;
	(tag) =	ssettag s2;
	_ =	strace s9  }
0x27: {  	s1 =	sld [smem:$0x3FAF]  }
0x28: {  	s2 =	sld [smem:$0x3FB0]  }
0x29: {  	s4 =	sld [smem:$0x3FB2]  }
0x2a: {  	p0 =	seq.s32 s5, $0x0;
	s5 =	sld [smem:$0x3FB3]  }
0x2b: {  	s6 =	sld [smem:$0x3FB4]  }
0x2c: {  	s7 =	sld [smem:$0x3FB5]  }
0x2d: {  	s3 =	simm.s32 $0x108;
	s8 =	sld [smem:$0x3FB6]  }
0x2e: {  	s3 =	simm.s32 @!p0 $0x1082;
	s9 =	sld [smem:$0x3FB7]  }
0x2f: {  	lr =	sadd.s32 s0, s3;
	s0 =	sld [smem:$0x3FAE]  }
0x30: {  	s3 =	sld [smem:$0x3FB1]  }
0x31: {  	[smem:$0x3FBA] =	sst s10  }
0x32: {  	s10 =	sld [smem:$0x3FB8];
	_ =	sdelay $0x3  }
0x33: {  	p0 =	seq.s32 s10, $0x1;
	s10 =	sld [smem:$0x3FBA];
	_ =	sdelay $0x3  }
0x34: {  	[smem:$0x3FBA] =	sst s10  }
0x35: {  	s10 =	sld [smem:$0x3FB9];
	_ =	sdelay $0x3  }
0x36: {  	p1 =	seq.s32 s10, $0x1;
	s10 =	sld [smem:$0x3FBA];
	_ =	sdelay $0x3  }
0x37: {  	[smem:$0x3FBA] =	sst s10  }
0x38: {  	s10 =	sld [smem:$0x3FBB]  }
0x39: {  	_ = 	snop;
	(pc) =	sbr.ind lr, $3  }
0x3a: {  	_ = 	snop  }
0x3b: {  	_ = 	snop  }
0x3c: {  	p2 =	seq.s32 s10, $0x1;
	s10 =	sld [smem:$0x3FBA]  }
0x3d: {  	_ =	shalt  }
0x3e: {  	_ =	shalt  }
0x3f: {  	_ =	shalt  }
0x40: {  	_ =	shalt  }
0x41: {  	_ =	shalt  }
0x42: {  	_ =	shalt  }
0x43: {  	_ =	shalt  }
0x44: {  	_ =	shalt  }
0x45: {  	_ =	shalt  }
0x46: {  	_ =	shalt  }
0x47: {  	_ =	shalt  }
0x48: {  	_ =	shalt  }
0x49: {  	_ =	shalt  }
0x4a: {  	_ =	shalt  }
0x4b: {  	_ =	shalt  }
0x4c: {  	_ =	shalt  }
0x4d: {  	_ =	shalt  }
0x4e: {  	_ =	shalt  }
0x4f: {  	_ =	shalt  }
0x50: {  	_ =	shalt  }
0x51: {  	_ =	shalt  }
0x52: {  	_ =	shalt  }
0x53: {  	_ =	shalt  }
0x54: {  	_ =	shalt  }
0x55: {  	_ =	shalt  }
0x56: {  	_ =	shalt  }
0x57: {  	_ =	shalt  }
0x58: {  	_ =	shalt  }
0x59: {  	_ =	shalt  }
0x5a: {  	_ =	shalt  }
0x5b: {  	_ =	shalt  }
0x5c: {  	_ =	shalt  }
0x5d: {  	_ =	shalt  }
0x5e: {  	_ =	shalt  }
0x5f: {  	_ =	shalt  }
0x60: {  	_ =	shalt  }
0x61: {  	_ =	shalt  }
0x62: {  	_ =	shalt  }
0x63: {  	_ =	shalt  }
0x64: {  	_ =	shalt  }
0x65: {  	_ =	shalt  }
0x66: {  	_ =	shalt  }
0x67: {  	_ =	shalt  }
0x68: {  	_ =	shalt  }
0x69: {  	_ =	shalt  }
0x6a: {  	_ =	shalt  }
0x6b: {  	_ =	shalt  }
0x6c: {  	_ =	shalt  }
0x6d: {  	_ =	shalt  }
0x6e: {  	_ =	shalt  }
0x6f: {  	_ =	shalt  }
0x70: {  	_ =	shalt  }
0x71: {  	_ =	shalt  }
0x72: {  	_ =	shalt  }
0x73: {  	_ =	shalt  }
0x74: {  	_ =	shalt  }
0x75: {  	_ =	shalt  }
0x76: {  	_ =	shalt  }
0x77: {  	_ =	shalt  }
0x78: {  	_ =	shalt  }
0x79: {  	_ =	shalt  }
0x7a: {  	_ =	shalt  }
0x7b: {  	_ =	shalt  }
0x7c: {  	_ =	shalt  }
0x7d: {  	_ =	shalt  }
0x7e: {  	_ =	shalt  }
0x7f: {  	_ =	shalt  }
0x80: {  	_ =	shalt  }
0x81: {  	_ =	shalt  }
0x82: {  	_ =	shalt  }
0x83: {  	_ =	shalt  }
0x84: {  	_ =	shalt  }
0x85: {  	_ =	shalt  }
0x86: {  	_ =	shalt  }
0x87: {  	_ =	shalt  }
.Lfunc_end0:
.L_simem_size_0:
called_computation_lowered:
.L_overlay_start_0:
0x88: {  	s2 =	sld [smem:$0x3FD9]  }
0x89: {  	s3 =	sld [smem:$0x3FFE];
	_ =	sdelay $0x1  }
0x8a: {  	s1 =	srdreg.scid  }
0x8b: {  	s0 =	sand.u32 $0x1, s1  }
0x8c: {  	s16 =	sshll.u32 s0, $0xA;
	s2 =	sadd.s32 s3, s2  }
0x8d: {  	s2 =	sadd.s32 s2, s16  }
0x8e: {  	[smem:$0x3FC6] =	sst s2  }
0x8f: {  	_ = 	snop  }
0x90: {  	(tm) =	ssettm $0x1  }
0x91: {  	s17 =	sld [smem:$0x3FFB];
	_ =	sdelay $0x3  }
0x92: {  	_ =	strace s17  }
0x93: {  	s2 =	sld [smem:$0x3FFC];
	_ =	sdelay $0x3  }
0x94: {  	_ =	strace s2  }
0x95: {  	s2 =	sld [smem:$0x3FFD];
	_ =	sdelay $0x3  }
0x96: {  	_ =	strace s2  }
0x97: {  	_ =	strace $0x8FFFFFFF  }
0x98: {  	s18 =	sld [smem:$0x3FDB];
	_ =	sdelay $0x1  }
0x99: {  	s19 =	simm.s32 $_scs_section_size  }
0x9a: {  	s4 =	simm.s32 $_size__tile_overlayer_lowered;
	s5 =	simm.s32 $_tile_overlayer_lowered  }
0x9b: {  	s22 =	simm.s32 $0x1BFF;
	s21 =	sshll.u32 s5, $0x1;
	s2 =	sadd.s32 s19, s18  }
0x9c: {  	s6 =	simm.s32 $0x0;
	s20 =	sshll.u32 s4, $0x1;
	s4 =	sadd.s32 s21, s2  }
0x9d: {  	[timem:s6], [sflag:s22] =	dma.local [hbm:s4], s20  }
0x9e: {  	_ =	swait.ge [sflag:s22], s20  }
0x9f: {  	s3 =	ssub.s32 $0x0, s20;
	[sflag:s22] =	ssyncset.done $0x0  }
0xa0: {  	[sflag:s22] =	ssyncadd.s32 s3;
	_ =	sdelay $0x1  }
0xa1: {  	s23 =	simm.s32 $0x1B8B  }
0xa2: {  	_ =	swait.ge [sflag:s23], $0x1  }
0xa3: {  	[sflag:s23] =	ssyncset.done $0x0  }
0xa4: {  	s25 =	simm.s32 $0x1B8E;
	s24 =	sld [smem:$0x3FFE];
	[sflag:s23] =	ssyncadd.s32 $0xFFFFFFFF  }
0xa5: {  	s26 =	simm.s32 $execute0_lowered;
	[smem:$0x3FD2] =	sst s25  }
0xa6: {  	s4 =	sshll.u32 s26, $0x1;
	_ =	strace $0x80000046;
	[dreg:$0x1] =	wrdreg $0xFFFFFFFF  }
0xa7: {  	s28 =	simm.s32 $_size_execute0_lowered;
	s2 =	sadd.s32 s2, s4;
	[dreg:$0x0] =	wrdreg $0x0  }
0xa8: {  	s4 =	sshll.u32 s28, $0x1;
	[dreg:$0x2] =	wrdreg s2  }
0xa9: {  	[dreg:$0x3] =	wrdreg s4  }
0xaa: {  	[dreg:$0x4] =	wrdreg $0xC0  }
0xab: {  	_ =	task [dreg:s6], $0x5FFFF  }
0xac: {  	[dreg:$0x1] =	wrdreg $0xFFFFFFFF  }
0xad: {  	[dreg:$0x0] =	wrdreg $0x60  }
0xae: {  	[dreg:$0x2] =	wrdreg s24  }
0xaf: {  	[dreg:$0x3] =	wrdreg $0x9  }
0xb0: {  	_ =	task.clear_ibuf [dreg:s6], $0x4FFFF;
	_ =	strace $0x90000046  }
0xb1: {  	s29 =	simm.s32 $0x9;
	_ =	strace $0x80000048  }
0xb2: {  	_ =	swait.ge [sflag:s29], $0x1  }
0xb3: {  	[sflag:s29] =	ssyncadd.s32 $0xFFFFFFFF  }
0xb4: {  	_ =	strace $0x90000048  }
0xb5: {  	_ =	sfence  }
0xb6: {  	s30 =	sld [smem:$0x0];
	_ =	sdelay $0x2  }
0xb7: {  	s31 =	sshll.u32 s1, $0xD;
	s1 =	sshrl.u32 s1, $0x2  }
0xb8: {  	s3 =	sand.u32 $0x4000, s31;
	s1 =	sadd.s32 s1, s30  }
0xb9: {  	s0 =	sor.u32 s3, s0;
	s1 =	sshll.u32 s1, $0x11  }
0xba: {  	s0 =	sor.u32 s1, s0  }
0xbb: {  	s0 =	sadd.s32 $0x8F2B, s0  }
0xbc: {  	[sflag:s0] =	ssyncadd.remote.s32 $0x1  }
0xbd: {  	_ =	sfence.sel $0xFFFF  }
0xbe: {  	[dreg:$0x0] =	wrdreg $0xFFFFFFFF;
	(pc) =	sbr.abs _section_cstart, $3  }
0xbf: {  	[dreg:$0x1] =	wrdreg $0xFFFFFFFF  }
0xc0: {  	_ =	task.clear_ibuf [dreg:s6], $0x2FFFF;
	_ =	strace $0x9FFFFFFF  }
0xc1: {  	(tm) =	ssettm $0x7FFFFFFF  }
tec
execute0_lowered:
.L_overlay_start_1:
0x0: {  	(tag) =	ssettag $0x1  }
0x1: {  	s0 =	srdreg.scid;
	s30 =	stileid.u32  }
0x2: {  	s1 =	rddreg [dreg:$0x0];
	s0 =	sand.u32 $0x1, s0;
	s3 =	sshll.u32 s30, $0x1  }
0x3: {  	s17 =	sadd.s32 $0x600, s1;
	s18 =	sadd.s32 $0x2A0600, s1;
	s20 =	sadd.s32 $0x1600, s1  }
0x4: {  	s21 =	sadd.s32 $0x2600, s1;
	s22 =	sadd.s32 $0x3600, s1;
	s23 =	sadd.s32 $0x4600, s1  }
0x5: {  	s24 =	sadd.s32 $0x5600, s1;
	s25 =	sadd.s32 $0x6600, s1;
	s1 =	sadd.s32 $0x7600, s1  }
0x6: {  	p0 =	sgt.u32 s30, $0x9;
	s2 =	ssub.s32 $0x2, s0;
	s0 =	sor.u32 s0, s3  }
0x7: {  	s4 =	sshrl.u32 s2, $0x1;
	s8 =	sshll.u32 s0, $0xF;
	s26 =	sor.u32 $0x20, s0  }
0x8: {  	s28 =	sshll.u32 s0, $0x8;
	s0 =	sor.u32 $0x40, s0;
	s19 =	ssub.s32 s2, s4  }
0x9: {  	s15 =	sadd.s32 s17, s8;
	s16 =	sadd.s32 s8, s20;
	s3 =	sadd.s32 s8, s21  }
0xa: {  	s4 =	sadd.s32 s8, s22;
	s5 =	sadd.s32 s8, s23;
	s6 =	sadd.s32 s8, s24  }
0xb: {  	s7 =	sadd.s32 s8, s25;
	s8 =	sadd.s32 s8, s1;
	s29 =	sshll.u32 s0, $0xF  }
0xc: {  	s28 =	sadd.s32 s18, s28;
	s0 =	sshll.u32 s0, $0x8;
	[dreg:$0x2] =	wrdreg s15  }
0xd: {  	[dreg:$0x3] =	wrdreg s16;
	s16 =	sshll.u32 s26, $0xF;
	s26 =	sshll.u32 s26, $0x8  }
0xe: {  	s0 =	sadd.s32 s18, s0;
	s31 =	smax.u32 s19, $0x1;
	s19 =	simm.s32 $0x18000  }
0xf: {  	s9 =	sadd.s32 s17, s16;
	s10 =	sadd.s32 s16, s20;
	s11 =	sadd.s32 s16, s21  }
0x10: {  	s12 =	sadd.s32 s16, s22;
	s17 =	sadd.s32 s17, s29;
	[dreg:$0xc] =	wrdreg s0  }
0x11: {  	s13 =	sadd.s32 s16, s23;
	s20 =	sadd.s32 s29, s20;
	[dreg:$0x4] =	wrdreg s17  }
0x12: {  	s14 =	sadd.s32 s16, s24;
	s21 =	sadd.s32 s29, s21;
	[dreg:$0x5] =	wrdreg s20  }
0x13: {  	s15 =	sadd.s32 s16, s25;
	s22 =	sadd.s32 s29, s22;
	[dreg:$0x6] =	wrdreg s21  }
0x14: {  	s16 =	sadd.s32 s16, s1;
	s23 =	sadd.s32 s29, s23;
	[dreg:$0x7] =	wrdreg s22  }
0x15: {  	s24 =	sadd.s32 s29, s24;
	s25 =	sadd.s32 s29, s25;
	[dreg:$0x8] =	wrdreg s23  }
.Ltmp0:
0x16: {  	s1 =	sadd.s32 s29, s1;
	[dreg:$0x9] =	wrdreg s24;
	(pc) =	sbr.rel .LBB2_1-.Ltmp0, $4  }
0x17: {  	s29 =	sadd.s32 s18, s26;
	s0 =	simm.s32 $0x8000;
	[dreg:$0xa] =	wrdreg s25  }
0x18: {  	s18 =	simm.s32 $0x2;
	s25 =	simm.s32 $0x0;
	[dreg:$0xb] =	wrdreg s1  }
0x19: {  	s24 =	simm.s32 $0x1;
	s17 =	simm.s32 $0x10000;
	[smem:$0x7FF] =	sst s25  }
0x1a: {  	v0 =	vimm.f32 $0.0e+00;
	v1 =	vimm.f32 $1.000000000e+00;
	s20 =	simm.s32 $0x3;
	s21 =	simm.s32 $0x0;
	_ =	strace $0x80000047  }
.LBB2_62:
0x1b: {  	v9 =	vld [tilespmem:s26+$0x17800];
	v5 =	vadd.f32 v5, v8  }
0x1c: {  	v2 =	vadd.f32 v2, v7  }
0x1d: {  	v4 =	vadd.f32 v4, v5  }
0x1e: {  	v2 =	vadd.f32 v3, v2  }
0x1f: {  	v3 =	vadd.f32 v6, v4  }
0x20: {  	v2 =	vadd.f32 v9, v2  }
0x21: {  	[tilespmem:s22+$0x18010] =	vst v3  }
0x22: {  	[tilespmem:s22+$0x18000] =	vst v2  }
0x23: {  	s1 =	rddreg [dreg:$0xc]  }
0x24: {  	[hbm4b:s1+s25] =	stream.linear.scatter [tilespmem:s19], [sflag:$0x3], $0x800, $0x38;
	[tilespmem:$0x18800] =	vst v63  }
0x25: {  	_ =	swait.ge [sflag:s20], $0x800  }
0x26: {  	[sflag:s20] =	ssyncset.done $0x0  }
0x27: {  	[sflag:s20] =	ssyncadd.s32 $0xFFFFF800  }
.LBB2_63:
0x28: {  	s21 =	sadd.s32 $0x1, s21  }
0x29: {  	p1 =	sne.s32 s21, s31  }
.Ltmp1:
0x2a: {  	_ = 	snop;
	(pc) =	sbr.rel @!p1 .LBB2_64-.Ltmp1, $1  }
0x2b: {  	_ =	sdelay $0x3  }
.LBB2_1:
0x2c: {  	s1 =	simm.s32 $0x10040  }
0x2d: {  	[tilespmem:s1+$0xFFFFFFC0] =	vst v0  }
0x2e: {  	[tilespmem:s1+$0x30] =	vst v0  }
0x2f: {  	[tilespmem:s1+$0x20] =	vst v0  }
0x30: {  	[tilespmem:s1+$0x10] =	vst v0  }
0x31: {  	[tilespmem:s1+$0x0] =	vst v0  }
0x32: {  	[tilespmem:s1+$0xFFFFFFF0] =	vst v0  }
0x33: {  	s22 =	simm.s32 $0x0;
	[tilespmem:s1+$0xFFFFFFE0] =	vst v0  }
.LBB2_2:
0x34: {  	s22 =	sadd.s32 $0x8, s22;
	[tilespmem:s1+$0xFFFFFFD0] =	vst v0;
	s1 =	sadd.s32 $0x80, s1  }
0x35: {  	[tilespmem:s1+$0xFFFFFFC0] =	vst v0;
	p1 =	slt.u32 s22, $0x7F8  }
0x36: {  	[tilespmem:s1+$0x30] =	vst v0  }
.Ltmp2:
0x37: {  	[tilespmem:s1+$0x20] =	vst v0;
	(pc) =	sbr.rel @p1 .LBB2_2-.Ltmp2, $4  }
0x38: {  	[tilespmem:s1+$0x10] =	vst v0  }
0x39: {  	[tilespmem:s1+$0x0] =	vst v0  }
0x3a: {  	[tilespmem:s1+$0xFFFFFFF0] =	vst v0  }
0x3b: {  	[tilespmem:s1+$0xFFFFFFE0] =	vst v0  }
0x3c: {  	[tilespmem:s1+$0xFFFFFFD0] =	vst v0  }
0x3d: {  	s1 =	rddreg [dreg:$0x2]  }
0x3e: {  	[tilespmem:s25], [sflag:$0x1] =	stream.linear.gather [hbm4b:s1+s25], $0x8000, $0x38;
	[tilespmem:$0x18800] =	vst v63  }
0x3f: {  	_ =	swait.ge [sflag:s24], $0x8000  }
0x40: {  	[sflag:s24] =	ssyncset.done $0x0  }
0x41: {  	s1 =	simm.s32 $0x40;
	s30 =	rddreg [dreg:$0x3];
	[sflag:s24] =	ssyncadd.s32 $0xFFFF8000  }
0x42: {  	[tilespmem:s0], [sflag:$0x2] =	stream.linear.gather [hbm4b:s30+s25], $0x8000, $0x38;
	[tilespmem:$0x18800] =	vst v63  }
0x43: {  	v3 =	vld [tilespmem:s1+$0xFFFFFFC0]  }
0x44: {  	v4 =	vld [tilespmem:s1+$0x30]  }
0x45: {  	v5 =	vld [tilespmem:s1+$0x20]  }
0x46: {  	v6 =	vld [tilespmem:s1+$0x10]  }
0x47: {  	v7 =	vld [tilespmem:s1+$0x0]  }
0x48: {  	v8 =	vld [tilespmem:s1+$0xFFFFFFF0]  }
0x49: {  	v9 =	vld [tilespmem:s1+$0xFFFFFFE0]  }
0x4a: {  	v2 =	vld [tilespmem:s1+$0xFFFFFFD0]  }
0x4b: {  	[tilespmem:v3+s17+$0x0] =	vst.idx.add.f32.msk $0xffff, v1  }
0x4c: {  	[tilespmem:v4+s17+$0x0] =	vst.idx.add.f32.msk $0xffff, v1  }
0x4d: {  	[tilespmem:v5+s17+$0x0] =	vst.idx.add.f32.msk $0xffff, v1  }
0x4e: {  	[tilespmem:v6+s17+$0x0] =	vst.idx.add.f32.msk $0xffff, v1  }
0x4f: {  	[tilespmem:v7+s17+$0x0] =	vst.idx.add.f32.msk $0xffff, v1  }
0x50: {  	[tilespmem:v8+s17+$0x0] =	vst.idx.add.f32.msk $0xffff, v1  }
0x51: {  	s22 =	simm.s32 $0x0;
	[tilespmem:v9+s17+$0x0] =	vst.idx.add.f32.msk $0xffff, v1  }
.LBB2_4:
0x52: {  	s22 =	sadd.s32 $0x8, s22;
	[tilespmem:v2+s17+$0x0] =	vst.idx.add.f32.msk $0xffff, v1;
	s1 =	sadd.s32 $0x80, s1  }
0x53: {  	v3 =	vld [tilespmem:s1+$0xFFFFFFC0];
	p1 =	slt.u32 s22, $0x7F8  }
0x54: {  	v4 =	vld [tilespmem:s1+$0x30]  }
0x55: {  	v5 =	vld [tilespmem:s1+$0x20]  }
0x56: {  	v6 =	vld [tilespmem:s1+$0x10]  }
0x57: {  	v7 =	vld [tilespmem:s1+$0x0]  }
0x58: {  	v8 =	vld [tilespmem:s1+$0xFFFFFFF0]  }
0x59: {  	v9 =	vld [tilespmem:s1+$0xFFFFFFE0]  }
0x5a: {  	v2 =	vld [tilespmem:s1+$0xFFFFFFD0]  }
0x5b: {  	[tilespmem:v3+s17+$0x0] =	vst.idx.add.f32.msk $0xffff, v1  }
0x5c: {  	[tilespmem:v4+s17+$0x0] =	vst.idx.add.f32.msk $0xffff, v1  }
.Ltmp3:
0x5d: {  	[tilespmem:v5+s17+$0x0] =	vst.idx.add.f32.msk $0xffff, v1;
	(pc) =	sbr.rel @p1 .LBB2_4-.Ltmp3, $4  }
0x5e: {  	[tilespmem:v6+s17+$0x0] =	vst.idx.add.f32.msk $0xffff, v1  }
0x5f: {  	[tilespmem:v7+s17+$0x0] =	vst.idx.add.f32.msk $0xffff, v1  }
0x60: {  	[tilespmem:v8+s17+$0x0] =	vst.idx.add.f32.msk $0xffff, v1  }
0x61: {  	[tilespmem:v9+s17+$0x0] =	vst.idx.add.f32.msk $0xffff, v1  }
0x62: {  	_ =	sdelay $0x3  }
0x63: {  	[tilespmem:v2+s17+$0x0] =	vst.idx.add.f32.msk $0xffff, v1  }
0x64: {  	_ =	swait.ge [sflag:s18], $0x8000  }
0x65: {  	[sflag:s18] =	ssyncset.done $0x0  }
0x66: {  	s1 =	simm.s32 $0x8040;
	[sflag:s18] =	ssyncadd.s32 $0xFFFF8000  }
0x67: {  	[tilespmem:s25], [sflag:$0x1] =	stream.linear.gather [hbm4b:s3+s25], $0x8000, $0x38;
	[tilespmem:$0x18800] =	vst v63  }
0x68: {  	v3 =	vld [tilespmem:s1+$0xFFFFFFC0]  }
0x69: {  	v4 =	vld [tilespmem:s1+$0x30]  }
0x6a: {  	v5 =	vld [tilespmem:s1+$0x20]  }
0x6b: {  	v6 =	vld [tilespmem:s1+$0x10]  }
0x6c: {  	v7 =	vld [tilespmem:s1+$0x0]  }
0x6d: {  	v8 =	vld [tilespmem:s1+$0xFFFFFFF0]  }
0x6e: {  	v9 =	vld [tilespmem:s1+$0xFFFFFFE0]  }
0x6f: {  	v2 =	vld [tilespmem:s1+$0xFFFFFFD0]  }
0x70: {  	[tilespmem:v3+s17+$0x0] =	vst.idx.add.f32.msk $0xffff, v1  }
0x71: {  	[tilespmem:v4+s17+$0x0] =	vst.idx.add.f32.msk $0xffff, v1  }
0x72: {  	[tilespmem:v5+s17+$0x0] =	vst.idx.add.f32.msk $0xffff, v1  }
0x73: {  	[tilespmem:v6+s17+$0x0] =	vst.idx.add.f32.msk $0xffff, v1  }
0x74: {  	[tilespmem:v7+s17+$0x0] =	vst.idx.add.f32.msk $0xffff, v1  }
0x75: {  	[tilespmem:v8+s17+$0x0] =	vst.idx.add.f32.msk $0xffff, v1  }
0x76: {  	s22 =	simm.s32 $0x0;
	[tilespmem:v9+s17+$0x0] =	vst.idx.add.f32.msk $0xffff, v1  }
.LBB2_6:
0x77: {  	s22 =	sadd.s32 $0x8, s22;
	[tilespmem:v2+s17+$0x0] =	vst.idx.add.f32.msk $0xffff, v1;
	s1 =	sadd.s32 $0x80, s1  }
0x78: {  	v3 =	vld [tilespmem:s1+$0xFFFFFFC0];
	p1 =	slt.u32 s22, $0x7F8  }
0x79: {  	v4 =	vld [tilespmem:s1+$0x30]  }
0x7a: {  	v5 =	vld [tilespmem:s1+$0x20]  }
0x7b: {  	v6 =	vld [tilespmem:s1+$0x10]  }
0x7c: {  	v7 =	vld [tilespmem:s1+$0x0]  }
0x7d: {  	v8 =	vld [tilespmem:s1+$0xFFFFFFF0]  }
0x7e: {  	v9 =	vld [tilespmem:s1+$0xFFFFFFE0]  }
0x7f: {  	v2 =	vld [tilespmem:s1+$0xFFFFFFD0]  }
0x80: {  	[tilespmem:v3+s17+$0x0] =	vst.idx.add.f32.msk $0xffff, v1  }
0x81: {  	[tilespmem:v4+s17+$0x0] =	vst.idx.add.f32.msk $0xffff, v1  }
.Ltmp4:
0x82: {  	[tilespmem:v5+s17+$0x0] =	vst.idx.add.f32.msk $0xffff, v1;
	(pc) =	sbr.rel @p1 .LBB2_6-.Ltmp4, $4  }
0x83: {  	[tilespmem:v6+s17+$0x0] =	vst.idx.add.f32.msk $0xffff, v1  }
0x84: {  	[tilespmem:v7+s17+$0x0] =	vst.idx.add.f32.msk $0xffff, v1  }
0x85: {  	[tilespmem:v8+s17+$0x0] =	vst.idx.add.f32.msk $0xffff, v1  }
0x86: {  	[tilespmem:v9+s17+$0x0] =	vst.idx.add.f32.msk $0xffff, v1  }
0x87: {  	_ =	sdelay $0x3  }
0x88: {  	[tilespmem:v2+s17+$0x0] =	vst.idx.add.f32.msk $0xffff, v1  }
0x89: {  	_ =	swait.ge [sflag:s24], $0x8000  }
0x8a: {  	[sflag:s24] =	ssyncset.done $0x0  }
0x8b: {  	s1 =	simm.s32 $0x40;
	[sflag:s24] =	ssyncadd.s32 $0xFFFF8000  }
0x8c: {  	[tilespmem:s0], [sflag:$0x2] =	stream.linear.gather [hbm4b:s4+s25], $0x8000, $0x38;
	[tilespmem:$0x18800] =	vst v63  }
0x8d: {  	v3 =	vld [tilespmem:s1+$0xFFFFFFC0]  }
0x8e: {  	v4 =	vld [tilespmem:s1+$0x30]  }
0x8f: {  	v5 =	vld [tilespmem:s1+$0x20]  }
0x90: {  	v6 =	vld [tilespmem:s1+$0x10]  }
0x91: {  	v7 =	vld [tilespmem:s1+$0x0]  }
0x92: {  	v8 =	vld [tilespmem:s1+$0xFFFFFFF0]  }
0x93: {  	v9 =	vld [tilespmem:s1+$0xFFFFFFE0]  }
0x94: {  	v2 =	vld [tilespmem:s1+$0xFFFFFFD0]  }
0x95: {  	[tilespmem:v3+s17+$0x0] =	vst.idx.add.f32.msk $0xffff, v1  }
0x96: {  	[tilespmem:v4+s17+$0x0] =	vst.idx.add.f32.msk $0xffff, v1  }
0x97: {  	[tilespmem:v5+s17+$0x0] =	vst.idx.add.f32.msk $0xffff, v1  }
0x98: {  	[tilespmem:v6+s17+$0x0] =	vst.idx.add.f32.msk $0xffff, v1  }
0x99: {  	[tilespmem:v7+s17+$0x0] =	vst.idx.add.f32.msk $0xffff, v1  }
0x9a: {  	[tilespmem:v8+s17+$0x0] =	vst.idx.add.f32.msk $0xffff, v1  }
0x9b: {  	s22 =	simm.s32 $0x0;
	[tilespmem:v9+s17+$0x0] =	vst.idx.add.f32.msk $0xffff, v1  }
.LBB2_8:
0x9c: {  	s22 =	sadd.s32 $0x8, s22;
	[tilespmem:v2+s17+$0x0] =	vst.idx.add.f32.msk $0xffff, v1;
	s1 =	sadd.s32 $0x80, s1  }
0x9d: {  	v3 =	vld [tilespmem:s1+$0xFFFFFFC0];
	p1 =	slt.u32 s22, $0x7F8  }
0x9e: {  	v4 =	vld [tilespmem:s1+$0x30]  }
0x9f: {  	v5 =	vld [tilespmem:s1+$0x20]  }
0xa0: {  	v6 =	vld [tilespmem:s1+$0x10]  }
0xa1: {  	v7 =	vld [tilespmem:s1+$0x0]  }
0xa2: {  	v8 =	vld [tilespmem:s1+$0xFFFFFFF0]  }
0xa3: {  	v9 =	vld [tilespmem:s1+$0xFFFFFFE0]  }
0xa4: {  	v2 =	vld [tilespmem:s1+$0xFFFFFFD0]  }
0xa5: {  	[tilespmem:v3+s17+$0x0] =	vst.idx.add.f32.msk $0xffff, v1  }
0xa6: {  	[tilespmem:v4+s17+$0x0] =	vst.idx.add.f32.msk $0xffff, v1  }
.Ltmp5:
0xa7: {  	[tilespmem:v5+s17+$0x0] =	vst.idx.add.f32.msk $0xffff, v1;
	(pc) =	sbr.rel @p1 .LBB2_8-.Ltmp5, $4  }
0xa8: {  	[tilespmem:v6+s17+$0x0] =	vst.idx.add.f32.msk $0xffff, v1  }
0xa9: {  	[tilespmem:v7+s17+$0x0] =	vst.idx.add.f32.msk $0xffff, v1  }
0xaa: {  	[tilespmem:v8+s17+$0x0] =	vst.idx.add.f32.msk $0xffff, v1  }
0xab: {  	[tilespmem:v9+s17+$0x0] =	vst.idx.add.f32.msk $0xffff, v1  }
0xac: {  	_ =	sdelay $0x3  }
0xad: {  	[tilespmem:v2+s17+$0x0] =	vst.idx.add.f32.msk $0xffff, v1  }
0xae: {  	_ =	swait.ge [sflag:s18], $0x8000  }
0xaf: {  	[sflag:s18] =	ssyncset.done $0x0  }
0xb0: {  	s1 =	simm.s32 $0x8040;
	[sflag:s18] =	ssyncadd.s32 $0xFFFF8000  }
0xb1: {  	[tilespmem:s25], [sflag:$0x1] =	stream.linear.gather [hbm4b:s5+s25], $0x8000, $0x38;
	[tilespmem:$0x18800] =	vst v63  }
0xb2: {  	v3 =	vld [tilespmem:s1+$0xFFFFFFC0]  }
0xb3: {  	v4 =	vld [tilespmem:s1+$0x30]  }
0xb4: {  	v5 =	vld [tilespmem:s1+$0x20]  }
0xb5: {  	v6 =	vld [tilespmem:s1+$0x10]  }
0xb6: {  	v7 =	vld [tilespmem:s1+$0x0]  }
0xb7: {  	v8 =	vld [tilespmem:s1+$0xFFFFFFF0]  }
0xb8: {  	v9 =	vld [tilespmem:s1+$0xFFFFFFE0]  }
0xb9: {  	v2 =	vld [tilespmem:s1+$0xFFFFFFD0]  }
0xba: {  	[tilespmem:v3+s17+$0x0] =	vst.idx.add.f32.msk $0xffff, v1  }
0xbb: {  	[tilespmem:v4+s17+$0x0] =	vst.idx.add.f32.msk $0xffff, v1  }
0xbc: {  	[tilespmem:v5+s17+$0x0] =	vst.idx.add.f32.msk $0xffff, v1  }
0xbd: {  	[tilespmem:v6+s17+$0x0] =	vst.idx.add.f32.msk $0xffff, v1  }
0xbe: {  	[tilespmem:v7+s17+$0x0] =	vst.idx.add.f32.msk $0xffff, v1  }
0xbf: {  	[tilespmem:v8+s17+$0x0] =	vst.idx.add.f32.msk $0xffff, v1  }
0xc0: {  	s22 =	simm.s32 $0x0;
	[tilespmem:v9+s17+$0x0] =	vst.idx.add.f32.msk $0xffff, v1  }
.LBB2_10:
0xc1: {  	s22 =	sadd.s32 $0x8, s22;
	[tilespmem:v2+s17+$0x0] =	vst.idx.add.f32.msk $0xffff, v1;
	s1 =	sadd.s32 $0x80, s1  }
0xc2: {  	v3 =	vld [tilespmem:s1+$0xFFFFFFC0];
	p1 =	slt.u32 s22, $0x7F8  }
0xc3: {  	v4 =	vld [tilespmem:s1+$0x30]  }
0xc4: {  	v5 =	vld [tilespmem:s1+$0x20]  }
0xc5: {  	v6 =	vld [tilespmem:s1+$0x10]  }
0xc6: {  	v7 =	vld [tilespmem:s1+$0x0]  }
0xc7: {  	v8 =	vld [tilespmem:s1+$0xFFFFFFF0]  }
0xc8: {  	v9 =	vld [tilespmem:s1+$0xFFFFFFE0]  }
0xc9: {  	v2 =	vld [tilespmem:s1+$0xFFFFFFD0]  }
0xca: {  	[tilespmem:v3+s17+$0x0] =	vst.idx.add.f32.msk $0xffff, v1  }
0xcb: {  	[tilespmem:v4+s17+$0x0] =	vst.idx.add.f32.msk $0xffff, v1  }
.Ltmp6:
0xcc: {  	[tilespmem:v5+s17+$0x0] =	vst.idx.add.f32.msk $0xffff, v1;
	(pc) =	sbr.rel @p1 .LBB2_10-.Ltmp6, $4  }
0xcd: {  	[tilespmem:v6+s17+$0x0] =	vst.idx.add.f32.msk $0xffff, v1  }
0xce: {  	[tilespmem:v7+s17+$0x0] =	vst.idx.add.f32.msk $0xffff, v1  }
0xcf: {  	[tilespmem:v8+s17+$0x0] =	vst.idx.add.f32.msk $0xffff, v1  }
0xd0: {  	[tilespmem:v9+s17+$0x0] =	vst.idx.add.f32.msk $0xffff, v1  }
0xd1: {  	_ =	sdelay $0x3  }
0xd2: {  	[tilespmem:v2+s17+$0x0] =	vst.idx.add.f32.msk $0xffff, v1  }
0xd3: {  	_ =	swait.ge [sflag:s24], $0x8000  }
0xd4: {  	[sflag:s24] =	ssyncset.done $0x0  }
0xd5: {  	s1 =	simm.s32 $0x40;
	[sflag:s24] =	ssyncadd.s32 $0xFFFF8000  }
0xd6: {  	[tilespmem:s0], [sflag:$0x2] =	stream.linear.gather [hbm4b:s6+s25], $0x8000, $0x38;
	[tilespmem:$0x18800] =	vst v63  }
0xd7: {  	v3 =	vld [tilespmem:s1+$0xFFFFFFC0]  }
0xd8: {  	v4 =	vld [tilespmem:s1+$0x30]  }
0xd9: {  	v5 =	vld [tilespmem:s1+$0x20]  }
0xda: {  	v6 =	vld [tilespmem:s1+$0x10]  }
0xdb: {  	v7 =	vld [tilespmem:s1+$0x0]  }
0xdc: {  	v8 =	vld [tilespmem:s1+$0xFFFFFFF0]  }
0xdd: {  	v9 =	vld [tilespmem:s1+$0xFFFFFFE0]  }
0xde: {  	v2 =	vld [tilespmem:s1+$0xFFFFFFD0]  }
0xdf: {  	[tilespmem:v3+s17+$0x0] =	vst.idx.add.f32.msk $0xffff, v1  }
0xe0: {  	[tilespmem:v4+s17+$0x0] =	vst.idx.add.f32.msk $0xffff, v1  }
0xe1: {  	[tilespmem:v5+s17+$0x0] =	vst.idx.add.f32.msk $0xffff, v1  }
0xe2: {  	[tilespmem:v6+s17+$0x0] =	vst.idx.add.f32.msk $0xffff, v1  }
0xe3: {  	[tilespmem:v7+s17+$0x0] =	vst.idx.add.f32.msk $0xffff, v1  }
0xe4: {  	[tilespmem:v8+s17+$0x0] =	vst.idx.add.f32.msk $0xffff, v1  }
0xe5: {  	s22 =	simm.s32 $0x0;
	[tilespmem:v9+s17+$0x0] =	vst.idx.add.f32.msk $0xffff, v1  }
.LBB2_12:
0xe6: {  	s22 =	sadd.s32 $0x8, s22;
	[tilespmem:v2+s17+$0x0] =	vst.idx.add.f32.msk $0xffff, v1;
	s1 =	sadd.s32 $0x80, s1  }
0xe7: {  	v3 =	vld [tilespmem:s1+$0xFFFFFFC0];
	p1 =	slt.u32 s22, $0x7F8  }
0xe8: {  	v4 =	vld [tilespmem:s1+$0x30]  }
0xe9: {  	v5 =	vld [tilespmem:s1+$0x20]  }
0xea: {  	v6 =	vld [tilespmem:s1+$0x10]  }
0xeb: {  	v7 =	vld [tilespmem:s1+$0x0]  }
0xec: {  	v8 =	vld [tilespmem:s1+$0xFFFFFFF0]  }
0xed: {  	v9 =	vld [tilespmem:s1+$0xFFFFFFE0]  }
0xee: {  	v2 =	vld [tilespmem:s1+$0xFFFFFFD0]  }
0xef: {  	[tilespmem:v3+s17+$0x0] =	vst.idx.add.f32.msk $0xffff, v1  }
0xf0: {  	[tilespmem:v4+s17+$0x0] =	vst.idx.add.f32.msk $0xffff, v1  }
.Ltmp7:
0xf1: {  	[tilespmem:v5+s17+$0x0] =	vst.idx.add.f32.msk $0xffff, v1;
	(pc) =	sbr.rel @p1 .LBB2_12-.Ltmp7, $4  }
0xf2: {  	[tilespmem:v6+s17+$0x0] =	vst.idx.add.f32.msk $0xffff, v1  }
0xf3: {  	[tilespmem:v7+s17+$0x0] =	vst.idx.add.f32.msk $0xffff, v1  }
0xf4: {  	[tilespmem:v8+s17+$0x0] =	vst.idx.add.f32.msk $0xffff, v1  }
0xf5: {  	[tilespmem:v9+s17+$0x0] =	vst.idx.add.f32.msk $0xffff, v1  }
0xf6: {  	_ =	sdelay $0x3  }
0xf7: {  	[tilespmem:v2+s17+$0x0] =	vst.idx.add.f32.msk $0xffff, v1  }
0xf8: {  	_ =	swait.ge [sflag:s18], $0x8000  }
0xf9: {  	[sflag:s18] =	ssyncset.done $0x0  }
0xfa: {  	s1 =	simm.s32 $0x8040;
	[sflag:s18] =	ssyncadd.s32 $0xFFFF8000  }
0xfb: {  	[tilespmem:s25], [sflag:$0x1] =	stream.linear.gather [hbm4b:s7+s25], $0x8000, $0x38;
	[tilespmem:$0x18800] =	vst v63  }
0xfc: {  	v3 =	vld [tilespmem:s1+$0xFFFFFFC0]  }
0xfd: {  	v4 =	vld [tilespmem:s1+$0x30]  }
0xfe: {  	v5 =	vld [tilespmem:s1+$0x20]  }
0xff: {  	v6 =	vld [tilespmem:s1+$0x10]  }
0x100: {  	v7 =	vld [tilespmem:s1+$0x0]  }
0x101: {  	v8 =	vld [tilespmem:s1+$0xFFFFFFF0]  }
0x102: {  	v9 =	vld [tilespmem:s1+$0xFFFFFFE0]  }
0x103: {  	v2 =	vld [tilespmem:s1+$0xFFFFFFD0]  }
0x104: {  	[tilespmem:v3+s17+$0x0] =	vst.idx.add.f32.msk $0xffff, v1  }
0x105: {  	[tilespmem:v4+s17+$0x0] =	vst.idx.add.f32.msk $0xffff, v1  }
0x106: {  	[tilespmem:v5+s17+$0x0] =	vst.idx.add.f32.msk $0xffff, v1  }
0x107: {  	[tilespmem:v6+s17+$0x0] =	vst.idx.add.f32.msk $0xffff, v1  }
0x108: {  	[tilespmem:v7+s17+$0x0] =	vst.idx.add.f32.msk $0xffff, v1  }
0x109: {  	[tilespmem:v8+s17+$0x0] =	vst.idx.add.f32.msk $0xffff, v1  }
0x10a: {  	s22 =	simm.s32 $0x0;
	[tilespmem:v9+s17+$0x0] =	vst.idx.add.f32.msk $0xffff, v1  }
.LBB2_14:
0x10b: {  	s22 =	sadd.s32 $0x8, s22;
	[tilespmem:v2+s17+$0x0] =	vst.idx.add.f32.msk $0xffff, v1;
	s1 =	sadd.s32 $0x80, s1  }
0x10c: {  	v3 =	vld [tilespmem:s1+$0xFFFFFFC0];
	p1 =	slt.u32 s22, $0x7F8  }
0x10d: {  	v4 =	vld [tilespmem:s1+$0x30]  }
0x10e: {  	v5 =	vld [tilespmem:s1+$0x20]  }
0x10f: {  	v6 =	vld [tilespmem:s1+$0x10]  }
0x110: {  	v7 =	vld [tilespmem:s1+$0x0]  }
0x111: {  	v8 =	vld [tilespmem:s1+$0xFFFFFFF0]  }
0x112: {  	v9 =	vld [tilespmem:s1+$0xFFFFFFE0]  }
0x113: {  	v2 =	vld [tilespmem:s1+$0xFFFFFFD0]  }
0x114: {  	[tilespmem:v3+s17+$0x0] =	vst.idx.add.f32.msk $0xffff, v1  }
0x115: {  	[tilespmem:v4+s17+$0x0] =	vst.idx.add.f32.msk $0xffff, v1  }
.Ltmp8:
0x116: {  	[tilespmem:v5+s17+$0x0] =	vst.idx.add.f32.msk $0xffff, v1;
	(pc) =	sbr.rel @p1 .LBB2_14-.Ltmp8, $4  }
0x117: {  	[tilespmem:v6+s17+$0x0] =	vst.idx.add.f32.msk $0xffff, v1  }
0x118: {  	[tilespmem:v7+s17+$0x0] =	vst.idx.add.f32.msk $0xffff, v1  }
0x119: {  	[tilespmem:v8+s17+$0x0] =	vst.idx.add.f32.msk $0xffff, v1  }
0x11a: {  	[tilespmem:v9+s17+$0x0] =	vst.idx.add.f32.msk $0xffff, v1  }
0x11b: {  	_ =	sdelay $0x3  }
0x11c: {  	[tilespmem:v2+s17+$0x0] =	vst.idx.add.f32.msk $0xffff, v1  }
0x11d: {  	_ =	swait.ge [sflag:s24], $0x8000  }
0x11e: {  	[sflag:s24] =	ssyncset.done $0x0  }
0x11f: {  	s1 =	simm.s32 $0x40;
	[sflag:s24] =	ssyncadd.s32 $0xFFFF8000  }
0x120: {  	[tilespmem:s0], [sflag:$0x2] =	stream.linear.gather [hbm4b:s8+s25], $0x8000, $0x38;
	[tilespmem:$0x18800] =	vst v63  }
0x121: {  	v3 =	vld [tilespmem:s1+$0xFFFFFFC0]  }
0x122: {  	v4 =	vld [tilespmem:s1+$0x30]  }
0x123: {  	v5 =	vld [tilespmem:s1+$0x20]  }
0x124: {  	v6 =	vld [tilespmem:s1+$0x10]  }
0x125: {  	v7 =	vld [tilespmem:s1+$0x0]  }
0x126: {  	v8 =	vld [tilespmem:s1+$0xFFFFFFF0]  }
0x127: {  	v9 =	vld [tilespmem:s1+$0xFFFFFFE0]  }
0x128: {  	v2 =	vld [tilespmem:s1+$0xFFFFFFD0]  }
0x129: {  	[tilespmem:v3+s17+$0x0] =	vst.idx.add.f32.msk $0xffff, v1  }
0x12a: {  	[tilespmem:v4+s17+$0x0] =	vst.idx.add.f32.msk $0xffff, v1  }
0x12b: {  	[tilespmem:v5+s17+$0x0] =	vst.idx.add.f32.msk $0xffff, v1  }
0x12c: {  	[tilespmem:v6+s17+$0x0] =	vst.idx.add.f32.msk $0xffff, v1  }
0x12d: {  	[tilespmem:v7+s17+$0x0] =	vst.idx.add.f32.msk $0xffff, v1  }
0x12e: {  	[tilespmem:v8+s17+$0x0] =	vst.idx.add.f32.msk $0xffff, v1  }
0x12f: {  	s22 =	simm.s32 $0x0;
	[tilespmem:v9+s17+$0x0] =	vst.idx.add.f32.msk $0xffff, v1  }
.LBB2_16:
0x130: {  	s22 =	sadd.s32 $0x8, s22;
	[tilespmem:v2+s17+$0x0] =	vst.idx.add.f32.msk $0xffff, v1;
	s1 =	sadd.s32 $0x80, s1  }
0x131: {  	v3 =	vld [tilespmem:s1+$0xFFFFFFC0];
	p1 =	slt.u32 s22, $0x7F8  }
0x132: {  	v4 =	vld [tilespmem:s1+$0x30]  }
0x133: {  	v5 =	vld [tilespmem:s1+$0x20]  }
0x134: {  	v6 =	vld [tilespmem:s1+$0x10]  }
0x135: {  	v7 =	vld [tilespmem:s1+$0x0]  }
0x136: {  	v8 =	vld [tilespmem:s1+$0xFFFFFFF0]  }
0x137: {  	v9 =	vld [tilespmem:s1+$0xFFFFFFE0]  }
0x138: {  	v2 =	vld [tilespmem:s1+$0xFFFFFFD0]  }
0x139: {  	[tilespmem:v3+s17+$0x0] =	vst.idx.add.f32.msk $0xffff, v1  }
0x13a: {  	[tilespmem:v4+s17+$0x0] =	vst.idx.add.f32.msk $0xffff, v1  }
.Ltmp9:
0x13b: {  	[tilespmem:v5+s17+$0x0] =	vst.idx.add.f32.msk $0xffff, v1;
	(pc) =	sbr.rel @p1 .LBB2_16-.Ltmp9, $4  }
0x13c: {  	[tilespmem:v6+s17+$0x0] =	vst.idx.add.f32.msk $0xffff, v1  }
0x13d: {  	[tilespmem:v7+s17+$0x0] =	vst.idx.add.f32.msk $0xffff, v1  }
0x13e: {  	[tilespmem:v8+s17+$0x0] =	vst.idx.add.f32.msk $0xffff, v1  }
0x13f: {  	[tilespmem:v9+s17+$0x0] =	vst.idx.add.f32.msk $0xffff, v1  }
0x140: {  	_ =	sdelay $0x3  }
0x141: {  	[tilespmem:v2+s17+$0x0] =	vst.idx.add.f32.msk $0xffff, v1  }
0x142: {  	_ =	swait.ge [sflag:s18], $0x8000  }
0x143: {  	[sflag:s18] =	ssyncset.done $0x0  }
0x144: {  	s1 =	simm.s32 $0x8040;
	[sflag:s18] =	ssyncadd.s32 $0xFFFF8000  }
0x145: {  	v3 =	vld [tilespmem:s1+$0xFFFFFFC0]  }
0x146: {  	v4 =	vld [tilespmem:s1+$0x30]  }
0x147: {  	v5 =	vld [tilespmem:s1+$0x20]  }
0x148: {  	v6 =	vld [tilespmem:s1+$0x10]  }
0x149: {  	v7 =	vld [tilespmem:s1+$0x0]  }
0x14a: {  	v8 =	vld [tilespmem:s1+$0xFFFFFFF0]  }
0x14b: {  	v9 =	vld [tilespmem:s1+$0xFFFFFFE0]  }
0x14c: {  	v2 =	vld [tilespmem:s1+$0xFFFFFFD0]  }
0x14d: {  	[tilespmem:v3+s17+$0x0] =	vst.idx.add.f32.msk $0xffff, v1  }
0x14e: {  	[tilespmem:v4+s17+$0x0] =	vst.idx.add.f32.msk $0xffff, v1  }
0x14f: {  	[tilespmem:v5+s17+$0x0] =	vst.idx.add.f32.msk $0xffff, v1  }
0x150: {  	[tilespmem:v6+s17+$0x0] =	vst.idx.add.f32.msk $0xffff, v1  }
0x151: {  	[tilespmem:v7+s17+$0x0] =	vst.idx.add.f32.msk $0xffff, v1  }
0x152: {  	[tilespmem:v8+s17+$0x0] =	vst.idx.add.f32.msk $0xffff, v1  }
0x153: {  	s22 =	simm.s32 $0x0;
	[tilespmem:v9+s17+$0x0] =	vst.idx.add.f32.msk $0xffff, v1  }
.LBB2_18:
0x154: {  	s22 =	sadd.s32 $0x8, s22;
	[tilespmem:v2+s17+$0x0] =	vst.idx.add.f32.msk $0xffff, v1;
	s1 =	sadd.s32 $0x80, s1  }
0x155: {  	v3 =	vld [tilespmem:s1+$0xFFFFFFC0];
	p1 =	slt.u32 s22, $0x7F8  }
0x156: {  	v4 =	vld [tilespmem:s1+$0x30]  }
0x157: {  	v5 =	vld [tilespmem:s1+$0x20]  }
0x158: {  	v6 =	vld [tilespmem:s1+$0x10]  }
0x159: {  	v7 =	vld [tilespmem:s1+$0x0]  }
0x15a: {  	v8 =	vld [tilespmem:s1+$0xFFFFFFF0]  }
0x15b: {  	v9 =	vld [tilespmem:s1+$0xFFFFFFE0]  }
0x15c: {  	v2 =	vld [tilespmem:s1+$0xFFFFFFD0]  }
0x15d: {  	[tilespmem:v3+s17+$0x0] =	vst.idx.add.f32.msk $0xffff, v1  }
0x15e: {  	[tilespmem:v4+s17+$0x0] =	vst.idx.add.f32.msk $0xffff, v1  }
.Ltmp10:
0x15f: {  	[tilespmem:v5+s17+$0x0] =	vst.idx.add.f32.msk $0xffff, v1;
	(pc) =	sbr.rel @p1 .LBB2_18-.Ltmp10, $4  }
0x160: {  	[tilespmem:v6+s17+$0x0] =	vst.idx.add.f32.msk $0xffff, v1  }
0x161: {  	[tilespmem:v7+s17+$0x0] =	vst.idx.add.f32.msk $0xffff, v1  }
0x162: {  	[tilespmem:v8+s17+$0x0] =	vst.idx.add.f32.msk $0xffff, v1  }
0x163: {  	s23 =	simm.s32 $0x0;
	[tilespmem:v9+s17+$0x0] =	vst.idx.add.f32.msk $0xffff, v1  }
0x164: {  	_ =	sdelay $0x3  }
0x165: {  	[tilespmem:v2+s17+$0x0] =	vst.idx.add.f32.msk $0xffff, v1;
	s26 =	sand.u32 $0x7E0, s23  }
0x166: {  	s22 =	simm.s32 $0x0;
	v2 =	vld [tilespmem:s26+$0x10800]  }
0x167: {  	v3 =	vld [tilespmem:s22+$0x10010]  }
0x168: {  	v4 =	vld [tilespmem:s22+$0x10810]  }
0x169: {  	v5 =	vld [tilespmem:s22+$0x10000]  }
0x16a: {  	v6 =	vld [tilespmem:s22+$0x11010]  }
0x16b: {  	v7 =	vld [tilespmem:s26+$0x11000]  }
0x16c: {  	v8 =	vld [tilespmem:s22+$0x11810]  }
0x16d: {  	v9 =	vld [tilespmem:s26+$0x11800];
	v3 =	vadd.f32 v4, v3  }
0x16e: {  	v2 =	vadd.f32 v2, v5;
	v4 =	vld [tilespmem:s22+$0x12010]  }
0x16f: {  	v5 =	vld [tilespmem:s26+$0x12000];
	v3 =	vadd.f32 v6, v3  }
0x170: {  	v2 =	vadd.f32 v7, v2;
	v6 =	vld [tilespmem:s22+$0x12810]  }
0x171: {  	v7 =	vld [tilespmem:s26+$0x12800];
	v3 =	vadd.f32 v8, v3  }
0x172: {  	v2 =	vadd.f32 v9, v2;
	v8 =	vld [tilespmem:s22+$0x13010]  }
0x173: {  	v9 =	vld [tilespmem:s26+$0x13000];
	v3 =	vadd.f32 v4, v3  }
0x174: {  	v2 =	vadd.f32 v5, v2;
	v4 =	vld [tilespmem:s22+$0x13810]  }
0x175: {  	v5 =	vld [tilespmem:s26+$0x13800];
	v3 =	vadd.f32 v6, v3  }
0x176: {  	v2 =	vadd.f32 v7, v2;
	v6 =	vld [tilespmem:s22+$0x14010]  }
0x177: {  	v7 =	vld [tilespmem:s26+$0x14000];
	v3 =	vadd.f32 v8, v3  }
0x178: {  	v2 =	vadd.f32 v9, v2;
	v8 =	vld [tilespmem:s22+$0x14810]  }
0x179: {  	v9 =	vld [tilespmem:s26+$0x14800];
	v3 =	vadd.f32 v4, v3  }
0x17a: {  	v2 =	vadd.f32 v5, v2;
	v4 =	vld [tilespmem:s22+$0x15010]  }
0x17b: {  	v5 =	vld [tilespmem:s26+$0x15000];
	v3 =	vadd.f32 v6, v3  }
0x17c: {  	v2 =	vadd.f32 v7, v2;
	v6 =	vld [tilespmem:s22+$0x15810]  }
0x17d: {  	v7 =	vld [tilespmem:s26+$0x15800];
	v3 =	vadd.f32 v8, v3  }
0x17e: {  	v2 =	vadd.f32 v9, v2;
	v8 =	vld [tilespmem:s22+$0x16010]  }
0x17f: {  	v9 =	vld [tilespmem:s26+$0x16000];
	v3 =	vadd.f32 v4, v3  }
0x180: {  	v4 =	vadd.f32 v5, v2;
	v5 =	vld [tilespmem:s22+$0x16810]  }
0x181: {  	v2 =	vld [tilespmem:s26+$0x16800];
	v6 =	vadd.f32 v6, v3  }
0x182: {  	v7 =	vadd.f32 v7, v4;
	v4 =	vld [tilespmem:s22+$0x17010]  }
0x183: {  	v3 =	vld [tilespmem:s26+$0x17000];
	v8 =	vadd.f32 v8, v6  }
0x184: {  	s30 =	simm.s32 $0x0;
	s1 =	simm.s32 $0x20;
	v7 =	vadd.f32 v9, v7;
	v6 =	vld [tilespmem:s22+$0x17810]  }
.LBB2_20:
0x185: {  	v9 =	vld [tilespmem:s26+$0x17800];
	s26 =	sand.u32 $0x7E0, s1;
	v5 =	vadd.f32 v5, v8;
	s23 =	sadd.s32 $0x80, s23  }
0x186: {  	s2 =	sshra.s32 s23, $0x2;
	v8 =	vld [tilespmem:s26+$0x10800];
	v2 =	vadd.f32 v2, v7  }
0x187: {  	s30 =	sadd.s32 $0x2, s30;
	v7 =	vld [tilespmem:s2+$0x10010];
	v4 =	vadd.f32 v4, v5  }
0x188: {  	p1 =	slt.u32 s30, $0x7E;
	v5 =	vld [tilespmem:s2+$0x10810];
	v2 =	vadd.f32 v3, v2  }
0x189: {  	v3 =	vld [tilespmem:s2+$0x10000];
	v4 =	vadd.f32 v6, v4  }
0x18a: {  	v6 =	vld [tilespmem:s2+$0x11010];
	v2 =	vadd.f32 v9, v2  }
0x18b: {  	v9 =	vld [tilespmem:s26+$0x11000];
	[tilespmem:s22+$0x18010] =	vst v4  }
0x18c: {  	v4 =	vld [tilespmem:s2+$0x11810];
	[tilespmem:s22+$0x18000] =	vst v2;
	s22 =	smov.u32 s2  }
0x18d: {  	v2 =	vld [tilespmem:s26+$0x11800];
	v5 =	vadd.f32 v5, v7  }
0x18e: {  	v3 =	vadd.f32 v8, v3;
	v7 =	vld [tilespmem:s22+$0x12010]  }
0x18f: {  	v8 =	vld [tilespmem:s26+$0x12000];
	v5 =	vadd.f32 v6, v5  }
0x190: {  	v3 =	vadd.f32 v9, v3;
	v6 =	vld [tilespmem:s22+$0x12810]  }
0x191: {  	v9 =	vld [tilespmem:s26+$0x12800];
	v4 =	vadd.f32 v4, v5  }
0x192: {  	v2 =	vadd.f32 v2, v3;
	v3 =	vld [tilespmem:s22+$0x13010]  }
0x193: {  	v5 =	vld [tilespmem:s26+$0x13000];
	v4 =	vadd.f32 v7, v4  }
0x194: {  	v2 =	vadd.f32 v8, v2;
	v7 =	vld [tilespmem:s22+$0x13810]  }
0x195: {  	v8 =	vld [tilespmem:s26+$0x13800];
	v4 =	vadd.f32 v6, v4  }
0x196: {  	v2 =	vadd.f32 v9, v2;
	v6 =	vld [tilespmem:s22+$0x14010]  }
0x197: {  	v9 =	vld [tilespmem:s26+$0x14000];
	v3 =	vadd.f32 v3, v4  }
0x198: {  	v2 =	vadd.f32 v5, v2;
	v4 =	vld [tilespmem:s22+$0x14810]  }
0x199: {  	v5 =	vld [tilespmem:s26+$0x14800];
	v3 =	vadd.f32 v7, v3  }
0x19a: {  	v2 =	vadd.f32 v8, v2;
	v7 =	vld [tilespmem:s22+$0x15010]  }
0x19b: {  	v8 =	vld [tilespmem:s26+$0x15000];
	v3 =	vadd.f32 v6, v3  }
0x19c: {  	v2 =	vadd.f32 v9, v2;
	v6 =	vld [tilespmem:s22+$0x15810]  }
0x19d: {  	v9 =	vld [tilespmem:s26+$0x15800];
	v3 =	vadd.f32 v4, v3  }
0x19e: {  	v2 =	vadd.f32 v5, v2;
	v10 =	vld [tilespmem:s22+$0x16010]  }
0x19f: {  	v11 =	vld [tilespmem:s26+$0x16000];
	v3 =	vadd.f32 v7, v3  }
.Ltmp11:
0x1a0: {  	v4 =	vadd.f32 v8, v2;
	v5 =	vld [tilespmem:s22+$0x16810];
	(pc) =	sbr.rel @p1 .LBB2_20-.Ltmp11, $4  }
0x1a1: {  	v2 =	vld [tilespmem:s26+$0x16800];
	v6 =	vadd.f32 v6, v3  }
0x1a2: {  	v7 =	vadd.f32 v9, v4;
	v4 =	vld [tilespmem:s22+$0x17010]  }
0x1a3: {  	v3 =	vld [tilespmem:s26+$0x17000];
	v8 =	vadd.f32 v10, v6  }
0x1a4: {  	s1 =	sadd.s32 $0x20, s1;
	v7 =	vadd.f32 v11, v7;
	v6 =	vld [tilespmem:s22+$0x17810]  }
0x1a5: {  	v9 =	vld [tilespmem:s26+$0x17800];
	v5 =	vadd.f32 v5, v8  }
0x1a6: {  	v2 =	vadd.f32 v2, v7  }
0x1a7: {  	v4 =	vadd.f32 v4, v5  }
0x1a8: {  	v2 =	vadd.f32 v3, v2  }
0x1a9: {  	v3 =	vadd.f32 v6, v4  }
0x1aa: {  	v2 =	vadd.f32 v9, v2  }
0x1ab: {  	[tilespmem:s22+$0x18010] =	vst v3  }
0x1ac: {  	[tilespmem:s22+$0x18000] =	vst v2  }
0x1ad: {  	[hbm4b:s28+s25] =	stream.linear.scatter [tilespmem:s19], [sflag:$0x3], $0x800, $0x38;
	[tilespmem:$0x18800] =	vst v63  }
0x1ae: {  	_ =	swait.ge [sflag:s20], $0x800  }
0x1af: {  	[sflag:s20] =	ssyncset.done $0x0  }
0x1b0: {  	s1 =	simm.s32 $0x10040;
	[sflag:s20] =	ssyncadd.s32 $0xFFFFF800  }
0x1b1: {  	[tilespmem:s1+$0xFFFFFFC0] =	vst v0  }
0x1b2: {  	[tilespmem:s1+$0x30] =	vst v0  }
0x1b3: {  	[tilespmem:s1+$0x20] =	vst v0  }
0x1b4: {  	[tilespmem:s1+$0x10] =	vst v0  }
0x1b5: {  	[tilespmem:s1+$0x0] =	vst v0  }
0x1b6: {  	[tilespmem:s1+$0xFFFFFFF0] =	vst v0  }
0x1b7: {  	s22 =	simm.s32 $0x0;
	[tilespmem:s1+$0xFFFFFFE0] =	vst v0  }
.LBB2_22:
0x1b8: {  	s22 =	sadd.s32 $0x8, s22;
	[tilespmem:s1+$0xFFFFFFD0] =	vst v0;
	s1 =	sadd.s32 $0x80, s1  }
0x1b9: {  	[tilespmem:s1+$0xFFFFFFC0] =	vst v0;
	p1 =	slt.u32 s22, $0x7F8  }
0x1ba: {  	[tilespmem:s1+$0x30] =	vst v0  }
.Ltmp12:
0x1bb: {  	[tilespmem:s1+$0x20] =	vst v0;
	(pc) =	sbr.rel @p1 .LBB2_22-.Ltmp12, $4  }
0x1bc: {  	[tilespmem:s1+$0x10] =	vst v0  }
0x1bd: {  	[tilespmem:s1+$0x0] =	vst v0  }
0x1be: {  	[tilespmem:s1+$0xFFFFFFF0] =	vst v0  }
0x1bf: {  	[tilespmem:s1+$0xFFFFFFE0] =	vst v0  }
0x1c0: {  	[tilespmem:s1+$0xFFFFFFD0] =	vst v0  }
0x1c1: {  	[tilespmem:s25], [sflag:$0x1] =	stream.linear.gather [hbm4b:s9+s25], $0x8000, $0x38;
	[tilespmem:$0x18800] =	vst v63  }
0x1c2: {  	_ =	swait.ge [sflag:s24], $0x8000  }
0x1c3: {  	[sflag:s24] =	ssyncset.done $0x0  }
0x1c4: {  	s1 =	simm.s32 $0x40;
	[sflag:s24] =	ssyncadd.s32 $0xFFFF8000  }
0x1c5: {  	[tilespmem:s0], [sflag:$0x2] =	stream.linear.gather [hbm4b:s10+s25], $0x8000, $0x38;
	[tilespmem:$0x18800] =	vst v63  }
0x1c6: {  	v3 =	vld [tilespmem:s1+$0xFFFFFFC0]  }
0x1c7: {  	v4 =	vld [tilespmem:s1+$0x30]  }
0x1c8: {  	v5 =	vld [tilespmem:s1+$0x20]  }
0x1c9: {  	v6 =	vld [tilespmem:s1+$0x10]  }
0x1ca: {  	v7 =	vld [tilespmem:s1+$0x0]  }
0x1cb: {  	v8 =	vld [tilespmem:s1+$0xFFFFFFF0]  }
0x1cc: {  	v9 =	vld [tilespmem:s1+$0xFFFFFFE0]  }
0x1cd: {  	v2 =	vld [tilespmem:s1+$0xFFFFFFD0]  }
0x1ce: {  	[tilespmem:v3+s17+$0x0] =	vst.idx.add.f32.msk $0xffff, v1  }
0x1cf: {  	[tilespmem:v4+s17+$0x0] =	vst.idx.add.f32.msk $0xffff, v1  }
0x1d0: {  	[tilespmem:v5+s17+$0x0] =	vst.idx.add.f32.msk $0xffff, v1  }
0x1d1: {  	[tilespmem:v6+s17+$0x0] =	vst.idx.add.f32.msk $0xffff, v1  }
0x1d2: {  	[tilespmem:v7+s17+$0x0] =	vst.idx.add.f32.msk $0xffff, v1  }
0x1d3: {  	[tilespmem:v8+s17+$0x0] =	vst.idx.add.f32.msk $0xffff, v1  }
0x1d4: {  	s22 =	simm.s32 $0x0;
	[tilespmem:v9+s17+$0x0] =	vst.idx.add.f32.msk $0xffff, v1  }
.LBB2_24:
0x1d5: {  	s22 =	sadd.s32 $0x8, s22;
	[tilespmem:v2+s17+$0x0] =	vst.idx.add.f32.msk $0xffff, v1;
	s1 =	sadd.s32 $0x80, s1  }
0x1d6: {  	v3 =	vld [tilespmem:s1+$0xFFFFFFC0];
	p1 =	slt.u32 s22, $0x7F8  }
0x1d7: {  	v4 =	vld [tilespmem:s1+$0x30]  }
0x1d8: {  	v5 =	vld [tilespmem:s1+$0x20]  }
0x1d9: {  	v6 =	vld [tilespmem:s1+$0x10]  }
0x1da: {  	v7 =	vld [tilespmem:s1+$0x0]  }
0x1db: {  	v8 =	vld [tilespmem:s1+$0xFFFFFFF0]  }
0x1dc: {  	v9 =	vld [tilespmem:s1+$0xFFFFFFE0]  }
0x1dd: {  	v2 =	vld [tilespmem:s1+$0xFFFFFFD0]  }
0x1de: {  	[tilespmem:v3+s17+$0x0] =	vst.idx.add.f32.msk $0xffff, v1  }
0x1df: {  	[tilespmem:v4+s17+$0x0] =	vst.idx.add.f32.msk $0xffff, v1  }
.Ltmp13:
0x1e0: {  	[tilespmem:v5+s17+$0x0] =	vst.idx.add.f32.msk $0xffff, v1;
	(pc) =	sbr.rel @p1 .LBB2_24-.Ltmp13, $4  }
0x1e1: {  	[tilespmem:v6+s17+$0x0] =	vst.idx.add.f32.msk $0xffff, v1  }
0x1e2: {  	[tilespmem:v7+s17+$0x0] =	vst.idx.add.f32.msk $0xffff, v1  }
0x1e3: {  	[tilespmem:v8+s17+$0x0] =	vst.idx.add.f32.msk $0xffff, v1  }
0x1e4: {  	[tilespmem:v9+s17+$0x0] =	vst.idx.add.f32.msk $0xffff, v1  }
0x1e5: {  	_ =	sdelay $0x3  }
0x1e6: {  	[tilespmem:v2+s17+$0x0] =	vst.idx.add.f32.msk $0xffff, v1  }
0x1e7: {  	_ =	swait.ge [sflag:s18], $0x8000  }
0x1e8: {  	[sflag:s18] =	ssyncset.done $0x0  }
0x1e9: {  	s1 =	simm.s32 $0x8040;
	[sflag:s18] =	ssyncadd.s32 $0xFFFF8000  }
0x1ea: {  	[tilespmem:s25], [sflag:$0x1] =	stream.linear.gather [hbm4b:s11+s25], $0x8000, $0x38;
	[tilespmem:$0x18800] =	vst v63  }
0x1eb: {  	v3 =	vld [tilespmem:s1+$0xFFFFFFC0]  }
0x1ec: {  	v4 =	vld [tilespmem:s1+$0x30]  }
0x1ed: {  	v5 =	vld [tilespmem:s1+$0x20]  }
0x1ee: {  	v6 =	vld [tilespmem:s1+$0x10]  }
0x1ef: {  	v7 =	vld [tilespmem:s1+$0x0]  }
0x1f0: {  	v8 =	vld [tilespmem:s1+$0xFFFFFFF0]  }
0x1f1: {  	v9 =	vld [tilespmem:s1+$0xFFFFFFE0]  }
0x1f2: {  	v2 =	vld [tilespmem:s1+$0xFFFFFFD0]  }
0x1f3: {  	[tilespmem:v3+s17+$0x0] =	vst.idx.add.f32.msk $0xffff, v1  }
0x1f4: {  	[tilespmem:v4+s17+$0x0] =	vst.idx.add.f32.msk $0xffff, v1  }
0x1f5: {  	[tilespmem:v5+s17+$0x0] =	vst.idx.add.f32.msk $0xffff, v1  }
0x1f6: {  	[tilespmem:v6+s17+$0x0] =	vst.idx.add.f32.msk $0xffff, v1  }
0x1f7: {  	[tilespmem:v7+s17+$0x0] =	vst.idx.add.f32.msk $0xffff, v1  }
0x1f8: {  	[tilespmem:v8+s17+$0x0] =	vst.idx.add.f32.msk $0xffff, v1  }
0x1f9: {  	s22 =	simm.s32 $0x0;
	[tilespmem:v9+s17+$0x0] =	vst.idx.add.f32.msk $0xffff, v1  }
.LBB2_26:
0x1fa: {  	s22 =	sadd.s32 $0x8, s22;
	[tilespmem:v2+s17+$0x0] =	vst.idx.add.f32.msk $0xffff, v1;
	s1 =	sadd.s32 $0x80, s1  }
0x1fb: {  	v3 =	vld [tilespmem:s1+$0xFFFFFFC0];
	p1 =	slt.u32 s22, $0x7F8  }
0x1fc: {  	v4 =	vld [tilespmem:s1+$0x30]  }
0x1fd: {  	v5 =	vld [tilespmem:s1+$0x20]  }
0x1fe: {  	v6 =	vld [tilespmem:s1+$0x10]  }
0x1ff: {  	v7 =	vld [tilespmem:s1+$0x0]  }
0x200: {  	v8 =	vld [tilespmem:s1+$0xFFFFFFF0]  }
0x201: {  	v9 =	vld [tilespmem:s1+$0xFFFFFFE0]  }
0x202: {  	v2 =	vld [tilespmem:s1+$0xFFFFFFD0]  }
0x203: {  	[tilespmem:v3+s17+$0x0] =	vst.idx.add.f32.msk $0xffff, v1  }
0x204: {  	[tilespmem:v4+s17+$0x0] =	vst.idx.add.f32.msk $0xffff, v1  }
.Ltmp14:
0x205: {  	[tilespmem:v5+s17+$0x0] =	vst.idx.add.f32.msk $0xffff, v1;
	(pc) =	sbr.rel @p1 .LBB2_26-.Ltmp14, $4  }
0x206: {  	[tilespmem:v6+s17+$0x0] =	vst.idx.add.f32.msk $0xffff, v1  }
0x207: {  	[tilespmem:v7+s17+$0x0] =	vst.idx.add.f32.msk $0xffff, v1  }
0x208: {  	[tilespmem:v8+s17+$0x0] =	vst.idx.add.f32.msk $0xffff, v1  }
0x209: {  	[tilespmem:v9+s17+$0x0] =	vst.idx.add.f32.msk $0xffff, v1  }
0x20a: {  	_ =	sdelay $0x3  }
0x20b: {  	[tilespmem:v2+s17+$0x0] =	vst.idx.add.f32.msk $0xffff, v1  }
0x20c: {  	_ =	swait.ge [sflag:s24], $0x8000  }
0x20d: {  	[sflag:s24] =	ssyncset.done $0x0  }
0x20e: {  	s1 =	simm.s32 $0x40;
	[sflag:s24] =	ssyncadd.s32 $0xFFFF8000  }
0x20f: {  	[tilespmem:s0], [sflag:$0x2] =	stream.linear.gather [hbm4b:s12+s25], $0x8000, $0x38;
	[tilespmem:$0x18800] =	vst v63  }
0x210: {  	v3 =	vld [tilespmem:s1+$0xFFFFFFC0]  }
0x211: {  	v4 =	vld [tilespmem:s1+$0x30]  }
0x212: {  	v5 =	vld [tilespmem:s1+$0x20]  }
0x213: {  	v6 =	vld [tilespmem:s1+$0x10]  }
0x214: {  	v7 =	vld [tilespmem:s1+$0x0]  }
0x215: {  	v8 =	vld [tilespmem:s1+$0xFFFFFFF0]  }
0x216: {  	v9 =	vld [tilespmem:s1+$0xFFFFFFE0]  }
0x217: {  	v2 =	vld [tilespmem:s1+$0xFFFFFFD0]  }
0x218: {  	[tilespmem:v3+s17+$0x0] =	vst.idx.add.f32.msk $0xffff, v1  }
0x219: {  	[tilespmem:v4+s17+$0x0] =	vst.idx.add.f32.msk $0xffff, v1  }
0x21a: {  	[tilespmem:v5+s17+$0x0] =	vst.idx.add.f32.msk $0xffff, v1  }
0x21b: {  	[tilespmem:v6+s17+$0x0] =	vst.idx.add.f32.msk $0xffff, v1  }
0x21c: {  	[tilespmem:v7+s17+$0x0] =	vst.idx.add.f32.msk $0xffff, v1  }
0x21d: {  	[tilespmem:v8+s17+$0x0] =	vst.idx.add.f32.msk $0xffff, v1  }
0x21e: {  	s22 =	simm.s32 $0x0;
	[tilespmem:v9+s17+$0x0] =	vst.idx.add.f32.msk $0xffff, v1  }
.LBB2_28:
0x21f: {  	s22 =	sadd.s32 $0x8, s22;
	[tilespmem:v2+s17+$0x0] =	vst.idx.add.f32.msk $0xffff, v1;
	s1 =	sadd.s32 $0x80, s1  }
0x220: {  	v3 =	vld [tilespmem:s1+$0xFFFFFFC0];
	p1 =	slt.u32 s22, $0x7F8  }
0x221: {  	v4 =	vld [tilespmem:s1+$0x30]  }
0x222: {  	v5 =	vld [tilespmem:s1+$0x20]  }
0x223: {  	v6 =	vld [tilespmem:s1+$0x10]  }
0x224: {  	v7 =	vld [tilespmem:s1+$0x0]  }
0x225: {  	v8 =	vld [tilespmem:s1+$0xFFFFFFF0]  }
0x226: {  	v9 =	vld [tilespmem:s1+$0xFFFFFFE0]  }
0x227: {  	v2 =	vld [tilespmem:s1+$0xFFFFFFD0]  }
0x228: {  	[tilespmem:v3+s17+$0x0] =	vst.idx.add.f32.msk $0xffff, v1  }
0x229: {  	[tilespmem:v4+s17+$0x0] =	vst.idx.add.f32.msk $0xffff, v1  }
.Ltmp15:
0x22a: {  	[tilespmem:v5+s17+$0x0] =	vst.idx.add.f32.msk $0xffff, v1;
	(pc) =	sbr.rel @p1 .LBB2_28-.Ltmp15, $4  }
0x22b: {  	[tilespmem:v6+s17+$0x0] =	vst.idx.add.f32.msk $0xffff, v1  }
0x22c: {  	[tilespmem:v7+s17+$0x0] =	vst.idx.add.f32.msk $0xffff, v1  }
0x22d: {  	[tilespmem:v8+s17+$0x0] =	vst.idx.add.f32.msk $0xffff, v1  }
0x22e: {  	[tilespmem:v9+s17+$0x0] =	vst.idx.add.f32.msk $0xffff, v1  }
0x22f: {  	_ =	sdelay $0x3  }
0x230: {  	[tilespmem:v2+s17+$0x0] =	vst.idx.add.f32.msk $0xffff, v1  }
0x231: {  	_ =	swait.ge [sflag:s18], $0x8000  }
0x232: {  	[sflag:s18] =	ssyncset.done $0x0  }
0x233: {  	s1 =	simm.s32 $0x8040;
	[sflag:s18] =	ssyncadd.s32 $0xFFFF8000  }
0x234: {  	[tilespmem:s25], [sflag:$0x1] =	stream.linear.gather [hbm4b:s13+s25], $0x8000, $0x38;
	[tilespmem:$0x18800] =	vst v63  }
0x235: {  	v3 =	vld [tilespmem:s1+$0xFFFFFFC0]  }
0x236: {  	v4 =	vld [tilespmem:s1+$0x30]  }
0x237: {  	v5 =	vld [tilespmem:s1+$0x20]  }
0x238: {  	v6 =	vld [tilespmem:s1+$0x10]  }
0x239: {  	v7 =	vld [tilespmem:s1+$0x0]  }
0x23a: {  	v8 =	vld [tilespmem:s1+$0xFFFFFFF0]  }
0x23b: {  	v9 =	vld [tilespmem:s1+$0xFFFFFFE0]  }
0x23c: {  	v2 =	vld [tilespmem:s1+$0xFFFFFFD0]  }
0x23d: {  	[tilespmem:v3+s17+$0x0] =	vst.idx.add.f32.msk $0xffff, v1  }
0x23e: {  	[tilespmem:v4+s17+$0x0] =	vst.idx.add.f32.msk $0xffff, v1  }
0x23f: {  	[tilespmem:v5+s17+$0x0] =	vst.idx.add.f32.msk $0xffff, v1  }
0x240: {  	[tilespmem:v6+s17+$0x0] =	vst.idx.add.f32.msk $0xffff, v1  }
0x241: {  	[tilespmem:v7+s17+$0x0] =	vst.idx.add.f32.msk $0xffff, v1  }
0x242: {  	[tilespmem:v8+s17+$0x0] =	vst.idx.add.f32.msk $0xffff, v1  }
0x243: {  	s22 =	simm.s32 $0x0;
	[tilespmem:v9+s17+$0x0] =	vst.idx.add.f32.msk $0xffff, v1  }
.LBB2_30:
0x244: {  	s22 =	sadd.s32 $0x8, s22;
	[tilespmem:v2+s17+$0x0] =	vst.idx.add.f32.msk $0xffff, v1;
	s1 =	sadd.s32 $0x80, s1  }
0x245: {  	v3 =	vld [tilespmem:s1+$0xFFFFFFC0];
	p1 =	slt.u32 s22, $0x7F8  }
0x246: {  	v4 =	vld [tilespmem:s1+$0x30]  }
0x247: {  	v5 =	vld [tilespmem:s1+$0x20]  }
0x248: {  	v6 =	vld [tilespmem:s1+$0x10]  }
0x249: {  	v7 =	vld [tilespmem:s1+$0x0]  }
0x24a: {  	v8 =	vld [tilespmem:s1+$0xFFFFFFF0]  }
0x24b: {  	v9 =	vld [tilespmem:s1+$0xFFFFFFE0]  }
0x24c: {  	v2 =	vld [tilespmem:s1+$0xFFFFFFD0]  }
0x24d: {  	[tilespmem:v3+s17+$0x0] =	vst.idx.add.f32.msk $0xffff, v1  }
0x24e: {  	[tilespmem:v4+s17+$0x0] =	vst.idx.add.f32.msk $0xffff, v1  }
.Ltmp16:
0x24f: {  	[tilespmem:v5+s17+$0x0] =	vst.idx.add.f32.msk $0xffff, v1;
	(pc) =	sbr.rel @p1 .LBB2_30-.Ltmp16, $4  }
0x250: {  	[tilespmem:v6+s17+$0x0] =	vst.idx.add.f32.msk $0xffff, v1  }
0x251: {  	[tilespmem:v7+s17+$0x0] =	vst.idx.add.f32.msk $0xffff, v1  }
0x252: {  	[tilespmem:v8+s17+$0x0] =	vst.idx.add.f32.msk $0xffff, v1  }
0x253: {  	[tilespmem:v9+s17+$0x0] =	vst.idx.add.f32.msk $0xffff, v1  }
0x254: {  	_ =	sdelay $0x3  }
0x255: {  	[tilespmem:v2+s17+$0x0] =	vst.idx.add.f32.msk $0xffff, v1  }
0x256: {  	_ =	swait.ge [sflag:s24], $0x8000  }
0x257: {  	[sflag:s24] =	ssyncset.done $0x0  }
0x258: {  	s1 =	simm.s32 $0x40;
	[sflag:s24] =	ssyncadd.s32 $0xFFFF8000  }
0x259: {  	[tilespmem:s0], [sflag:$0x2] =	stream.linear.gather [hbm4b:s14+s25], $0x8000, $0x38;
	[tilespmem:$0x18800] =	vst v63  }
0x25a: {  	v3 =	vld [tilespmem:s1+$0xFFFFFFC0]  }
0x25b: {  	v4 =	vld [tilespmem:s1+$0x30]  }
0x25c: {  	v5 =	vld [tilespmem:s1+$0x20]  }
0x25d: {  	v6 =	vld [tilespmem:s1+$0x10]  }
0x25e: {  	v7 =	vld [tilespmem:s1+$0x0]  }
0x25f: {  	v8 =	vld [tilespmem:s1+$0xFFFFFFF0]  }
0x260: {  	v9 =	vld [tilespmem:s1+$0xFFFFFFE0]  }
0x261: {  	v2 =	vld [tilespmem:s1+$0xFFFFFFD0]  }
0x262: {  	[tilespmem:v3+s17+$0x0] =	vst.idx.add.f32.msk $0xffff, v1  }
0x263: {  	[tilespmem:v4+s17+$0x0] =	vst.idx.add.f32.msk $0xffff, v1  }
0x264: {  	[tilespmem:v5+s17+$0x0] =	vst.idx.add.f32.msk $0xffff, v1  }
0x265: {  	[tilespmem:v6+s17+$0x0] =	vst.idx.add.f32.msk $0xffff, v1  }
0x266: {  	[tilespmem:v7+s17+$0x0] =	vst.idx.add.f32.msk $0xffff, v1  }
0x267: {  	[tilespmem:v8+s17+$0x0] =	vst.idx.add.f32.msk $0xffff, v1  }
0x268: {  	s22 =	simm.s32 $0x0;
	[tilespmem:v9+s17+$0x0] =	vst.idx.add.f32.msk $0xffff, v1  }
.LBB2_32:
0x269: {  	s22 =	sadd.s32 $0x8, s22;
	[tilespmem:v2+s17+$0x0] =	vst.idx.add.f32.msk $0xffff, v1;
	s1 =	sadd.s32 $0x80, s1  }
0x26a: {  	v3 =	vld [tilespmem:s1+$0xFFFFFFC0];
	p1 =	slt.u32 s22, $0x7F8  }
0x26b: {  	v4 =	vld [tilespmem:s1+$0x30]  }
0x26c: {  	v5 =	vld [tilespmem:s1+$0x20]  }
0x26d: {  	v6 =	vld [tilespmem:s1+$0x10]  }
0x26e: {  	v7 =	vld [tilespmem:s1+$0x0]  }
0x26f: {  	v8 =	vld [tilespmem:s1+$0xFFFFFFF0]  }
0x270: {  	v9 =	vld [tilespmem:s1+$0xFFFFFFE0]  }
0x271: {  	v2 =	vld [tilespmem:s1+$0xFFFFFFD0]  }
0x272: {  	[tilespmem:v3+s17+$0x0] =	vst.idx.add.f32.msk $0xffff, v1  }
0x273: {  	[tilespmem:v4+s17+$0x0] =	vst.idx.add.f32.msk $0xffff, v1  }
.Ltmp17:
0x274: {  	[tilespmem:v5+s17+$0x0] =	vst.idx.add.f32.msk $0xffff, v1;
	(pc) =	sbr.rel @p1 .LBB2_32-.Ltmp17, $4  }
0x275: {  	[tilespmem:v6+s17+$0x0] =	vst.idx.add.f32.msk $0xffff, v1  }
0x276: {  	[tilespmem:v7+s17+$0x0] =	vst.idx.add.f32.msk $0xffff, v1  }
0x277: {  	[tilespmem:v8+s17+$0x0] =	vst.idx.add.f32.msk $0xffff, v1  }
0x278: {  	[tilespmem:v9+s17+$0x0] =	vst.idx.add.f32.msk $0xffff, v1  }
0x279: {  	_ =	sdelay $0x3  }
0x27a: {  	[tilespmem:v2+s17+$0x0] =	vst.idx.add.f32.msk $0xffff, v1  }
0x27b: {  	_ =	swait.ge [sflag:s18], $0x8000  }
0x27c: {  	[sflag:s18] =	ssyncset.done $0x0  }
0x27d: {  	s1 =	simm.s32 $0x8040;
	[sflag:s18] =	ssyncadd.s32 $0xFFFF8000  }
0x27e: {  	[tilespmem:s25], [sflag:$0x1] =	stream.linear.gather [hbm4b:s15+s25], $0x8000, $0x38;
	[tilespmem:$0x18800] =	vst v63  }
0x27f: {  	v3 =	vld [tilespmem:s1+$0xFFFFFFC0]  }
0x280: {  	v4 =	vld [tilespmem:s1+$0x30]  }
0x281: {  	v5 =	vld [tilespmem:s1+$0x20]  }
0x282: {  	v6 =	vld [tilespmem:s1+$0x10]  }
0x283: {  	v7 =	vld [tilespmem:s1+$0x0]  }
0x284: {  	v8 =	vld [tilespmem:s1+$0xFFFFFFF0]  }
0x285: {  	v9 =	vld [tilespmem:s1+$0xFFFFFFE0]  }
0x286: {  	v2 =	vld [tilespmem:s1+$0xFFFFFFD0]  }
0x287: {  	[tilespmem:v3+s17+$0x0] =	vst.idx.add.f32.msk $0xffff, v1  }
0x288: {  	[tilespmem:v4+s17+$0x0] =	vst.idx.add.f32.msk $0xffff, v1  }
0x289: {  	[tilespmem:v5+s17+$0x0] =	vst.idx.add.f32.msk $0xffff, v1  }
0x28a: {  	[tilespmem:v6+s17+$0x0] =	vst.idx.add.f32.msk $0xffff, v1  }
0x28b: {  	[tilespmem:v7+s17+$0x0] =	vst.idx.add.f32.msk $0xffff, v1  }
0x28c: {  	[tilespmem:v8+s17+$0x0] =	vst.idx.add.f32.msk $0xffff, v1  }
0x28d: {  	s22 =	simm.s32 $0x0;
	[tilespmem:v9+s17+$0x0] =	vst.idx.add.f32.msk $0xffff, v1  }
.LBB2_34:
0x28e: {  	s22 =	sadd.s32 $0x8, s22;
	[tilespmem:v2+s17+$0x0] =	vst.idx.add.f32.msk $0xffff, v1;
	s1 =	sadd.s32 $0x80, s1  }
0x28f: {  	v3 =	vld [tilespmem:s1+$0xFFFFFFC0];
	p1 =	slt.u32 s22, $0x7F8  }
0x290: {  	v4 =	vld [tilespmem:s1+$0x30]  }
0x291: {  	v5 =	vld [tilespmem:s1+$0x20]  }
0x292: {  	v6 =	vld [tilespmem:s1+$0x10]  }
0x293: {  	v7 =	vld [tilespmem:s1+$0x0]  }
0x294: {  	v8 =	vld [tilespmem:s1+$0xFFFFFFF0]  }
0x295: {  	v9 =	vld [tilespmem:s1+$0xFFFFFFE0]  }
0x296: {  	v2 =	vld [tilespmem:s1+$0xFFFFFFD0]  }
0x297: {  	[tilespmem:v3+s17+$0x0] =	vst.idx.add.f32.msk $0xffff, v1  }
0x298: {  	[tilespmem:v4+s17+$0x0] =	vst.idx.add.f32.msk $0xffff, v1  }
.Ltmp18:
0x299: {  	[tilespmem:v5+s17+$0x0] =	vst.idx.add.f32.msk $0xffff, v1;
	(pc) =	sbr.rel @p1 .LBB2_34-.Ltmp18, $4  }
0x29a: {  	[tilespmem:v6+s17+$0x0] =	vst.idx.add.f32.msk $0xffff, v1  }
0x29b: {  	[tilespmem:v7+s17+$0x0] =	vst.idx.add.f32.msk $0xffff, v1  }
0x29c: {  	[tilespmem:v8+s17+$0x0] =	vst.idx.add.f32.msk $0xffff, v1  }
0x29d: {  	[tilespmem:v9+s17+$0x0] =	vst.idx.add.f32.msk $0xffff, v1  }
0x29e: {  	_ =	sdelay $0x3  }
0x29f: {  	[tilespmem:v2+s17+$0x0] =	vst.idx.add.f32.msk $0xffff, v1  }
0x2a0: {  	_ =	swait.ge [sflag:s24], $0x8000  }
0x2a1: {  	[sflag:s24] =	ssyncset.done $0x0  }
0x2a2: {  	s1 =	simm.s32 $0x40;
	[sflag:s24] =	ssyncadd.s32 $0xFFFF8000  }
0x2a3: {  	[tilespmem:s0], [sflag:$0x2] =	stream.linear.gather [hbm4b:s16+s25], $0x8000, $0x38;
	[tilespmem:$0x18800] =	vst v63  }
0x2a4: {  	v3 =	vld [tilespmem:s1+$0xFFFFFFC0]  }
0x2a5: {  	v4 =	vld [tilespmem:s1+$0x30]  }
0x2a6: {  	v5 =	vld [tilespmem:s1+$0x20]  }
0x2a7: {  	v6 =	vld [tilespmem:s1+$0x10]  }
0x2a8: {  	v7 =	vld [tilespmem:s1+$0x0]  }
0x2a9: {  	v8 =	vld [tilespmem:s1+$0xFFFFFFF0]  }
0x2aa: {  	v9 =	vld [tilespmem:s1+$0xFFFFFFE0]  }
0x2ab: {  	v2 =	vld [tilespmem:s1+$0xFFFFFFD0]  }
0x2ac: {  	[tilespmem:v3+s17+$0x0] =	vst.idx.add.f32.msk $0xffff, v1  }
0x2ad: {  	[tilespmem:v4+s17+$0x0] =	vst.idx.add.f32.msk $0xffff, v1  }
0x2ae: {  	[tilespmem:v5+s17+$0x0] =	vst.idx.add.f32.msk $0xffff, v1  }
0x2af: {  	[tilespmem:v6+s17+$0x0] =	vst.idx.add.f32.msk $0xffff, v1  }
0x2b0: {  	[tilespmem:v7+s17+$0x0] =	vst.idx.add.f32.msk $0xffff, v1  }
0x2b1: {  	[tilespmem:v8+s17+$0x0] =	vst.idx.add.f32.msk $0xffff, v1  }
0x2b2: {  	s22 =	simm.s32 $0x0;
	[tilespmem:v9+s17+$0x0] =	vst.idx.add.f32.msk $0xffff, v1  }
.LBB2_36:
0x2b3: {  	s22 =	sadd.s32 $0x8, s22;
	[tilespmem:v2+s17+$0x0] =	vst.idx.add.f32.msk $0xffff, v1;
	s1 =	sadd.s32 $0x80, s1  }
0x2b4: {  	v3 =	vld [tilespmem:s1+$0xFFFFFFC0];
	p1 =	slt.u32 s22, $0x7F8  }
0x2b5: {  	v4 =	vld [tilespmem:s1+$0x30]  }
0x2b6: {  	v5 =	vld [tilespmem:s1+$0x20]  }
0x2b7: {  	v6 =	vld [tilespmem:s1+$0x10]  }
0x2b8: {  	v7 =	vld [tilespmem:s1+$0x0]  }
0x2b9: {  	v8 =	vld [tilespmem:s1+$0xFFFFFFF0]  }
0x2ba: {  	v9 =	vld [tilespmem:s1+$0xFFFFFFE0]  }
0x2bb: {  	v2 =	vld [tilespmem:s1+$0xFFFFFFD0]  }
0x2bc: {  	[tilespmem:v3+s17+$0x0] =	vst.idx.add.f32.msk $0xffff, v1  }
0x2bd: {  	[tilespmem:v4+s17+$0x0] =	vst.idx.add.f32.msk $0xffff, v1  }
.Ltmp19:
0x2be: {  	[tilespmem:v5+s17+$0x0] =	vst.idx.add.f32.msk $0xffff, v1;
	(pc) =	sbr.rel @p1 .LBB2_36-.Ltmp19, $4  }
0x2bf: {  	[tilespmem:v6+s17+$0x0] =	vst.idx.add.f32.msk $0xffff, v1  }
0x2c0: {  	[tilespmem:v7+s17+$0x0] =	vst.idx.add.f32.msk $0xffff, v1  }
0x2c1: {  	[tilespmem:v8+s17+$0x0] =	vst.idx.add.f32.msk $0xffff, v1  }
0x2c2: {  	[tilespmem:v9+s17+$0x0] =	vst.idx.add.f32.msk $0xffff, v1  }
0x2c3: {  	_ =	sdelay $0x3  }
0x2c4: {  	[tilespmem:v2+s17+$0x0] =	vst.idx.add.f32.msk $0xffff, v1  }
0x2c5: {  	_ =	swait.ge [sflag:s18], $0x8000  }
0x2c6: {  	[sflag:s18] =	ssyncset.done $0x0  }
0x2c7: {  	s1 =	simm.s32 $0x8040;
	[sflag:s18] =	ssyncadd.s32 $0xFFFF8000  }
0x2c8: {  	v3 =	vld [tilespmem:s1+$0xFFFFFFC0]  }
0x2c9: {  	v4 =	vld [tilespmem:s1+$0x30]  }
0x2ca: {  	v5 =	vld [tilespmem:s1+$0x20]  }
0x2cb: {  	v6 =	vld [tilespmem:s1+$0x10]  }
0x2cc: {  	v7 =	vld [tilespmem:s1+$0x0]  }
0x2cd: {  	v8 =	vld [tilespmem:s1+$0xFFFFFFF0]  }
0x2ce: {  	v9 =	vld [tilespmem:s1+$0xFFFFFFE0]  }
0x2cf: {  	v2 =	vld [tilespmem:s1+$0xFFFFFFD0]  }
0x2d0: {  	[tilespmem:v3+s17+$0x0] =	vst.idx.add.f32.msk $0xffff, v1  }
0x2d1: {  	[tilespmem:v4+s17+$0x0] =	vst.idx.add.f32.msk $0xffff, v1  }
0x2d2: {  	[tilespmem:v5+s17+$0x0] =	vst.idx.add.f32.msk $0xffff, v1  }
0x2d3: {  	[tilespmem:v6+s17+$0x0] =	vst.idx.add.f32.msk $0xffff, v1  }
0x2d4: {  	[tilespmem:v7+s17+$0x0] =	vst.idx.add.f32.msk $0xffff, v1  }
0x2d5: {  	[tilespmem:v8+s17+$0x0] =	vst.idx.add.f32.msk $0xffff, v1  }
0x2d6: {  	s22 =	simm.s32 $0x0;
	[tilespmem:v9+s17+$0x0] =	vst.idx.add.f32.msk $0xffff, v1  }
.LBB2_38:
0x2d7: {  	s22 =	sadd.s32 $0x8, s22;
	[tilespmem:v2+s17+$0x0] =	vst.idx.add.f32.msk $0xffff, v1;
	s1 =	sadd.s32 $0x80, s1  }
0x2d8: {  	v3 =	vld [tilespmem:s1+$0xFFFFFFC0];
	p1 =	slt.u32 s22, $0x7F8  }
0x2d9: {  	v4 =	vld [tilespmem:s1+$0x30]  }
0x2da: {  	v5 =	vld [tilespmem:s1+$0x20]  }
0x2db: {  	v6 =	vld [tilespmem:s1+$0x10]  }
0x2dc: {  	v7 =	vld [tilespmem:s1+$0x0]  }
0x2dd: {  	v8 =	vld [tilespmem:s1+$0xFFFFFFF0]  }
0x2de: {  	v9 =	vld [tilespmem:s1+$0xFFFFFFE0]  }
0x2df: {  	v2 =	vld [tilespmem:s1+$0xFFFFFFD0]  }
0x2e0: {  	[tilespmem:v3+s17+$0x0] =	vst.idx.add.f32.msk $0xffff, v1  }
0x2e1: {  	[tilespmem:v4+s17+$0x0] =	vst.idx.add.f32.msk $0xffff, v1  }
.Ltmp20:
0x2e2: {  	[tilespmem:v5+s17+$0x0] =	vst.idx.add.f32.msk $0xffff, v1;
	(pc) =	sbr.rel @p1 .LBB2_38-.Ltmp20, $4  }
0x2e3: {  	[tilespmem:v6+s17+$0x0] =	vst.idx.add.f32.msk $0xffff, v1  }
0x2e4: {  	[tilespmem:v7+s17+$0x0] =	vst.idx.add.f32.msk $0xffff, v1  }
0x2e5: {  	[tilespmem:v8+s17+$0x0] =	vst.idx.add.f32.msk $0xffff, v1  }
0x2e6: {  	s23 =	simm.s32 $0x0;
	[tilespmem:v9+s17+$0x0] =	vst.idx.add.f32.msk $0xffff, v1  }
0x2e7: {  	_ =	sdelay $0x3  }
0x2e8: {  	[tilespmem:v2+s17+$0x0] =	vst.idx.add.f32.msk $0xffff, v1;
	s26 =	sand.u32 $0x7E0, s23  }
0x2e9: {  	s22 =	simm.s32 $0x0;
	v2 =	vld [tilespmem:s26+$0x10800]  }
0x2ea: {  	v3 =	vld [tilespmem:s22+$0x10010]  }
0x2eb: {  	v4 =	vld [tilespmem:s22+$0x10810]  }
0x2ec: {  	v5 =	vld [tilespmem:s22+$0x10000]  }
0x2ed: {  	v6 =	vld [tilespmem:s22+$0x11010]  }
0x2ee: {  	v7 =	vld [tilespmem:s26+$0x11000]  }
0x2ef: {  	v8 =	vld [tilespmem:s22+$0x11810]  }
0x2f0: {  	v9 =	vld [tilespmem:s26+$0x11800];
	v3 =	vadd.f32 v4, v3  }
0x2f1: {  	v2 =	vadd.f32 v2, v5;
	v4 =	vld [tilespmem:s22+$0x12010]  }
0x2f2: {  	v5 =	vld [tilespmem:s26+$0x12000];
	v3 =	vadd.f32 v6, v3  }
0x2f3: {  	v2 =	vadd.f32 v7, v2;
	v6 =	vld [tilespmem:s22+$0x12810]  }
0x2f4: {  	v7 =	vld [tilespmem:s26+$0x12800];
	v3 =	vadd.f32 v8, v3  }
0x2f5: {  	v2 =	vadd.f32 v9, v2;
	v8 =	vld [tilespmem:s22+$0x13010]  }
0x2f6: {  	v9 =	vld [tilespmem:s26+$0x13000];
	v3 =	vadd.f32 v4, v3  }
0x2f7: {  	v2 =	vadd.f32 v5, v2;
	v4 =	vld [tilespmem:s22+$0x13810]  }
0x2f8: {  	v5 =	vld [tilespmem:s26+$0x13800];
	v3 =	vadd.f32 v6, v3  }
0x2f9: {  	v2 =	vadd.f32 v7, v2;
	v6 =	vld [tilespmem:s22+$0x14010]  }
0x2fa: {  	v7 =	vld [tilespmem:s26+$0x14000];
	v3 =	vadd.f32 v8, v3  }
0x2fb: {  	v2 =	vadd.f32 v9, v2;
	v8 =	vld [tilespmem:s22+$0x14810]  }
0x2fc: {  	v9 =	vld [tilespmem:s26+$0x14800];
	v3 =	vadd.f32 v4, v3  }
0x2fd: {  	v2 =	vadd.f32 v5, v2;
	v4 =	vld [tilespmem:s22+$0x15010]  }
0x2fe: {  	v5 =	vld [tilespmem:s26+$0x15000];
	v3 =	vadd.f32 v6, v3  }
0x2ff: {  	v2 =	vadd.f32 v7, v2;
	v6 =	vld [tilespmem:s22+$0x15810]  }
0x300: {  	v7 =	vld [tilespmem:s26+$0x15800];
	v3 =	vadd.f32 v8, v3  }
0x301: {  	v2 =	vadd.f32 v9, v2;
	v8 =	vld [tilespmem:s22+$0x16010]  }
0x302: {  	v9 =	vld [tilespmem:s26+$0x16000];
	v3 =	vadd.f32 v4, v3  }
0x303: {  	v4 =	vadd.f32 v5, v2;
	v5 =	vld [tilespmem:s22+$0x16810]  }
0x304: {  	v2 =	vld [tilespmem:s26+$0x16800];
	v6 =	vadd.f32 v6, v3  }
0x305: {  	v7 =	vadd.f32 v7, v4;
	v4 =	vld [tilespmem:s22+$0x17010]  }
0x306: {  	v3 =	vld [tilespmem:s26+$0x17000];
	v8 =	vadd.f32 v8, v6  }
0x307: {  	s30 =	simm.s32 $0x0;
	s1 =	simm.s32 $0x20;
	v7 =	vadd.f32 v9, v7;
	v6 =	vld [tilespmem:s22+$0x17810]  }
.LBB2_40:
0x308: {  	v9 =	vld [tilespmem:s26+$0x17800];
	s26 =	sand.u32 $0x7E0, s1;
	v5 =	vadd.f32 v5, v8;
	s23 =	sadd.s32 $0x80, s23  }
0x309: {  	s2 =	sshra.s32 s23, $0x2;
	v8 =	vld [tilespmem:s26+$0x10800];
	v2 =	vadd.f32 v2, v7  }
0x30a: {  	s30 =	sadd.s32 $0x2, s30;
	v7 =	vld [tilespmem:s2+$0x10010];
	v4 =	vadd.f32 v4, v5  }
0x30b: {  	p1 =	slt.u32 s30, $0x7E;
	v5 =	vld [tilespmem:s2+$0x10810];
	v2 =	vadd.f32 v3, v2  }
0x30c: {  	v3 =	vld [tilespmem:s2+$0x10000];
	v4 =	vadd.f32 v6, v4  }
0x30d: {  	v6 =	vld [tilespmem:s2+$0x11010];
	v2 =	vadd.f32 v9, v2  }
0x30e: {  	v9 =	vld [tilespmem:s26+$0x11000];
	[tilespmem:s22+$0x18010] =	vst v4  }
0x30f: {  	v4 =	vld [tilespmem:s2+$0x11810];
	[tilespmem:s22+$0x18000] =	vst v2;
	s22 =	smov.u32 s2  }
0x310: {  	v2 =	vld [tilespmem:s26+$0x11800];
	v5 =	vadd.f32 v5, v7  }
0x311: {  	v3 =	vadd.f32 v8, v3;
	v7 =	vld [tilespmem:s22+$0x12010]  }
0x312: {  	v8 =	vld [tilespmem:s26+$0x12000];
	v5 =	vadd.f32 v6, v5  }
0x313: {  	v3 =	vadd.f32 v9, v3;
	v6 =	vld [tilespmem:s22+$0x12810]  }
0x314: {  	v9 =	vld [tilespmem:s26+$0x12800];
	v4 =	vadd.f32 v4, v5  }
0x315: {  	v2 =	vadd.f32 v2, v3;
	v3 =	vld [tilespmem:s22+$0x13010]  }
0x316: {  	v5 =	vld [tilespmem:s26+$0x13000];
	v4 =	vadd.f32 v7, v4  }
0x317: {  	v2 =	vadd.f32 v8, v2;
	v7 =	vld [tilespmem:s22+$0x13810]  }
0x318: {  	v8 =	vld [tilespmem:s26+$0x13800];
	v4 =	vadd.f32 v6, v4  }
0x319: {  	v2 =	vadd.f32 v9, v2;
	v6 =	vld [tilespmem:s22+$0x14010]  }
0x31a: {  	v9 =	vld [tilespmem:s26+$0x14000];
	v3 =	vadd.f32 v3, v4  }
0x31b: {  	v2 =	vadd.f32 v5, v2;
	v4 =	vld [tilespmem:s22+$0x14810]  }
0x31c: {  	v5 =	vld [tilespmem:s26+$0x14800];
	v3 =	vadd.f32 v7, v3  }
0x31d: {  	v2 =	vadd.f32 v8, v2;
	v7 =	vld [tilespmem:s22+$0x15010]  }
0x31e: {  	v8 =	vld [tilespmem:s26+$0x15000];
	v3 =	vadd.f32 v6, v3  }
0x31f: {  	v2 =	vadd.f32 v9, v2;
	v6 =	vld [tilespmem:s22+$0x15810]  }
0x320: {  	v9 =	vld [tilespmem:s26+$0x15800];
	v3 =	vadd.f32 v4, v3  }
0x321: {  	v2 =	vadd.f32 v5, v2;
	v10 =	vld [tilespmem:s22+$0x16010]  }
0x322: {  	v11 =	vld [tilespmem:s26+$0x16000];
	v3 =	vadd.f32 v7, v3  }
.Ltmp21:
0x323: {  	v4 =	vadd.f32 v8, v2;
	v5 =	vld [tilespmem:s22+$0x16810];
	(pc) =	sbr.rel @p1 .LBB2_40-.Ltmp21, $4  }
0x324: {  	v2 =	vld [tilespmem:s26+$0x16800];
	v6 =	vadd.f32 v6, v3  }
0x325: {  	v7 =	vadd.f32 v9, v4;
	v4 =	vld [tilespmem:s22+$0x17010]  }
0x326: {  	v3 =	vld [tilespmem:s26+$0x17000];
	v8 =	vadd.f32 v10, v6  }
0x327: {  	s1 =	sadd.s32 $0x20, s1;
	v7 =	vadd.f32 v11, v7;
	v6 =	vld [tilespmem:s22+$0x17810]  }
0x328: {  	v9 =	vld [tilespmem:s26+$0x17800];
	v5 =	vadd.f32 v5, v8  }
0x329: {  	v2 =	vadd.f32 v2, v7  }
0x32a: {  	v4 =	vadd.f32 v4, v5  }
0x32b: {  	v2 =	vadd.f32 v3, v2  }
0x32c: {  	v3 =	vadd.f32 v6, v4  }
0x32d: {  	v2 =	vadd.f32 v9, v2  }
0x32e: {  	[tilespmem:s22+$0x18010] =	vst v3  }
.Ltmp22:
0x32f: {  	[tilespmem:s22+$0x18000] =	vst v2;
	(pc) =	sbr.rel @p0 .LBB2_63-.Ltmp22, $4  }
0x330: {  	[hbm4b:s29+s25] =	stream.linear.scatter [tilespmem:s19], [sflag:$0x3], $0x800, $0x38;
	[tilespmem:$0x18800] =	vst v63  }
0x331: {  	_ =	swait.ge [sflag:s20], $0x800  }
0x332: {  	[sflag:s20] =	ssyncset.done $0x0  }
0x333: {  	[sflag:s20] =	ssyncadd.s32 $0xFFFFF800  }
0x334: {  	s1 =	simm.s32 $0x10040  }
0x335: {  	[tilespmem:s1+$0xFFFFFFC0] =	vst v0  }
0x336: {  	[tilespmem:s1+$0x30] =	vst v0  }
0x337: {  	[tilespmem:s1+$0x20] =	vst v0  }
0x338: {  	[tilespmem:s1+$0x10] =	vst v0  }
0x339: {  	[tilespmem:s1+$0x0] =	vst v0  }
0x33a: {  	[tilespmem:s1+$0xFFFFFFF0] =	vst v0  }
0x33b: {  	s22 =	simm.s32 $0x0;
	[tilespmem:s1+$0xFFFFFFE0] =	vst v0  }
.LBB2_43:
0x33c: {  	s22 =	sadd.s32 $0x8, s22;
	[tilespmem:s1+$0xFFFFFFD0] =	vst v0;
	s1 =	sadd.s32 $0x80, s1  }
0x33d: {  	[tilespmem:s1+$0xFFFFFFC0] =	vst v0;
	p1 =	slt.u32 s22, $0x7F8  }
0x33e: {  	[tilespmem:s1+$0x30] =	vst v0  }
.Ltmp23:
0x33f: {  	[tilespmem:s1+$0x20] =	vst v0;
	(pc) =	sbr.rel @p1 .LBB2_43-.Ltmp23, $4  }
0x340: {  	[tilespmem:s1+$0x10] =	vst v0  }
0x341: {  	[tilespmem:s1+$0x0] =	vst v0  }
0x342: {  	[tilespmem:s1+$0xFFFFFFF0] =	vst v0  }
0x343: {  	[tilespmem:s1+$0xFFFFFFE0] =	vst v0  }
0x344: {  	[tilespmem:s1+$0xFFFFFFD0] =	vst v0  }
0x345: {  	s1 =	rddreg [dreg:$0x4]  }
0x346: {  	[tilespmem:s25], [sflag:$0x1] =	stream.linear.gather [hbm4b:s1+s25], $0x8000, $0x38;
	[tilespmem:$0x18800] =	vst v63  }
0x347: {  	_ =	swait.ge [sflag:s24], $0x8000  }
0x348: {  	[sflag:s24] =	ssyncset.done $0x0  }
0x349: {  	s1 =	simm.s32 $0x40;
	s30 =	rddreg [dreg:$0x5];
	[sflag:s24] =	ssyncadd.s32 $0xFFFF8000  }
0x34a: {  	[tilespmem:s0], [sflag:$0x2] =	stream.linear.gather [hbm4b:s30+s25], $0x8000, $0x38;
	[tilespmem:$0x18800] =	vst v63  }
0x34b: {  	v3 =	vld [tilespmem:s1+$0xFFFFFFC0]  }
0x34c: {  	v4 =	vld [tilespmem:s1+$0x30]  }
0x34d: {  	v5 =	vld [tilespmem:s1+$0x20]  }
0x34e: {  	v6 =	vld [tilespmem:s1+$0x10]  }
0x34f: {  	v7 =	vld [tilespmem:s1+$0x0]  }
0x350: {  	v8 =	vld [tilespmem:s1+$0xFFFFFFF0]  }
0x351: {  	v9 =	vld [tilespmem:s1+$0xFFFFFFE0]  }
0x352: {  	v2 =	vld [tilespmem:s1+$0xFFFFFFD0]  }
0x353: {  	[tilespmem:v3+s17+$0x0] =	vst.idx.add.f32.msk $0xffff, v1  }
0x354: {  	[tilespmem:v4+s17+$0x0] =	vst.idx.add.f32.msk $0xffff, v1  }
0x355: {  	[tilespmem:v5+s17+$0x0] =	vst.idx.add.f32.msk $0xffff, v1  }
0x356: {  	[tilespmem:v6+s17+$0x0] =	vst.idx.add.f32.msk $0xffff, v1  }
0x357: {  	[tilespmem:v7+s17+$0x0] =	vst.idx.add.f32.msk $0xffff, v1  }
0x358: {  	[tilespmem:v8+s17+$0x0] =	vst.idx.add.f32.msk $0xffff, v1  }
0x359: {  	s22 =	simm.s32 $0x0;
	[tilespmem:v9+s17+$0x0] =	vst.idx.add.f32.msk $0xffff, v1  }
.LBB2_45:
0x35a: {  	s22 =	sadd.s32 $0x8, s22;
	[tilespmem:v2+s17+$0x0] =	vst.idx.add.f32.msk $0xffff, v1;
	s1 =	sadd.s32 $0x80, s1  }
0x35b: {  	v3 =	vld [tilespmem:s1+$0xFFFFFFC0];
	p1 =	slt.u32 s22, $0x7F8  }
0x35c: {  	v4 =	vld [tilespmem:s1+$0x30]  }
0x35d: {  	v5 =	vld [tilespmem:s1+$0x20]  }
0x35e: {  	v6 =	vld [tilespmem:s1+$0x10]  }
0x35f: {  	v7 =	vld [tilespmem:s1+$0x0]  }
0x360: {  	v8 =	vld [tilespmem:s1+$0xFFFFFFF0]  }
0x361: {  	v9 =	vld [tilespmem:s1+$0xFFFFFFE0]  }
0x362: {  	v2 =	vld [tilespmem:s1+$0xFFFFFFD0]  }
0x363: {  	[tilespmem:v3+s17+$0x0] =	vst.idx.add.f32.msk $0xffff, v1  }
0x364: {  	[tilespmem:v4+s17+$0x0] =	vst.idx.add.f32.msk $0xffff, v1  }
.Ltmp24:
0x365: {  	[tilespmem:v5+s17+$0x0] =	vst.idx.add.f32.msk $0xffff, v1;
	(pc) =	sbr.rel @p1 .LBB2_45-.Ltmp24, $4  }
0x366: {  	[tilespmem:v6+s17+$0x0] =	vst.idx.add.f32.msk $0xffff, v1  }
0x367: {  	[tilespmem:v7+s17+$0x0] =	vst.idx.add.f32.msk $0xffff, v1  }
0x368: {  	[tilespmem:v8+s17+$0x0] =	vst.idx.add.f32.msk $0xffff, v1  }
0x369: {  	[tilespmem:v9+s17+$0x0] =	vst.idx.add.f32.msk $0xffff, v1  }
0x36a: {  	_ =	sdelay $0x3  }
0x36b: {  	[tilespmem:v2+s17+$0x0] =	vst.idx.add.f32.msk $0xffff, v1  }
0x36c: {  	_ =	swait.ge [sflag:s18], $0x8000  }
0x36d: {  	[sflag:s18] =	ssyncset.done $0x0  }
0x36e: {  	s1 =	rddreg [dreg:$0x6];
	[sflag:s18] =	ssyncadd.s32 $0xFFFF8000  }
0x36f: {  	[tilespmem:s25], [sflag:$0x1] =	stream.linear.gather [hbm4b:s1+s25], $0x8000, $0x38;
	[tilespmem:$0x18800] =	vst v63  }
0x370: {  	s1 =	simm.s32 $0x8040  }
0x371: {  	v3 =	vld [tilespmem:s1+$0xFFFFFFC0]  }
0x372: {  	v4 =	vld [tilespmem:s1+$0x30]  }
0x373: {  	v5 =	vld [tilespmem:s1+$0x20]  }
0x374: {  	v6 =	vld [tilespmem:s1+$0x10]  }
0x375: {  	v7 =	vld [tilespmem:s1+$0x0]  }
0x376: {  	v8 =	vld [tilespmem:s1+$0xFFFFFFF0]  }
0x377: {  	v9 =	vld [tilespmem:s1+$0xFFFFFFE0]  }
0x378: {  	v2 =	vld [tilespmem:s1+$0xFFFFFFD0]  }
0x379: {  	[tilespmem:v3+s17+$0x0] =	vst.idx.add.f32.msk $0xffff, v1  }
0x37a: {  	[tilespmem:v4+s17+$0x0] =	vst.idx.add.f32.msk $0xffff, v1  }
0x37b: {  	[tilespmem:v5+s17+$0x0] =	vst.idx.add.f32.msk $0xffff, v1  }
0x37c: {  	[tilespmem:v6+s17+$0x0] =	vst.idx.add.f32.msk $0xffff, v1  }
0x37d: {  	[tilespmem:v7+s17+$0x0] =	vst.idx.add.f32.msk $0xffff, v1  }
0x37e: {  	[tilespmem:v8+s17+$0x0] =	vst.idx.add.f32.msk $0xffff, v1  }
0x37f: {  	s22 =	simm.s32 $0x0;
	[tilespmem:v9+s17+$0x0] =	vst.idx.add.f32.msk $0xffff, v1  }
.LBB2_47:
0x380: {  	s22 =	sadd.s32 $0x8, s22;
	[tilespmem:v2+s17+$0x0] =	vst.idx.add.f32.msk $0xffff, v1;
	s1 =	sadd.s32 $0x80, s1  }
0x381: {  	v3 =	vld [tilespmem:s1+$0xFFFFFFC0];
	p1 =	slt.u32 s22, $0x7F8  }
0x382: {  	v4 =	vld [tilespmem:s1+$0x30]  }
0x383: {  	v5 =	vld [tilespmem:s1+$0x20]  }
0x384: {  	v6 =	vld [tilespmem:s1+$0x10]  }
0x385: {  	v7 =	vld [tilespmem:s1+$0x0]  }
0x386: {  	v8 =	vld [tilespmem:s1+$0xFFFFFFF0]  }
0x387: {  	v9 =	vld [tilespmem:s1+$0xFFFFFFE0]  }
0x388: {  	v2 =	vld [tilespmem:s1+$0xFFFFFFD0]  }
0x389: {  	[tilespmem:v3+s17+$0x0] =	vst.idx.add.f32.msk $0xffff, v1  }
0x38a: {  	[tilespmem:v4+s17+$0x0] =	vst.idx.add.f32.msk $0xffff, v1  }
.Ltmp25:
0x38b: {  	[tilespmem:v5+s17+$0x0] =	vst.idx.add.f32.msk $0xffff, v1;
	(pc) =	sbr.rel @p1 .LBB2_47-.Ltmp25, $4  }
0x38c: {  	[tilespmem:v6+s17+$0x0] =	vst.idx.add.f32.msk $0xffff, v1  }
0x38d: {  	[tilespmem:v7+s17+$0x0] =	vst.idx.add.f32.msk $0xffff, v1  }
0x38e: {  	[tilespmem:v8+s17+$0x0] =	vst.idx.add.f32.msk $0xffff, v1  }
0x38f: {  	[tilespmem:v9+s17+$0x0] =	vst.idx.add.f32.msk $0xffff, v1  }
0x390: {  	_ =	sdelay $0x3  }
0x391: {  	[tilespmem:v2+s17+$0x0] =	vst.idx.add.f32.msk $0xffff, v1  }
0x392: {  	_ =	swait.ge [sflag:s24], $0x8000  }
0x393: {  	[sflag:s24] =	ssyncset.done $0x0  }
0x394: {  	s1 =	rddreg [dreg:$0x7];
	[sflag:s24] =	ssyncadd.s32 $0xFFFF8000  }
0x395: {  	[tilespmem:s0], [sflag:$0x2] =	stream.linear.gather [hbm4b:s1+s25], $0x8000, $0x38;
	[tilespmem:$0x18800] =	vst v63  }
0x396: {  	s1 =	simm.s32 $0x40  }
0x397: {  	v3 =	vld [tilespmem:s1+$0xFFFFFFC0]  }
0x398: {  	v4 =	vld [tilespmem:s1+$0x30]  }
0x399: {  	v5 =	vld [tilespmem:s1+$0x20]  }
0x39a: {  	v6 =	vld [tilespmem:s1+$0x10]  }
0x39b: {  	v7 =	vld [tilespmem:s1+$0x0]  }
0x39c: {  	v8 =	vld [tilespmem:s1+$0xFFFFFFF0]  }
0x39d: {  	v9 =	vld [tilespmem:s1+$0xFFFFFFE0]  }
0x39e: {  	v2 =	vld [tilespmem:s1+$0xFFFFFFD0]  }
0x39f: {  	[tilespmem:v3+s17+$0x0] =	vst.idx.add.f32.msk $0xffff, v1  }
0x3a0: {  	[tilespmem:v4+s17+$0x0] =	vst.idx.add.f32.msk $0xffff, v1  }
0x3a1: {  	[tilespmem:v5+s17+$0x0] =	vst.idx.add.f32.msk $0xffff, v1  }
0x3a2: {  	[tilespmem:v6+s17+$0x0] =	vst.idx.add.f32.msk $0xffff, v1  }
0x3a3: {  	[tilespmem:v7+s17+$0x0] =	vst.idx.add.f32.msk $0xffff, v1  }
0x3a4: {  	[tilespmem:v8+s17+$0x0] =	vst.idx.add.f32.msk $0xffff, v1  }
0x3a5: {  	s22 =	simm.s32 $0x0;
	[tilespmem:v9+s17+$0x0] =	vst.idx.add.f32.msk $0xffff, v1  }
.LBB2_49:
0x3a6: {  	s22 =	sadd.s32 $0x8, s22;
	[tilespmem:v2+s17+$0x0] =	vst.idx.add.f32.msk $0xffff, v1;
	s1 =	sadd.s32 $0x80, s1  }
0x3a7: {  	v3 =	vld [tilespmem:s1+$0xFFFFFFC0];
	p1 =	slt.u32 s22, $0x7F8  }
0x3a8: {  	v4 =	vld [tilespmem:s1+$0x30]  }
0x3a9: {  	v5 =	vld [tilespmem:s1+$0x20]  }
0x3aa: {  	v6 =	vld [tilespmem:s1+$0x10]  }
0x3ab: {  	v7 =	vld [tilespmem:s1+$0x0]  }
0x3ac: {  	v8 =	vld [tilespmem:s1+$0xFFFFFFF0]  }
0x3ad: {  	v9 =	vld [tilespmem:s1+$0xFFFFFFE0]  }
0x3ae: {  	v2 =	vld [tilespmem:s1+$0xFFFFFFD0]  }
0x3af: {  	[tilespmem:v3+s17+$0x0] =	vst.idx.add.f32.msk $0xffff, v1  }
0x3b0: {  	[tilespmem:v4+s17+$0x0] =	vst.idx.add.f32.msk $0xffff, v1  }
.Ltmp26:
0x3b1: {  	[tilespmem:v5+s17+$0x0] =	vst.idx.add.f32.msk $0xffff, v1;
	(pc) =	sbr.rel @p1 .LBB2_49-.Ltmp26, $4  }
0x3b2: {  	[tilespmem:v6+s17+$0x0] =	vst.idx.add.f32.msk $0xffff, v1  }
0x3b3: {  	[tilespmem:v7+s17+$0x0] =	vst.idx.add.f32.msk $0xffff, v1  }
0x3b4: {  	[tilespmem:v8+s17+$0x0] =	vst.idx.add.f32.msk $0xffff, v1  }
0x3b5: {  	[tilespmem:v9+s17+$0x0] =	vst.idx.add.f32.msk $0xffff, v1  }
0x3b6: {  	_ =	sdelay $0x3  }
0x3b7: {  	[tilespmem:v2+s17+$0x0] =	vst.idx.add.f32.msk $0xffff, v1  }
0x3b8: {  	_ =	swait.ge [sflag:s18], $0x8000  }
0x3b9: {  	[sflag:s18] =	ssyncset.done $0x0  }
0x3ba: {  	s1 =	rddreg [dreg:$0x8];
	[sflag:s18] =	ssyncadd.s32 $0xFFFF8000  }
0x3bb: {  	[tilespmem:s25], [sflag:$0x1] =	stream.linear.gather [hbm4b:s1+s25], $0x8000, $0x38;
	[tilespmem:$0x18800] =	vst v63  }
0x3bc: {  	s1 =	simm.s32 $0x8040  }
0x3bd: {  	v3 =	vld [tilespmem:s1+$0xFFFFFFC0]  }
0x3be: {  	v4 =	vld [tilespmem:s1+$0x30]  }
0x3bf: {  	v5 =	vld [tilespmem:s1+$0x20]  }
0x3c0: {  	v6 =	vld [tilespmem:s1+$0x10]  }
0x3c1: {  	v7 =	vld [tilespmem:s1+$0x0]  }
0x3c2: {  	v8 =	vld [tilespmem:s1+$0xFFFFFFF0]  }
0x3c3: {  	v9 =	vld [tilespmem:s1+$0xFFFFFFE0]  }
0x3c4: {  	v2 =	vld [tilespmem:s1+$0xFFFFFFD0]  }
0x3c5: {  	[tilespmem:v3+s17+$0x0] =	vst.idx.add.f32.msk $0xffff, v1  }
0x3c6: {  	[tilespmem:v4+s17+$0x0] =	vst.idx.add.f32.msk $0xffff, v1  }
0x3c7: {  	[tilespmem:v5+s17+$0x0] =	vst.idx.add.f32.msk $0xffff, v1  }
0x3c8: {  	[tilespmem:v6+s17+$0x0] =	vst.idx.add.f32.msk $0xffff, v1  }
0x3c9: {  	[tilespmem:v7+s17+$0x0] =	vst.idx.add.f32.msk $0xffff, v1  }
0x3ca: {  	[tilespmem:v8+s17+$0x0] =	vst.idx.add.f32.msk $0xffff, v1  }
0x3cb: {  	s22 =	simm.s32 $0x0;
	[tilespmem:v9+s17+$0x0] =	vst.idx.add.f32.msk $0xffff, v1  }
.LBB2_51:
0x3cc: {  	s22 =	sadd.s32 $0x8, s22;
	[tilespmem:v2+s17+$0x0] =	vst.idx.add.f32.msk $0xffff, v1;
	s1 =	sadd.s32 $0x80, s1  }
0x3cd: {  	v3 =	vld [tilespmem:s1+$0xFFFFFFC0];
	p1 =	slt.u32 s22, $0x7F8  }
0x3ce: {  	v4 =	vld [tilespmem:s1+$0x30]  }
0x3cf: {  	v5 =	vld [tilespmem:s1+$0x20]  }
0x3d0: {  	v6 =	vld [tilespmem:s1+$0x10]  }
0x3d1: {  	v7 =	vld [tilespmem:s1+$0x0]  }
0x3d2: {  	v8 =	vld [tilespmem:s1+$0xFFFFFFF0]  }
0x3d3: {  	v9 =	vld [tilespmem:s1+$0xFFFFFFE0]  }
0x3d4: {  	v2 =	vld [tilespmem:s1+$0xFFFFFFD0]  }
0x3d5: {  	[tilespmem:v3+s17+$0x0] =	vst.idx.add.f32.msk $0xffff, v1  }
0x3d6: {  	[tilespmem:v4+s17+$0x0] =	vst.idx.add.f32.msk $0xffff, v1  }
.Ltmp27:
0x3d7: {  	[tilespmem:v5+s17+$0x0] =	vst.idx.add.f32.msk $0xffff, v1;
	(pc) =	sbr.rel @p1 .LBB2_51-.Ltmp27, $4  }
0x3d8: {  	[tilespmem:v6+s17+$0x0] =	vst.idx.add.f32.msk $0xffff, v1  }
0x3d9: {  	[tilespmem:v7+s17+$0x0] =	vst.idx.add.f32.msk $0xffff, v1  }
0x3da: {  	[tilespmem:v8+s17+$0x0] =	vst.idx.add.f32.msk $0xffff, v1  }
0x3db: {  	[tilespmem:v9+s17+$0x0] =	vst.idx.add.f32.msk $0xffff, v1  }
0x3dc: {  	_ =	sdelay $0x3  }
0x3dd: {  	[tilespmem:v2+s17+$0x0] =	vst.idx.add.f32.msk $0xffff, v1  }
0x3de: {  	_ =	swait.ge [sflag:s24], $0x8000  }
0x3df: {  	[sflag:s24] =	ssyncset.done $0x0  }
0x3e0: {  	s1 =	rddreg [dreg:$0x9];
	[sflag:s24] =	ssyncadd.s32 $0xFFFF8000  }
0x3e1: {  	[tilespmem:s0], [sflag:$0x2] =	stream.linear.gather [hbm4b:s1+s25], $0x8000, $0x38;
	[tilespmem:$0x18800] =	vst v63  }
0x3e2: {  	s1 =	simm.s32 $0x40  }
0x3e3: {  	v3 =	vld [tilespmem:s1+$0xFFFFFFC0]  }
0x3e4: {  	v4 =	vld [tilespmem:s1+$0x30]  }
0x3e5: {  	v5 =	vld [tilespmem:s1+$0x20]  }
0x3e6: {  	v6 =	vld [tilespmem:s1+$0x10]  }
0x3e7: {  	v7 =	vld [tilespmem:s1+$0x0]  }
0x3e8: {  	v8 =	vld [tilespmem:s1+$0xFFFFFFF0]  }
0x3e9: {  	v9 =	vld [tilespmem:s1+$0xFFFFFFE0]  }
0x3ea: {  	v2 =	vld [tilespmem:s1+$0xFFFFFFD0]  }
0x3eb: {  	[tilespmem:v3+s17+$0x0] =	vst.idx.add.f32.msk $0xffff, v1  }
0x3ec: {  	[tilespmem:v4+s17+$0x0] =	vst.idx.add.f32.msk $0xffff, v1  }
0x3ed: {  	[tilespmem:v5+s17+$0x0] =	vst.idx.add.f32.msk $0xffff, v1  }
0x3ee: {  	[tilespmem:v6+s17+$0x0] =	vst.idx.add.f32.msk $0xffff, v1  }
0x3ef: {  	[tilespmem:v7+s17+$0x0] =	vst.idx.add.f32.msk $0xffff, v1  }
0x3f0: {  	[tilespmem:v8+s17+$0x0] =	vst.idx.add.f32.msk $0xffff, v1  }
0x3f1: {  	s22 =	simm.s32 $0x0;
	[tilespmem:v9+s17+$0x0] =	vst.idx.add.f32.msk $0xffff, v1  }
.LBB2_53:
0x3f2: {  	s22 =	sadd.s32 $0x8, s22;
	[tilespmem:v2+s17+$0x0] =	vst.idx.add.f32.msk $0xffff, v1;
	s1 =	sadd.s32 $0x80, s1  }
0x3f3: {  	v3 =	vld [tilespmem:s1+$0xFFFFFFC0];
	p1 =	slt.u32 s22, $0x7F8  }
0x3f4: {  	v4 =	vld [tilespmem:s1+$0x30]  }
0x3f5: {  	v5 =	vld [tilespmem:s1+$0x20]  }
0x3f6: {  	v6 =	vld [tilespmem:s1+$0x10]  }
0x3f7: {  	v7 =	vld [tilespmem:s1+$0x0]  }
0x3f8: {  	v8 =	vld [tilespmem:s1+$0xFFFFFFF0]  }
0x3f9: {  	v9 =	vld [tilespmem:s1+$0xFFFFFFE0]  }
0x3fa: {  	v2 =	vld [tilespmem:s1+$0xFFFFFFD0]  }
0x3fb: {  	[tilespmem:v3+s17+$0x0] =	vst.idx.add.f32.msk $0xffff, v1  }
0x3fc: {  	[tilespmem:v4+s17+$0x0] =	vst.idx.add.f32.msk $0xffff, v1  }
.Ltmp28:
0x3fd: {  	[tilespmem:v5+s17+$0x0] =	vst.idx.add.f32.msk $0xffff, v1;
	(pc) =	sbr.rel @p1 .LBB2_53-.Ltmp28, $4  }
0x3fe: {  	[tilespmem:v6+s17+$0x0] =	vst.idx.add.f32.msk $0xffff, v1  }
0x3ff: {  	[tilespmem:v7+s17+$0x0] =	vst.idx.add.f32.msk $0xffff, v1  }
0x400: {  	[tilespmem:v8+s17+$0x0] =	vst.idx.add.f32.msk $0xffff, v1  }
0x401: {  	[tilespmem:v9+s17+$0x0] =	vst.idx.add.f32.msk $0xffff, v1  }
0x402: {  	_ =	sdelay $0x3  }
0x403: {  	[tilespmem:v2+s17+$0x0] =	vst.idx.add.f32.msk $0xffff, v1  }
0x404: {  	_ =	swait.ge [sflag:s18], $0x8000  }
0x405: {  	[sflag:s18] =	ssyncset.done $0x0  }
0x406: {  	s1 =	rddreg [dreg:$0xa];
	[sflag:s18] =	ssyncadd.s32 $0xFFFF8000  }
0x407: {  	[tilespmem:s25], [sflag:$0x1] =	stream.linear.gather [hbm4b:s1+s25], $0x8000, $0x38;
	[tilespmem:$0x18800] =	vst v63  }
0x408: {  	s1 =	simm.s32 $0x8040  }
0x409: {  	v3 =	vld [tilespmem:s1+$0xFFFFFFC0]  }
0x40a: {  	v4 =	vld [tilespmem:s1+$0x30]  }
0x40b: {  	v5 =	vld [tilespmem:s1+$0x20]  }
0x40c: {  	v6 =	vld [tilespmem:s1+$0x10]  }
0x40d: {  	v7 =	vld [tilespmem:s1+$0x0]  }
0x40e: {  	v8 =	vld [tilespmem:s1+$0xFFFFFFF0]  }
0x40f: {  	v9 =	vld [tilespmem:s1+$0xFFFFFFE0]  }
0x410: {  	v2 =	vld [tilespmem:s1+$0xFFFFFFD0]  }
0x411: {  	[tilespmem:v3+s17+$0x0] =	vst.idx.add.f32.msk $0xffff, v1  }
0x412: {  	[tilespmem:v4+s17+$0x0] =	vst.idx.add.f32.msk $0xffff, v1  }
0x413: {  	[tilespmem:v5+s17+$0x0] =	vst.idx.add.f32.msk $0xffff, v1  }
0x414: {  	[tilespmem:v6+s17+$0x0] =	vst.idx.add.f32.msk $0xffff, v1  }
0x415: {  	[tilespmem:v7+s17+$0x0] =	vst.idx.add.f32.msk $0xffff, v1  }
0x416: {  	[tilespmem:v8+s17+$0x0] =	vst.idx.add.f32.msk $0xffff, v1  }
0x417: {  	s22 =	simm.s32 $0x0;
	[tilespmem:v9+s17+$0x0] =	vst.idx.add.f32.msk $0xffff, v1  }
.LBB2_55:
0x418: {  	s22 =	sadd.s32 $0x8, s22;
	[tilespmem:v2+s17+$0x0] =	vst.idx.add.f32.msk $0xffff, v1;
	s1 =	sadd.s32 $0x80, s1  }
0x419: {  	v3 =	vld [tilespmem:s1+$0xFFFFFFC0];
	p1 =	slt.u32 s22, $0x7F8  }
0x41a: {  	v4 =	vld [tilespmem:s1+$0x30]  }
0x41b: {  	v5 =	vld [tilespmem:s1+$0x20]  }
0x41c: {  	v6 =	vld [tilespmem:s1+$0x10]  }
0x41d: {  	v7 =	vld [tilespmem:s1+$0x0]  }
0x41e: {  	v8 =	vld [tilespmem:s1+$0xFFFFFFF0]  }
0x41f: {  	v9 =	vld [tilespmem:s1+$0xFFFFFFE0]  }
0x420: {  	v2 =	vld [tilespmem:s1+$0xFFFFFFD0]  }
0x421: {  	[tilespmem:v3+s17+$0x0] =	vst.idx.add.f32.msk $0xffff, v1  }
0x422: {  	[tilespmem:v4+s17+$0x0] =	vst.idx.add.f32.msk $0xffff, v1  }
.Ltmp29:
0x423: {  	[tilespmem:v5+s17+$0x0] =	vst.idx.add.f32.msk $0xffff, v1;
	(pc) =	sbr.rel @p1 .LBB2_55-.Ltmp29, $4  }
0x424: {  	[tilespmem:v6+s17+$0x0] =	vst.idx.add.f32.msk $0xffff, v1  }
0x425: {  	[tilespmem:v7+s17+$0x0] =	vst.idx.add.f32.msk $0xffff, v1  }
0x426: {  	[tilespmem:v8+s17+$0x0] =	vst.idx.add.f32.msk $0xffff, v1  }
0x427: {  	[tilespmem:v9+s17+$0x0] =	vst.idx.add.f32.msk $0xffff, v1  }
0x428: {  	_ =	sdelay $0x3  }
0x429: {  	[tilespmem:v2+s17+$0x0] =	vst.idx.add.f32.msk $0xffff, v1  }
0x42a: {  	_ =	swait.ge [sflag:s24], $0x8000  }
0x42b: {  	[sflag:s24] =	ssyncset.done $0x0  }
0x42c: {  	s1 =	rddreg [dreg:$0xb];
	[sflag:s24] =	ssyncadd.s32 $0xFFFF8000  }
0x42d: {  	[tilespmem:s0], [sflag:$0x2] =	stream.linear.gather [hbm4b:s1+s25], $0x8000, $0x38;
	[tilespmem:$0x18800] =	vst v63  }
0x42e: {  	s1 =	simm.s32 $0x40  }
0x42f: {  	v3 =	vld [tilespmem:s1+$0xFFFFFFC0]  }
0x430: {  	v4 =	vld [tilespmem:s1+$0x30]  }
0x431: {  	v5 =	vld [tilespmem:s1+$0x20]  }
0x432: {  	v6 =	vld [tilespmem:s1+$0x10]  }
0x433: {  	v7 =	vld [tilespmem:s1+$0x0]  }
0x434: {  	v8 =	vld [tilespmem:s1+$0xFFFFFFF0]  }
0x435: {  	v9 =	vld [tilespmem:s1+$0xFFFFFFE0]  }
0x436: {  	v2 =	vld [tilespmem:s1+$0xFFFFFFD0]  }
0x437: {  	[tilespmem:v3+s17+$0x0] =	vst.idx.add.f32.msk $0xffff, v1  }
0x438: {  	[tilespmem:v4+s17+$0x0] =	vst.idx.add.f32.msk $0xffff, v1  }
0x439: {  	[tilespmem:v5+s17+$0x0] =	vst.idx.add.f32.msk $0xffff, v1  }
0x43a: {  	[tilespmem:v6+s17+$0x0] =	vst.idx.add.f32.msk $0xffff, v1  }
0x43b: {  	[tilespmem:v7+s17+$0x0] =	vst.idx.add.f32.msk $0xffff, v1  }
0x43c: {  	[tilespmem:v8+s17+$0x0] =	vst.idx.add.f32.msk $0xffff, v1  }
0x43d: {  	s22 =	simm.s32 $0x0;
	[tilespmem:v9+s17+$0x0] =	vst.idx.add.f32.msk $0xffff, v1  }
.LBB2_57:
0x43e: {  	s22 =	sadd.s32 $0x8, s22;
	[tilespmem:v2+s17+$0x0] =	vst.idx.add.f32.msk $0xffff, v1;
	s1 =	sadd.s32 $0x80, s1  }
0x43f: {  	v3 =	vld [tilespmem:s1+$0xFFFFFFC0];
	p1 =	slt.u32 s22, $0x7F8  }
0x440: {  	v4 =	vld [tilespmem:s1+$0x30]  }
0x441: {  	v5 =	vld [tilespmem:s1+$0x20]  }
0x442: {  	v6 =	vld [tilespmem:s1+$0x10]  }
0x443: {  	v7 =	vld [tilespmem:s1+$0x0]  }
0x444: {  	v8 =	vld [tilespmem:s1+$0xFFFFFFF0]  }
0x445: {  	v9 =	vld [tilespmem:s1+$0xFFFFFFE0]  }
0x446: {  	v2 =	vld [tilespmem:s1+$0xFFFFFFD0]  }
0x447: {  	[tilespmem:v3+s17+$0x0] =	vst.idx.add.f32.msk $0xffff, v1  }
0x448: {  	[tilespmem:v4+s17+$0x0] =	vst.idx.add.f32.msk $0xffff, v1  }
.Ltmp30:
0x449: {  	[tilespmem:v5+s17+$0x0] =	vst.idx.add.f32.msk $0xffff, v1;
	(pc) =	sbr.rel @p1 .LBB2_57-.Ltmp30, $4  }
0x44a: {  	[tilespmem:v6+s17+$0x0] =	vst.idx.add.f32.msk $0xffff, v1  }
0x44b: {  	[tilespmem:v7+s17+$0x0] =	vst.idx.add.f32.msk $0xffff, v1  }
0x44c: {  	[tilespmem:v8+s17+$0x0] =	vst.idx.add.f32.msk $0xffff, v1  }
0x44d: {  	[tilespmem:v9+s17+$0x0] =	vst.idx.add.f32.msk $0xffff, v1  }
0x44e: {  	_ =	sdelay $0x3  }
0x44f: {  	[tilespmem:v2+s17+$0x0] =	vst.idx.add.f32.msk $0xffff, v1  }
0x450: {  	_ =	swait.ge [sflag:s18], $0x8000  }
0x451: {  	[sflag:s18] =	ssyncset.done $0x0  }
0x452: {  	s1 =	simm.s32 $0x8040;
	[sflag:s18] =	ssyncadd.s32 $0xFFFF8000  }
0x453: {  	v3 =	vld [tilespmem:s1+$0xFFFFFFC0]  }
0x454: {  	v4 =	vld [tilespmem:s1+$0x30]  }
0x455: {  	v5 =	vld [tilespmem:s1+$0x20]  }
0x456: {  	v6 =	vld [tilespmem:s1+$0x10]  }
0x457: {  	v7 =	vld [tilespmem:s1+$0x0]  }
0x458: {  	v8 =	vld [tilespmem:s1+$0xFFFFFFF0]  }
0x459: {  	v9 =	vld [tilespmem:s1+$0xFFFFFFE0]  }
0x45a: {  	v2 =	vld [tilespmem:s1+$0xFFFFFFD0]  }
0x45b: {  	[tilespmem:v3+s17+$0x0] =	vst.idx.add.f32.msk $0xffff, v1  }
0x45c: {  	[tilespmem:v4+s17+$0x0] =	vst.idx.add.f32.msk $0xffff, v1  }
0x45d: {  	[tilespmem:v5+s17+$0x0] =	vst.idx.add.f32.msk $0xffff, v1  }
0x45e: {  	[tilespmem:v6+s17+$0x0] =	vst.idx.add.f32.msk $0xffff, v1  }
0x45f: {  	[tilespmem:v7+s17+$0x0] =	vst.idx.add.f32.msk $0xffff, v1  }
0x460: {  	[tilespmem:v8+s17+$0x0] =	vst.idx.add.f32.msk $0xffff, v1  }
0x461: {  	s22 =	simm.s32 $0x0;
	[tilespmem:v9+s17+$0x0] =	vst.idx.add.f32.msk $0xffff, v1  }
.LBB2_59:
0x462: {  	s22 =	sadd.s32 $0x8, s22;
	[tilespmem:v2+s17+$0x0] =	vst.idx.add.f32.msk $0xffff, v1;
	s1 =	sadd.s32 $0x80, s1  }
0x463: {  	v3 =	vld [tilespmem:s1+$0xFFFFFFC0];
	p1 =	slt.u32 s22, $0x7F8  }
0x464: {  	v4 =	vld [tilespmem:s1+$0x30]  }
0x465: {  	v5 =	vld [tilespmem:s1+$0x20]  }
0x466: {  	v6 =	vld [tilespmem:s1+$0x10]  }
0x467: {  	v7 =	vld [tilespmem:s1+$0x0]  }
0x468: {  	v8 =	vld [tilespmem:s1+$0xFFFFFFF0]  }
0x469: {  	v9 =	vld [tilespmem:s1+$0xFFFFFFE0]  }
0x46a: {  	v2 =	vld [tilespmem:s1+$0xFFFFFFD0]  }
0x46b: {  	[tilespmem:v3+s17+$0x0] =	vst.idx.add.f32.msk $0xffff, v1  }
0x46c: {  	[tilespmem:v4+s17+$0x0] =	vst.idx.add.f32.msk $0xffff, v1  }
.Ltmp31:
0x46d: {  	[tilespmem:v5+s17+$0x0] =	vst.idx.add.f32.msk $0xffff, v1;
	(pc) =	sbr.rel @p1 .LBB2_59-.Ltmp31, $4  }
0x46e: {  	[tilespmem:v6+s17+$0x0] =	vst.idx.add.f32.msk $0xffff, v1  }
0x46f: {  	[tilespmem:v7+s17+$0x0] =	vst.idx.add.f32.msk $0xffff, v1  }
0x470: {  	[tilespmem:v8+s17+$0x0] =	vst.idx.add.f32.msk $0xffff, v1  }
0x471: {  	s23 =	simm.s32 $0x0;
	[tilespmem:v9+s17+$0x0] =	vst.idx.add.f32.msk $0xffff, v1  }
0x472: {  	_ =	sdelay $0x3  }
0x473: {  	[tilespmem:v2+s17+$0x0] =	vst.idx.add.f32.msk $0xffff, v1;
	s26 =	sand.u32 $0x7E0, s23  }
0x474: {  	s22 =	simm.s32 $0x0;
	v2 =	vld [tilespmem:s26+$0x10800]  }
0x475: {  	v3 =	vld [tilespmem:s22+$0x10010]  }
0x476: {  	v4 =	vld [tilespmem:s22+$0x10810]  }
0x477: {  	v5 =	vld [tilespmem:s22+$0x10000]  }
0x478: {  	v6 =	vld [tilespmem:s22+$0x11010]  }
0x479: {  	v7 =	vld [tilespmem:s26+$0x11000]  }
0x47a: {  	v8 =	vld [tilespmem:s22+$0x11810]  }
0x47b: {  	v9 =	vld [tilespmem:s26+$0x11800];
	v3 =	vadd.f32 v4, v3  }
0x47c: {  	v2 =	vadd.f32 v2, v5;
	v4 =	vld [tilespmem:s22+$0x12010]  }
0x47d: {  	v5 =	vld [tilespmem:s26+$0x12000];
	v3 =	vadd.f32 v6, v3  }
0x47e: {  	v2 =	vadd.f32 v7, v2;
	v6 =	vld [tilespmem:s22+$0x12810]  }
0x47f: {  	v7 =	vld [tilespmem:s26+$0x12800];
	v3 =	vadd.f32 v8, v3  }
0x480: {  	v2 =	vadd.f32 v9, v2;
	v8 =	vld [tilespmem:s22+$0x13010]  }
0x481: {  	v9 =	vld [tilespmem:s26+$0x13000];
	v3 =	vadd.f32 v4, v3  }
0x482: {  	v2 =	vadd.f32 v5, v2;
	v4 =	vld [tilespmem:s22+$0x13810]  }
0x483: {  	v5 =	vld [tilespmem:s26+$0x13800];
	v3 =	vadd.f32 v6, v3  }
0x484: {  	v2 =	vadd.f32 v7, v2;
	v6 =	vld [tilespmem:s22+$0x14010]  }
0x485: {  	v7 =	vld [tilespmem:s26+$0x14000];
	v3 =	vadd.f32 v8, v3  }
0x486: {  	v2 =	vadd.f32 v9, v2;
	v8 =	vld [tilespmem:s22+$0x14810]  }
0x487: {  	v9 =	vld [tilespmem:s26+$0x14800];
	v3 =	vadd.f32 v4, v3  }
0x488: {  	v2 =	vadd.f32 v5, v2;
	v4 =	vld [tilespmem:s22+$0x15010]  }
0x489: {  	v5 =	vld [tilespmem:s26+$0x15000];
	v3 =	vadd.f32 v6, v3  }
0x48a: {  	v2 =	vadd.f32 v7, v2;
	v6 =	vld [tilespmem:s22+$0x15810]  }
0x48b: {  	v7 =	vld [tilespmem:s26+$0x15800];
	v3 =	vadd.f32 v8, v3  }
0x48c: {  	v2 =	vadd.f32 v9, v2;
	v8 =	vld [tilespmem:s22+$0x16010]  }
0x48d: {  	v9 =	vld [tilespmem:s26+$0x16000];
	v3 =	vadd.f32 v4, v3  }
0x48e: {  	v4 =	vadd.f32 v5, v2;
	v5 =	vld [tilespmem:s22+$0x16810]  }
0x48f: {  	v2 =	vld [tilespmem:s26+$0x16800];
	v6 =	vadd.f32 v6, v3  }
0x490: {  	v7 =	vadd.f32 v7, v4;
	v4 =	vld [tilespmem:s22+$0x17010]  }
0x491: {  	v3 =	vld [tilespmem:s26+$0x17000];
	v8 =	vadd.f32 v8, v6  }
0x492: {  	s30 =	simm.s32 $0x0;
	s1 =	simm.s32 $0x20;
	v7 =	vadd.f32 v9, v7;
	v6 =	vld [tilespmem:s22+$0x17810]  }
.LBB2_61:
0x493: {  	v9 =	vld [tilespmem:s26+$0x17800];
	s26 =	sand.u32 $0x7E0, s1;
	v5 =	vadd.f32 v5, v8;
	s23 =	sadd.s32 $0x80, s23  }
0x494: {  	v2 =	vadd.f32 v2, v7;
	s2 =	sshra.s32 s23, $0x2;
	v8 =	vld [tilespmem:s26+$0x10800]  }
0x495: {  	s30 =	sadd.s32 $0x2, s30;
	v7 =	vld [tilespmem:s2+$0x10010];
	v4 =	vadd.f32 v4, v5  }
0x496: {  	p1 =	slt.u32 s30, $0x7E;
	v2 =	vadd.f32 v3, v2;
	v5 =	vld [tilespmem:s2+$0x10810]  }
0x497: {  	v3 =	vld [tilespmem:s2+$0x10000];
	v4 =	vadd.f32 v6, v4  }
0x498: {  	v6 =	vld [tilespmem:s2+$0x11010];
	v2 =	vadd.f32 v9, v2  }
0x499: {  	v9 =	vld [tilespmem:s26+$0x11000];
	[tilespmem:s22+$0x18010] =	vst v4  }
0x49a: {  	v4 =	vld [tilespmem:s2+$0x11810];
	[tilespmem:s22+$0x18000] =	vst v2;
	s22 =	smov.u32 s2  }
0x49b: {  	v2 =	vld [tilespmem:s26+$0x11800];
	v5 =	vadd.f32 v5, v7  }
0x49c: {  	v3 =	vadd.f32 v8, v3;
	v7 =	vld [tilespmem:s22+$0x12010]  }
0x49d: {  	v8 =	vld [tilespmem:s26+$0x12000];
	v5 =	vadd.f32 v6, v5  }
0x49e: {  	v3 =	vadd.f32 v9, v3;
	v6 =	vld [tilespmem:s22+$0x12810]  }
0x49f: {  	v9 =	vld [tilespmem:s26+$0x12800];
	v4 =	vadd.f32 v4, v5  }
0x4a0: {  	v2 =	vadd.f32 v2, v3;
	v3 =	vld [tilespmem:s22+$0x13010]  }
0x4a1: {  	v5 =	vld [tilespmem:s26+$0x13000];
	v4 =	vadd.f32 v7, v4  }
0x4a2: {  	v2 =	vadd.f32 v8, v2;
	v7 =	vld [tilespmem:s22+$0x13810]  }
0x4a3: {  	v8 =	vld [tilespmem:s26+$0x13800];
	v4 =	vadd.f32 v6, v4  }
0x4a4: {  	v2 =	vadd.f32 v9, v2;
	v6 =	vld [tilespmem:s22+$0x14010]  }
0x4a5: {  	v9 =	vld [tilespmem:s26+$0x14000];
	v3 =	vadd.f32 v3, v4  }
0x4a6: {  	v2 =	vadd.f32 v5, v2;
	v4 =	vld [tilespmem:s22+$0x14810]  }
0x4a7: {  	v5 =	vld [tilespmem:s26+$0x14800];
	v3 =	vadd.f32 v7, v3  }
0x4a8: {  	v2 =	vadd.f32 v8, v2;
	v7 =	vld [tilespmem:s22+$0x15010]  }
0x4a9: {  	v8 =	vld [tilespmem:s26+$0x15000];
	v3 =	vadd.f32 v6, v3  }
0x4aa: {  	v2 =	vadd.f32 v9, v2;
	v6 =	vld [tilespmem:s22+$0x15810]  }
0x4ab: {  	v9 =	vld [tilespmem:s26+$0x15800];
	v3 =	vadd.f32 v4, v3  }
0x4ac: {  	v2 =	vadd.f32 v5, v2;
	v10 =	vld [tilespmem:s22+$0x16010]  }
0x4ad: {  	v11 =	vld [tilespmem:s26+$0x16000];
	v3 =	vadd.f32 v7, v3  }
.Ltmp32:
0x4ae: {  	v4 =	vadd.f32 v8, v2;
	v5 =	vld [tilespmem:s22+$0x16810];
	(pc) =	sbr.rel @p1 .LBB2_61-.Ltmp32, $4  }
0x4af: {  	v2 =	vld [tilespmem:s26+$0x16800];
	v6 =	vadd.f32 v6, v3  }
0x4b0: {  	v7 =	vadd.f32 v9, v4;
	v4 =	vld [tilespmem:s22+$0x17010]  }
0x4b1: {  	v3 =	vld [tilespmem:s26+$0x17000];
	v8 =	vadd.f32 v10, v6  }
0x4b2: {  	s1 =	sadd.s32 $0x20, s1;
	v7 =	vadd.f32 v11, v7;
	v6 =	vld [tilespmem:s22+$0x17810]  }
.Ltmp33:
0x4b3: {  	_ = 	snop;
	(pc) =	sbr.rel .LBB2_62-.Ltmp33, $1  }
0x4b4: {  	_ =	sdelay $0x3  }
.LBB2_64:
0x4b5: {  	_ =	sfence.sel $0x180000  }
0x4b6: {  	[bflag:$0x0] =	sbarrier.arrive $0xFFFF  }
0x4b7: {  	_ =	strace $0x90000047  }
0x4b8: {  	s0 =	stileid.u32;
	[bflag:$0x2] =	sbarrier.arrive $0xFFFF  }
0x4b9: {  	p0 =	sne.s32 s0, $0x0;
	s0 =	rddreg [dreg:$0x1]  }
0x4ba: {  	s0 =	sadd.s32 @!p0 $0x100000, s0  }
0x4bb: {  	[sflag:s0] =	ssyncadd.tile.s32 @!p0 $0x1;
	_ =	shalt  }
.Lfunc_end2:
_tile_overlayer_lowered:
.L_overlay_start_2:
0x4bc: {  	(tag) =	ssettag $0x2  }
0x4bd: {  	s0 =	rddreg [dreg:$0x0];
	s2 =	stileid.u32  }
0x4be: {  	s1 =	rddreg [dreg:$0x1];
	p0 =	sne.s32 s2, $0x0  }
0x4bf: {  	s3 =	rddreg [dreg:$0x2];
	[bflag:$0x3] =	sbarrier.arrive $0xFFFF;
	s2 =	simm.s32 @!p0 $0x1C03  }
0x4c0: {  	[timem:s3], [sflag:s2] =	dma.local @!p0 [hbm:s0], s1  }
0x4c1: {  	s0 =	simm.s32 @!p0 $0x3  }
0x4c2: {  	_ =	swait.ge @!p0 [sflag:s0], s1  }
0x4c3: {  	s1 =	ssub.s32 @!p0 $0x0, s1;
	[sflag:s0] =	ssyncset.done @!p0 $0x0  }
0x4c4: {  	[sflag:s0] =	ssyncadd.s32 @!p0 s1  }
0x4c5: {  	[bflag:$0x3] =	sbarrier.arrive $0xFFFF  }
0x4c6: {  	_ =	shalt  }

</sc_bundles>
